<compile_context>
chip_gen: v7x
topology: tpu7x:2x2x1
jax: 0.10.2.dev20260603
libtpu: 0.0.44.dev20260713+nightly
codegen_flags: <defaults>
</compile_context>

<pallas_src>
import functools

import jax
import jax.numpy as jnp
from jax import lax
from jax.experimental import pallas as pl
from jax.experimental.pallas import tpu as pltpu
from jax.experimental.pallas import tpu_sc as plsc

NC = 2
NS = 16
NW = NC * NS


def _sc_gather4(uidx, gidx, t_gu, t_gg, t_mu, t_mg):
    B = uidx.shape[0]
    D = t_gu.shape[1]
    bpw = B // NW
    K = 16
    C = bpw // 2

    mesh = plsc.VectorSubcoreMesh(
        core_axis_name="c", subcore_axis_name="s", num_cores=NC,
        num_subcores=NS)

    @functools.partial(
        pl.kernel,
        mesh=mesh,
        compiler_params=pltpu.CompilerParams(use_tc_tiling_on_sc=True),
        out_type=[jax.ShapeDtypeStruct((B, D), jnp.float32)] * 4,
        scratch_types=[
            pltpu.VMEM((bpw,), jnp.int32),
            pltpu.VMEM((bpw,), jnp.int32),
            pltpu.VMEM((C, D), jnp.float32),
            pltpu.VMEM((C, D), jnp.float32),
            pltpu.SemaphoreType.DMA,
            pltpu.SemaphoreType.DMA,
        ],
    )
    def k(uidx_hbm, gidx_hbm, gu_hbm, gg_hbm, mu_hbm, mg_hbm,
          out_gu, out_gg, out_mu, out_mg,
          idxu_v, idxg_v, bgu, bmu, sem_s, sem_d):
        wid = lax.axis_index("s") * NC + lax.axis_index("c")
        base = wid * bpw
        pltpu.sync_copy(uidx_hbm.at[pl.ds(base, bpw)], idxu_v)
        pltpu.sync_copy(gidx_hbm.at[pl.ds(base, bpw)], idxg_v)

        for c0 in (0, C):
            @pl.loop(0, C, step=K)
            def _(r0, c0=c0):
                vg = idxg_v[pl.ds(c0 + r0, K)]
                for j in range(K):
                    ig = vg[j]
                    dst = pl.ds(base + c0 + r0 + j, 1)
                    pltpu.async_copy(gg_hbm.at[pl.ds(ig, 1)],
                                     out_gg.at[dst], sem_d)
                    pltpu.async_copy(mg_hbm.at[pl.ds(ig, 1)],
                                     out_mg.at[dst], sem_d)
                vu = idxu_v[pl.ds(c0 + r0, K)]
                cps = []
                for j in range(K):
                    iu = vu[j]
                    dst = pl.ds(r0 + j, 1)
                    cps.append(pltpu.async_copy(
                        gu_hbm.at[pl.ds(iu, 1)], bgu.at[dst], sem_s))
                    cps.append(pltpu.async_copy(
                        mu_hbm.at[pl.ds(iu, 1)], bmu.at[dst], sem_s))
                for cp in cps:
                    cp.wait()

            rows = pl.ds(base + c0, C)
            pltpu.sync_copy(bgu, out_gu.at[rows])
            pltpu.sync_copy(bmu, out_mu.at[rows])

        pltpu.make_async_copy(
            gg_hbm.at[pl.ds(0, bpw)], out_gg.at[pl.ds(base, bpw)],
            sem_d).wait()
        pltpu.make_async_copy(
            mg_hbm.at[pl.ds(0, bpw)], out_mg.at[pl.ds(base, bpw)],
            sem_d).wait()

    return k(uidx, gidx, t_gu, t_gg, t_mu, t_mg)


def _tc_dense(gu, gg, mu, mg, w1u, w1g, b1, w2, b2, w3, b3, wg, wm, bfc):
    B, D = gu.shape
    blk = 2048

    def body(gu_r, gg_r, mu_r, mg_r, w1u_r, w1g_r, b1_r, w2_r, b2_r,
             w3_r, b3_r, wg_r, wm_r, bfc_r, out_r):
        f32 = jnp.float32
        gcf = jnp.maximum(gu_r[...] * gg_r[...], 0.0)
        h = jnp.dot(mu_r[...], w1u_r[...], preferred_element_type=f32)
        h = h + jnp.dot(mg_r[...], w1g_r[...], preferred_element_type=f32)
        h = jnp.maximum(h + b1_r[...], 0.0)
        h = jnp.maximum(
            jnp.dot(h, w2_r[...], preferred_element_type=f32) + b2_r[...], 0.0)
        h = jnp.maximum(
            jnp.dot(h, w3_r[...], preferred_element_type=f32) + b3_r[...], 0.0)
        out_r[...] = (jnp.dot(gcf, wg_r[...], preferred_element_type=f32)
                      + jnp.dot(h, wm_r[...], preferred_element_type=f32)
                      + bfc_r[...])

    row_spec = pl.BlockSpec((blk, D), lambda i: (i, 0))
    full = lambda a: pl.BlockSpec(a.shape, lambda i: (0,) * a.ndim)
    return pl.pallas_call(
        body,
        grid=(B // blk,),
        in_specs=[row_spec, row_spec, row_spec, row_spec,
                  full(w1u), full(w1g), full(b1), full(w2), full(b2),
                  full(w3), full(b3), full(wg), full(wm), full(bfc)],
        out_specs=pl.BlockSpec((blk, 1), lambda i: (i, 0)),
        out_shape=jax.ShapeDtypeStruct((B, 1), jnp.float32),
    )(gu, gg, mu, mg, w1u, w1g, b1, w2, b2, w3, b3, wg, wm, bfc)


def kernel(user_index, game_index, emb_gcf_user, emb_gcf_game, emb_mlp_user,
           emb_mlp_game, W1, b1, W2, b2, W3, b3, Wfc, bfc):
    D = emb_gcf_user.shape[1]
    uidx = user_index.astype(jnp.int32)
    gidx = game_index.astype(jnp.int32)
    gu, gg, mu, mg = _sc_gather4(uidx, gidx, emb_gcf_user, emb_gcf_game,
                                 emb_mlp_user, emb_mlp_game)
    w1u = W1[:, :D].T
    w1g = W1[:, D:].T
    wg = Wfc[:, :D].T
    wm = Wfc[:, D:].T
    out = _tc_dense(gu, gg, mu, mg, w1u, w1g, b1.reshape(1, -1),
                    W2.T, b2.reshape(1, -1), W3.T, b3.reshape(1, -1),
                    wg, wm, bfc.reshape(1, 1))
    return out

# --- scband reference (transcript-rebuilt; emitter-appended) ---
"""Pipeline reference for scband-ncf-28363964023491 (READ-ONLY COPY).

The authoritative reference and input builder live on the scoring server;
editing this copy changes nothing except your own understanding.
"""

import jax, jax.numpy as jnp
import numpy as np

NUM_USERS = 1000000
NUM_GAMES = 100000
B = 16384
D = 64
# mlp_hidden_layer_sizes -> [2*D, 16, 8, 4] = [128, 16, 8, 4]

def setup_inputs(seed: int = 0) -> dict:
    key = jax.random.key(seed)
    ks = jax.random.split(key, 16)
    inp = {}
    inp['user_index'] = jax.random.randint(ks[0], (B,), 0, NUM_USERS)
    inp['game_index'] = jax.random.randint(ks[1], (B,), 0, NUM_GAMES)
    inp['emb_gcf_user'] = jax.random.normal(ks[2], (NUM_USERS, D), jnp.float32) * 0.02
    inp['emb_gcf_game'] = jax.random.normal(ks[3], (NUM_GAMES, D), jnp.float32) * 0.02
    inp['emb_mlp_user'] = jax.random.normal(ks[4], (NUM_USERS, D), jnp.float32) * 0.02
    inp['emb_mlp_game'] = jax.random.normal(ks[5], (NUM_GAMES, D), jnp.float32) * 0.02
    inp['W1'] = jax.random.normal(ks[6], (16, 128), jnp.float32) * 0.05
    inp['b1'] = jnp.zeros((16,), jnp.float32)
    inp['W2'] = jax.random.normal(ks[7], (8, 16), jnp.float32) * 0.05
    inp['b2'] = jnp.zeros((8,), jnp.float32)
    inp['W3'] = jax.random.normal(ks[8], (4, 8), jnp.float32) * 0.05
    inp['b3'] = jnp.zeros((4,), jnp.float32)
    inp['Wfc'] = jax.random.normal(ks[9], (1, D + 4), jnp.float32) * 0.05
    inp['bfc'] = jnp.zeros((1,), jnp.float32)
    return inp


def reference(user_index, game_index, emb_gcf_user, emb_gcf_game, emb_mlp_user, emb_mlp_game,
              W1, b1, W2, b2, W3, b3, Wfc, bfc):
    # GCF branch: elementwise product of gathered embeddings, then ReLU (model_type='ncf')
    gcf_user = jnp.take(emb_gcf_user, user_index, axis=0)
    gcf_game = jnp.take(emb_gcf_game, game_index, axis=0)
    gcf_vector = jnp.maximum(gcf_user * gcf_game, 0.0)
    # MLP branch: concat gathered embeddings, then Linear+ReLU stack 128->16->8->4
    mlp_user = jnp.take(emb_mlp_user, user_index, axis=0)
    mlp_game = jnp.take(emb_mlp_game, game_index, axis=0)
    mlp_vector = jnp.concatenate([mlp_user, mlp_game], axis=1)
    for W, b in ((W1, b1), (W2, b2), (W3, b3)):
        mlp_vector = jnp.maximum(mlp_vector @ W.T + b, 0.0)
    # NCF head (dropout is identity in eval mode)
    ncf_vector = jnp.concatenate([gcf_vector, mlp_vector], axis=1)
    output = ncf_vector @ Wfc.T + bfc
    return output

if __name__ == "__main__":
    import jax
    _d = setup_inputs()
    print(jax.jit(kernel)(*tuple(_d.values())))

</pallas_src>

<mosaic_0001>
#map = affine_map<(d0, d1) -> (0)>
#map1 = affine_map<(d0, d1) -> (0, 0)>
module attributes {stable_mosaic.version = 14 : i64} {
  func.func @k(%arg0: i32, %arg1: i32, %arg2: memref<16384xi32, #tpu.memory_space<hbm>>, %arg3: memref<16384xi32, #tpu.memory_space<hbm>>, %arg4: memref<1000000x64xf32, #tpu.memory_space<hbm>>, %arg5: memref<100000x64xf32, #tpu.memory_space<hbm>>, %arg6: memref<1000000x64xf32, #tpu.memory_space<hbm>>, %arg7: memref<100000x64xf32, #tpu.memory_space<hbm>>, %arg8: memref<16384x64xf32, #tpu.memory_space<hbm>>, %arg9: memref<16384x64xf32, #tpu.memory_space<hbm>>, %arg10: memref<16384x64xf32, #tpu.memory_space<hbm>>, %arg11: memref<16384x64xf32, #tpu.memory_space<hbm>>, %arg12: memref<512xi32, #tpu.memory_space<vmem>>, %arg13: memref<512xi32, #tpu.memory_space<vmem>>, %arg14: memref<256x64xf32, #tpu.memory_space<vmem>>, %arg15: memref<256x64xf32, #tpu.memory_space<vmem>>, %arg16: memref<!tpu.dma_semaphore, #tpu.memory_space<semaphore_mem>>, %arg17: memref<!tpu.dma_semaphore, #tpu.memory_space<semaphore_mem>>) attributes {dimension_semantics = [#tpu.dimension_semantics<core_parallel>, #tpu.dimension_semantics<subcore_parallel>], iteration_bounds = array<i64: 2, 16>, scalar_prefetch = 0 : i64, scratch_operands = 6 : i64, tpu.core_type = #tpu.core_type<sc_vector_subcore>, window_params = [{transform_indices = #map}, {transform_indices = #map}, {transform_indices = #map1}, {transform_indices = #map1}, {transform_indices = #map1}, {transform_indices = #map1}, {transform_indices = #map1}, {transform_indices = #map1}, {transform_indices = #map1}, {transform_indices = #map1}]} {
    %mul3A = arith.constant 2 : i32
    %mul3A_0 = arith.muli %arg1, %mul3A : i32
    %add3A = arith.addi %mul3A_0, %arg0 : i32
    %mul3A_1 = arith.constant 512 : i32
    %mul3A_2 = arith.muli %add3A, %mul3A_1 : i32
    "tpu.region"() ({
      %run_scoped3A = tpu.sem_alloc : memref<!tpu.dma_semaphore, #tpu.memory_space<semaphore_mem>>
      %dma_start3A = tpu.memref_slice %arg2[%mul3A_2] : memref<16384xi32, #tpu.memory_space<hbm>> -> memref<512xi32, #tpu.memory_space<hbm>>
      %dma_start3A_25 = tpu.memref_slice %arg2[%mul3A_2] : memref<16384xi32, #tpu.memory_space<hbm>> -> memref<512xi32, #tpu.memory_space<hbm>>
      tpu.enqueue_dma source(%dma_start3A_25 : memref<512xi32, #tpu.memory_space<hbm>>) target(%arg12 : memref<512xi32, #tpu.memory_space<vmem>>) target_semaphore(%run_scoped3A : memref<!tpu.dma_semaphore, #tpu.memory_space<semaphore_mem>>)
      %dma_wait3A_26 = tpu.memref_slice %arg2[%mul3A_2] : memref<16384xi32, #tpu.memory_space<hbm>> -> memref<512xi32, #tpu.memory_space<hbm>>
      %dma_wait3A_27 = tpu.memref_slice %arg2[%mul3A_2] : memref<16384xi32, #tpu.memory_space<hbm>> -> memref<512xi32, #tpu.memory_space<hbm>>
      tpu.wait_dma2 semaphore(%run_scoped3A : memref<!tpu.dma_semaphore, #tpu.memory_space<semaphore_mem>>) src(%dma_wait3A_27 : memref<512xi32, #tpu.memory_space<hbm>>) dst(%arg12 : memref<512xi32, #tpu.memory_space<vmem>>)
      tpu.yield
    }) : () -> ()
    "tpu.region"() ({
      %run_scoped3A = tpu.sem_alloc : memref<!tpu.dma_semaphore, #tpu.memory_space<semaphore_mem>>
      %dma_start3A = tpu.memref_slice %arg3[%mul3A_2] : memref<16384xi32, #tpu.memory_space<hbm>> -> memref<512xi32, #tpu.memory_space<hbm>>
      %dma_start3A_25 = tpu.memref_slice %arg3[%mul3A_2] : memref<16384xi32, #tpu.memory_space<hbm>> -> memref<512xi32, #tpu.memory_space<hbm>>
      tpu.enqueue_dma source(%dma_start3A_25 : memref<512xi32, #tpu.memory_space<hbm>>) target(%arg13 : memref<512xi32, #tpu.memory_space<vmem>>) target_semaphore(%run_scoped3A : memref<!tpu.dma_semaphore, #tpu.memory_space<semaphore_mem>>)
      %dma_wait3A_26 = tpu.memref_slice %arg3[%mul3A_2] : memref<16384xi32, #tpu.memory_space<hbm>> -> memref<512xi32, #tpu.memory_space<hbm>>
      %dma_wait3A_27 = tpu.memref_slice %arg3[%mul3A_2] : memref<16384xi32, #tpu.memory_space<hbm>> -> memref<512xi32, #tpu.memory_space<hbm>>
      tpu.wait_dma2 semaphore(%run_scoped3A : memref<!tpu.dma_semaphore, #tpu.memory_space<semaphore_mem>>) src(%dma_wait3A_27 : memref<512xi32, #tpu.memory_space<hbm>>) dst(%arg13 : memref<512xi32, #tpu.memory_space<vmem>>)
      tpu.yield
    }) : () -> ()
    %scan3A = arith.constant 0 : i32
    %scan3A_3 = arith.constant 16 : i32
    %scan3A_4 = arith.addi %scan3A, %scan3A_3 : i32
    %scan3A_5 = arith.constant 1 : i32
    scf.for %scan3A_25 = %scan3A to %scan3A_4 step %scan3A_5  : i32 {
      %mul3A_26 = arith.constant 16 : i32
      %mul3A_27 = arith.muli %scan3A_25, %mul3A_26 : i32
      %add3A_28 = arith.constant 0 : i32
      %add3A_29 = arith.addi %add3A_28, %mul3A_27 : i32
      %add3A_30 = arith.constant 0 : i32
      %add3A_31 = arith.addi %add3A_30, %add3A_29 : i32
      %get3A = arith.index_cast %add3A_31 : i32 to index
      %get3A_32 = tpu.vector_load %arg13[%get3A] {strides = array<i32>} : memref<512xi32, #tpu.memory_space<vmem>>, vector<16xi32>,
      %get3A_33 = vector.shape_cast %get3A_32 : vector<16xi32> to vector<16xi32>
      %slice3A = vector.extract_strided_slice %get3A_33 {offsets = [0], sizes = [1], strides = [1]} : vector<16xi32> to vector<1xi32>
      %squeeze3A = vector.extract %slice3A[0] : i32 from vector<1xi32>
      %add3A_34 = arith.constant 0 : i32
      %add3A_35 = arith.addi %mul3A_2, %add3A_34 : i32
      %add3A_36 = arith.addi %add3A_35, %add3A_29 : i32
      %add3A_37 = arith.constant 0 : i32
      %add3A_38 = arith.addi %add3A_36, %add3A_37 : i32
      %dma_start3A = arith.constant 0 : i32
      %dma_start3A_39 = tpu.memref_slice %arg9[%add3A_38, %dma_start3A] : memref<16384x64xf32, #tpu.memory_space<hbm>> -> memref<1x64xf32, #tpu.memory_space<hbm>>
      %dma_start3A_40 = arith.constant 0 : i32
      %dma_start3A_41 = tpu.memref_slice %arg5[%squeeze3A, %dma_start3A_40] : memref<100000x64xf32, #tpu.memory_space<hbm>> -> memref<1x64xf32, #tpu.memory_space<hbm>>
      tpu.enqueue_dma source(%dma_start3A_41 : memref<1x64xf32, #tpu.memory_space<hbm>>) target(%dma_start3A_39 : memref<1x64xf32, #tpu.memory_space<hbm>>) target_semaphore(%arg17 : memref<!tpu.dma_semaphore, #tpu.memory_space<semaphore_mem>>)
      %dma_start3A_42 = arith.constant 0 : i32
      %dma_start3A_43 = tpu.memref_slice %arg11[%add3A_38, %dma_start3A_42] : memref<16384x64xf32, #tpu.memory_space<hbm>> -> memref<1x64xf32, #tpu.memory_space<hbm>>
      %dma_start3A_44 = arith.constant 0 : i32
      %dma_start3A_45 = tpu.memref_slice %arg7[%squeeze3A, %dma_start3A_44] : memref<100000x64xf32, #tpu.memory_space<hbm>> -> memref<1x64xf32, #tpu.memory_space<hbm>>
      tpu.enqueue_dma source(%dma_start3A_45 : memref<1x64xf32, #tpu.memory_space<hbm>>) target(%dma_start3A_43 : memref<1x64xf32, #tpu.memory_space<hbm>>) target_semaphore(%arg17 : memref<!tpu.dma_semaphore, #tpu.memory_space<semaphore_mem>>)
      %slice3A_46 = vector.extract_strided_slice %get3A_33 {offsets = [1], sizes = [1], strides = [1]} : vector<16xi32> to vector<1xi32>
      %squeeze3A_47 = vector.extract %slice3A_46[0] : i32 from vector<1xi32>
      %add3A_48 = arith.constant 0 : i32
      %add3A_49 = arith.addi %mul3A_2, %add3A_48 : i32
      %add3A_50 = arith.addi %add3A_49, %add3A_29 : i32
      %add3A_51 = arith.constant 1 : i32
      %add3A_52 = arith.addi %add3A_50, %add3A_51 : i32
      %dma_start3A_53 = arith.constant 0 : i32
      %dma_start3A_54 = tpu.memref_slice %arg9[%add3A_52, %dma_start3A_53] : memref<16384x64xf32, #tpu.memory_space<hbm>> -> memref<1x64xf32, #tpu.memory_space<hbm>>
      %dma_start3A_55 = arith.constant 0 : i32
      %dma_start3A_56 = tpu.memref_slice %arg5[%squeeze3A_47, %dma_start3A_55] : memref<100000x64xf32, #tpu.memory_space<hbm>> -> memref<1x64xf32, #tpu.memory_space<hbm>>
      tpu.enqueue_dma source(%dma_start3A_56 : memref<1x64xf32, #tpu.memory_space<hbm>>) target(%dma_start3A_54 : memref<1x64xf32, #tpu.memory_space<hbm>>) target_semaphore(%arg17 : memref<!tpu.dma_semaphore, #tpu.memory_space<semaphore_mem>>)
      %dma_start3A_57 = arith.constant 0 : i32
      %dma_start3A_58 = tpu.memref_slice %arg11[%add3A_52, %dma_start3A_57] : memref<16384x64xf32, #tpu.memory_space<hbm>> -> memref<1x64xf32, #tpu.memory_space<hbm>>
      %dma_start3A_59 = arith.constant 0 : i32
      %dma_start3A_60 = tpu.memref_slice %arg7[%squeeze3A_47, %dma_start3A_59] : memref<100000x64xf32, #tpu.memory_space<hbm>> -> memref<1x64xf32, #tpu.memory_space<hbm>>
      tpu.enqueue_dma source(%dma_start3A_60 : memref<1x64xf32, #tpu.memory_space<hbm>>) target(%dma_start3A_58 : memref<1x64xf32, #tpu.memory_space<hbm>>) target_semaphore(%arg17 : memref<!tpu.dma_semaphore, #tpu.memory_space<semaphore_mem>>)
      %slice3A_61 = vector.extract_strided_slice %get3A_33 {offsets = [2], sizes = [1], strides = [1]} : vector<16xi32> to vector<1xi32>
      %squeeze3A_62 = vector.extract %slice3A_61[0] : i32 from vector<1xi32>
      %add3A_63 = arith.constant 0 : i32
      %add3A_64 = arith.addi %mul3A_2, %add3A_63 : i32
      %add3A_65 = arith.addi %add3A_64, %add3A_29 : i32
      %add3A_66 = arith.constant 2 : i32
      %add3A_67 = arith.addi %add3A_65, %add3A_66 : i32
      %dma_start3A_68 = arith.constant 0 : i32
      %dma_start3A_69 = tpu.memref_slice %arg9[%add3A_67, %dma_start3A_68] : memref<16384x64xf32, #tpu.memory_space<hbm>> -> memref<1x64xf32, #tpu.memory_space<hbm>>
      %dma_start3A_70 = arith.constant 0 : i32
      %dma_start3A_71 = tpu.memref_slice %arg5[%squeeze3A_62, %dma_start3A_70] : memref<100000x64xf32, #tpu.memory_space<hbm>> -> memref<1x64xf32, #tpu.memory_space<hbm>>
      tpu.enqueue_dma source(%dma_start3A_71 : memref<1x64xf32, #tpu.memory_space<hbm>>) target(%dma_start3A_69 : memref<1x64xf32, #tpu.memory_space<hbm>>) target_semaphore(%arg17 : memref<!tpu.dma_semaphore, #tpu.memory_space<semaphore_mem>>)
      %dma_start3A_72 = arith.constant 0 : i32
      %dma_start3A_73 = tpu.memref_slice %arg11[%add3A_67, %dma_start3A_72] : memref<16384x64xf32, #tpu.memory_space<hbm>> -> memref<1x64xf32, #tpu.memory_space<hbm>>
      %dma_start3A_74 = arith.constant 0 : i32
      %dma_start3A_75 = tpu.memref_slice %arg7[%squeeze3A_62, %dma_start3A_74] : memref<100000x64xf32, #tpu.memory_space<hbm>> -> memref<1x64xf32, #tpu.memory_space<hbm>>
      tpu.enqueue_dma source(%dma_start3A_75 : memref<1x64xf32, #tpu.memory_space<hbm>>) target(%dma_start3A_73 : memref<1x64xf32, #tpu.memory_space<hbm>>) target_semaphore(%arg17 : memref<!tpu.dma_semaphore, #tpu.memory_space<semaphore_mem>>)
      %slice3A_76 = vector.extract_strided_slice %get3A_33 {offsets = [3], sizes = [1], strides = [1]} : vector<16xi32> to vector<1xi32>
      %squeeze3A_77 = vector.extract %slice3A_76[0] : i32 from vector<1xi32>
      %add3A_78 = arith.constant 0 : i32
      %add3A_79 = arith.addi %mul3A_2, %add3A_78 : i32
      %add3A_80 = arith.addi %add3A_79, %add3A_29 : i32
      %add3A_81 = arith.constant 3 : i32
      %add3A_82 = arith.addi %add3A_80, %add3A_81 : i32
      %dma_start3A_83 = arith.constant 0 : i32
      %dma_start3A_84 = tpu.memref_slice %arg9[%add3A_82, %dma_start3A_83] : memref<16384x64xf32, #tpu.memory_space<hbm>> -> memref<1x64xf32, #tpu.memory_space<hbm>>
      %dma_start3A_85 = arith.constant 0 : i32
      %dma_start3A_86 = tpu.memref_slice %arg5[%squeeze3A_77, %dma_start3A_85] : memref<100000x64xf32, #tpu.memory_space<hbm>> -> memref<1x64xf32, #tpu.memory_space<hbm>>
      tpu.enqueue_dma source(%dma_start3A_86 : memref<1x64xf32, #tpu.memory_space<hbm>>) target(%dma_start3A_84 : memref<1x64xf32, #tpu.memory_space<hbm>>) target_semaphore(%arg17 : memref<!tpu.dma_semaphore, #tpu.memory_space<semaphore_mem>>)
      %dma_start3A_87 = arith.constant 0 : i32
      %dma_start3A_88 = tpu.memref_slice %arg11[%add3A_82, %dma_start3A_87] : memref<16384x64xf32, #tpu.memory_space<hbm>> -> memref<1x64xf32, #tpu.memory_space<hbm>>
      %dma_start3A_89 = arith.constant 0 : i32
      %dma_start3A_90 = tpu.memref_slice %arg7[%squeeze3A_77, %dma_start3A_89] : memref<100000x64xf32, #tpu.memory_space<hbm>> -> memref<1x64xf32, #tpu.memory_space<hbm>>
      tpu.enqueue_dma source(%dma_start3A_90 : memref<1x64xf32, #tpu.memory_space<hbm>>) target(%dma_start3A_88 : memref<1x64xf32, #tpu.memory_space<hbm>>) target_semaphore(%arg17 : memref<!tpu.dma_semaphore, #tpu.memory_space<semaphore_mem>>)
      %slice3A_91 = vector.extract_strided_slice %get3A_33 {offsets = [4], sizes = [1], strides = [1]} : vector<16xi32> to vector<1xi32>
      %squeeze3A_92 = vector.extract %slice3A_91[0] : i32 from vector<1xi32>
      %add3A_93 = arith.constant 0 : i32
      %add3A_94 = arith.addi %mul3A_2, %add3A_93 : i32
      %add3A_95 = arith.addi %add3A_94, %add3A_29 : i32
      %add3A_96 = arith.constant 4 : i32
      %add3A_97 = arith.addi %add3A_95, %add3A_96 : i32
      %dma_start3A_98 = arith.constant 0 : i32
      %dma_start3A_99 = tpu.memref_slice %arg9[%add3A_97, %dma_start3A_98] : memref<16384x64xf32, #tpu.memory_space<hbm>> -> memref<1x64xf32, #tpu.memory_space<hbm>>
      %dma_start3A_100 = arith.constant 0 : i32
      %dma_start3A_101 = tpu.memref_slice %arg5[%squeeze3A_92, %dma_start3A_100] : memref<100000x64xf32, #tpu.memory_space<hbm>> -> memref<1x64xf32, #tpu.memory_space<hbm>>
      tpu.enqueue_dma source(%dma_start3A_101 : memref<1x64xf32, #tpu.memory_space<hbm>>) target(%dma_start3A_99 : memref<1x64xf32, #tpu.memory_space<hbm>>) target_semaphore(%arg17 : memref<!tpu.dma_semaphore, #tpu.memory_space<semaphore_mem>>)
      %dma_start3A_102 = arith.constant 0 : i32
      %dma_start3A_103 = tpu.memref_slice %arg11[%add3A_97, %dma_start3A_102] : memref<16384x64xf32, #tpu.memory_space<hbm>> -> memref<1x64xf32, #tpu.memory_space<hbm>>
      %dma_start3A_104 = arith.constant 0 : i32
      %dma_start3A_105 = tpu.memref_slice %arg7[%squeeze3A_92, %dma_start3A_104] : memref<100000x64xf32, #tpu.memory_space<hbm>> -> memref<1x64xf32, #tpu.memory_space<hbm>>
      tpu.enqueue_dma source(%dma_start3A_105 : memref<1x64xf32, #tpu.memory_space<hbm>>) target(%dma_start3A_103 : memref<1x64xf32, #tpu.memory_space<hbm>>) target_semaphore(%arg17 : memref<!tpu.dma_semaphore, #tpu.memory_space<semaphore_mem>>)
      %slice3A_106 = vector.extract_strided_slice %get3A_33 {offsets = [5], sizes = [1], strides = [1]} : vector<16xi32> to vector<1xi32>
      %squeeze3A_107 = vector.extract %slice3A_106[0] : i32 from vector<1xi32>
      %add3A_108 = arith.constant 0 : i32
      %add3A_109 = arith.addi %mul3A_2, %add3A_108 : i32
      %add3A_110 = arith.addi %add3A_109, %add3A_29 : i32
      %add3A_111 = arith.constant 5 : i32
      %add3A_112 = arith.addi %add3A_110, %add3A_111 : i32
      %dma_start3A_113 = arith.constant 0 : i32
      %dma_start3A_114 = tpu.memref_slice %arg9[%add3A_112, %dma_start3A_113] : memref<16384x64xf32, #tpu.memory_space<hbm>> -> memref<1x64xf32, #tpu.memory_space<hbm>>
      %dma_start3A_115 = arith.constant 0 : i32
      %dma_start3A_116 = tpu.memref_slice %arg5[%squeeze3A_107, %dma_start3A_115] : memref<100000x64xf32, #tpu.memory_space<hbm>> -> memref<1x64xf32, #tpu.memory_space<hbm>>
      tpu.enqueue_dma source(%dma_start3A_116 : memref<1x64xf32, #tpu.memory_space<hbm>>) target(%dma_start3A_114 : memref<1x64xf32, #tpu.memory_space<hbm>>) target_semaphore(%arg17 : memref<!tpu.dma_semaphore, #tpu.memory_space<semaphore_mem>>)
      %dma_start3A_117 = arith.constant 0 : i32
      %dma_start3A_118 = tpu.memref_slice %arg11[%add3A_112, %dma_start3A_117] : memref<16384x64xf32, #tpu.memory_space<hbm>> -> memref<1x64xf32, #tpu.memory_space<hbm>>
      %dma_start3A_119 = arith.constant 0 : i32
      %dma_start3A_120 = tpu.memref_slice %arg7[%squeeze3A_107, %dma_start3A_119] : memref<100000x64xf32, #tpu.memory_space<hbm>> -> memref<1x64xf32, #tpu.memory_space<hbm>>
      tpu.enqueue_dma source(%dma_start3A_120 : memref<1x64xf32, #tpu.memory_space<hbm>>) target(%dma_start3A_118 : memref<1x64xf32, #tpu.memory_space<hbm>>) target_semaphore(%arg17 : memref<!tpu.dma_semaphore, #tpu.memory_space<semaphore_mem>>)
      %slice3A_121 = vector.extract_strided_slice %get3A_33 {offsets = [6], sizes = [1], strides = [1]} : vector<16xi32> to vector<1xi32>
      %squeeze3A_122 = vector.extract %slice3A_121[0] : i32 from vector<1xi32>
      %add3A_123 = arith.constant 0 : i32
      %add3A_124 = arith.addi %mul3A_2, %add3A_123 : i32
      %add3A_125 = arith.addi %add3A_124, %add3A_29 : i32
      %add3A_126 = arith.constant 6 : i32
      %add3A_127 = arith.addi %add3A_125, %add3A_126 : i32
      %dma_start3A_128 = arith.constant 0 : i32
      %dma_start3A_129 = tpu.memref_slice %arg9[%add3A_127, %dma_start3A_128] : memref<16384x64xf32, #tpu.memory_space<hbm>> -> memref<1x64xf32, #tpu.memory_space<hbm>>
      %dma_start3A_130 = arith.constant 0 : i32
      %dma_start3A_131 = tpu.memref_slice %arg5[%squeeze3A_122, %dma_start3A_130] : memref<100000x64xf32, #tpu.memory_space<hbm>> -> memref<1x64xf32, #tpu.memory_space<hbm>>
      tpu.enqueue_dma source(%dma_start3A_131 : memref<1x64xf32, #tpu.memory_space<hbm>>) target(%dma_start3A_129 : memref<1x64xf32, #tpu.memory_space<hbm>>) target_semaphore(%arg17 : memref<!tpu.dma_semaphore, #tpu.memory_space<semaphore_mem>>)
      %dma_start3A_132 = arith.constant 0 : i32
      %dma_start3A_133 = tpu.memref_slice %arg11[%add3A_127, %dma_start3A_132] : memref<16384x64xf32, #tpu.memory_space<hbm>> -> memref<1x64xf32, #tpu.memory_space<hbm>>
      %dma_start3A_134 = arith.constant 0 : i32
      %dma_start3A_135 = tpu.memref_slice %arg7[%squeeze3A_122, %dma_start3A_134] : memref<100000x64xf32, #tpu.memory_space<hbm>> -> memref<1x64xf32, #tpu.memory_space<hbm>>
      tpu.enqueue_dma source(%dma_start3A_135 : memref<1x64xf32, #tpu.memory_space<hbm>>) target(%dma_start3A_133 : memref<1x64xf32, #tpu.memory_space<hbm>>) target_semaphore(%arg17 : memref<!tpu.dma_semaphore, #tpu.memory_space<semaphore_mem>>)
      %slice3A_136 = vector.extract_strided_slice %get3A_33 {offsets = [7], sizes = [1], strides = [1]} : vector<16xi32> to vector<1xi32>
      %squeeze3A_137 = vector.extract %slice3A_136[0] : i32 from vector<1xi32>
      %add3A_138 = arith.constant 0 : i32
      %add3A_139 = arith.addi %mul3A_2, %add3A_138 : i32
      %add3A_140 = arith.addi %add3A_139, %add3A_29 : i32
      %add3A_141 = arith.constant 7 : i32
      %add3A_142 = arith.addi %add3A_140, %add3A_141 : i32
      %dma_start3A_143 = arith.constant 0 : i32
      %dma_start3A_144 = tpu.memref_slice %arg9[%add3A_142, %dma_start3A_143] : memref<16384x64xf32, #tpu.memory_space<hbm>> -> memref<1x64xf32, #tpu.memory_space<hbm>>
      %dma_start3A_145 = arith.constant 0 : i32
      %dma_start3A_146 = tpu.memref_slice %arg5[%squeeze3A_137, %dma_start3A_145] : memref<100000x64xf32, #tpu.memory_space<hbm>> -> memref<1x64xf32, #tpu.memory_space<hbm>>
      tpu.enqueue_dma source(%dma_start3A_146 : memref<1x64xf32, #tpu.memory_space<hbm>>) target(%dma_start3A_144 : memref<1x64xf32, #tpu.memory_space<hbm>>) target_semaphore(%arg17 : memref<!tpu.dma_semaphore, #tpu.memory_space<semaphore_mem>>)
      %dma_start3A_147 = arith.constant 0 : i32
      %dma_start3A_148 = tpu.memref_slice %arg11[%add3A_142, %dma_start3A_147] : memref<16384x64xf32, #tpu.memory_space<hbm>> -> memref<1x64xf32, #tpu.memory_space<hbm>>
      %dma_start3A_149 = arith.constant 0 : i32
      %dma_start3A_150 = tpu.memref_slice %arg7[%squeeze3A_137, %dma_start3A_149] : memref<100000x64xf32, #tpu.memory_space<hbm>> -> memref<1x64xf32, #tpu.memory_space<hbm>>
      tpu.enqueue_dma source(%dma_start3A_150 : memref<1x64xf32, #tpu.memory_space<hbm>>) target(%dma_start3A_148 : memref<1x64xf32, #tpu.memory_space<hbm>>) target_semaphore(%arg17 : memref<!tpu.dma_semaphore, #tpu.memory_space<semaphore_mem>>)
      %slice3A_151 = vector.extract_strided_slice %get3A_33 {offsets = [8], sizes = [1], strides = [1]} : vector<16xi32> to vector<1xi32>
      %squeeze3A_152 = vector.extract %slice3A_151[0] : i32 from vector<1xi32>
      %add3A_153 = arith.constant 0 : i32
      %add3A_154 = arith.addi %mul3A_2, %add3A_153 : i32
      %add3A_155 = arith.addi %add3A_154, %add3A_29 : i32
      %add3A_156 = arith.constant 8 : i32
      %add3A_157 = arith.addi %add3A_155, %add3A_156 : i32
      %dma_start3A_158 = arith.constant 0 : i32
      %dma_start3A_159 = tpu.memref_slice %arg9[%add3A_157, %dma_start3A_158] : memref<16384x64xf32, #tpu.memory_space<hbm>> -> memref<1x64xf32, #tpu.memory_space<hbm>>
      %dma_start3A_160 = arith.constant 0 : i32
      %dma_start3A_161 = tpu.memref_slice %arg5[%squeeze3A_152, %dma_start3A_160] : memref<100000x64xf32, #tpu.memory_space<hbm>> -> memref<1x64xf32, #tpu.memory_space<hbm>>
      tpu.enqueue_dma source(%dma_start3A_161 : memref<1x64xf32, #tpu.memory_space<hbm>>) target(%dma_start3A_159 : memref<1x64xf32, #tpu.memory_space<hbm>>) target_semaphore(%arg17 : memref<!tpu.dma_semaphore, #tpu.memory_space<semaphore_mem>>)
      %dma_start3A_162 = arith.constant 0 : i32
      %dma_start3A_163 = tpu.memref_slice %arg11[%add3A_157, %dma_start3A_162] : memref<16384x64xf32, #tpu.memory_space<hbm>> -> memref<1x64xf32, #tpu.memory_space<hbm>>
      %dma_start3A_164 = arith.constant 0 : i32
      %dma_start3A_165 = tpu.memref_slice %arg7[%squeeze3A_152, %dma_start3A_164] : memref<100000x64xf32, #tpu.memory_space<hbm>> -> memref<1x64xf32, #tpu.memory_space<hbm>>
      tpu.enqueue_dma source(%dma_start3A_165 : memref<1x64xf32, #tpu.memory_space<hbm>>) target(%dma_start3A_163 : memref<1x64xf32, #tpu.memory_space<hbm>>) target_semaphore(%arg17 : memref<!tpu.dma_semaphore, #tpu.memory_space<semaphore_mem>>)
      %slice3A_166 = vector.extract_strided_slice %get3A_33 {offsets = [9], sizes = [1], strides = [1]} : vector<16xi32> to vector<1xi32>
      %squeeze3A_167 = vector.extract %slice3A_166[0] : i32 from vector<1xi32>
      %add3A_168 = arith.constant 0 : i32
      %add3A_169 = arith.addi %mul3A_2, %add3A_168 : i32
      %add3A_170 = arith.addi %add3A_169, %add3A_29 : i32
      %add3A_171 = arith.constant 9 : i32
      %add3A_172 = arith.addi %add3A_170, %add3A_171 : i32
      %dma_start3A_173 = arith.constant 0 : i32
      %dma_start3A_174 = tpu.memref_slice %arg9[%add3A_172, %dma_start3A_173] : memref<16384x64xf32, #tpu.memory_space<hbm>> -> memref<1x64xf32, #tpu.memory_space<hbm>>
      %dma_start3A_175 = arith.constant 0 : i32
      %dma_start3A_176 = tpu.memref_slice %arg5[%squeeze3A_167, %dma_start3A_175] : memref<100000x64xf32, #tpu.memory_space<hbm>> -> memref<1x64xf32, #tpu.memory_space<hbm>>
      tpu.enqueue_dma source(%dma_start3A_176 : memref<1x64xf32, #tpu.memory_space<hbm>>) target(%dma_start3A_174 : memref<1x64xf32, #tpu.memory_space<hbm>>) target_semaphore(%arg17 : memref<!tpu.dma_semaphore, #tpu.memory_space<semaphore_mem>>)
      %dma_start3A_177 = arith.constant 0 : i32
      %dma_start3A_178 = tpu.memref_slice %arg11[%add3A_172, %dma_start3A_177] : memref<16384x64xf32, #tpu.memory_space<hbm>> -> memref<1x64xf32, #tpu.memory_space<hbm>>
      %dma_start3A_179 = arith.constant 0 : i32
      %dma_start3A_180 = tpu.memref_slice %arg7[%squeeze3A_167, %dma_start3A_179] : memref<100000x64xf32, #tpu.memory_space<hbm>> -> memref<1x64xf32, #tpu.memory_space<hbm>>
      tpu.enqueue_dma source(%dma_start3A_180 : memref<1x64xf32, #tpu.memory_space<hbm>>) target(%dma_start3A_178 : memref<1x64xf32, #tpu.memory_space<hbm>>) target_semaphore(%arg17 : memref<!tpu.dma_semaphore, #tpu.memory_space<semaphore_mem>>)
      %slice3A_181 = vector.extract_strided_slice %get3A_33 {offsets = [10], sizes = [1], strides = [1]} : vector<16xi32> to vector<1xi32>
      %squeeze3A_182 = vector.extract %slice3A_181[0] : i32 from vector<1xi32>
      %add3A_183 = arith.constant 0 : i32
      %add3A_184 = arith.addi %mul3A_2, %add3A_183 : i32
      %add3A_185 = arith.addi %add3A_184, %add3A_29 : i32
      %add3A_186 = arith.constant 10 : i32
      %add3A_187 = arith.addi %add3A_185, %add3A_186 : i32
      %dma_start3A_188 = arith.constant 0 : i32
      %dma_start3A_189 = tpu.memref_slice %arg9[%add3A_187, %dma_start3A_188] : memref<16384x64xf32, #tpu.memory_space<hbm>> -> memref<1x64xf32, #tpu.memory_space<hbm>>
      %dma_start3A_190 = arith.constant 0 : i32
      %dma_start3A_191 = tpu.memref_slice %arg5[%squeeze3A_182, %dma_start3A_190] : memref<100000x64xf32, #tpu.memory_space<hbm>> -> memref<1x64xf32, #tpu.memory_space<hbm>>
      tpu.enqueue_dma source(%dma_start3A_191 : memref<1x64xf32, #tpu.memory_space<hbm>>) target(%dma_start3A_189 : memref<1x64xf32, #tpu.memory_space<hbm>>) target_semaphore(%arg17 : memref<!tpu.dma_semaphore, #tpu.memory_space<semaphore_mem>>)
      %dma_start3A_192 = arith.constant 0 : i32
      %dma_start3A_193 = tpu.memref_slice %arg11[%add3A_187, %dma_start3A_192] : memref<16384x64xf32, #tpu.memory_space<hbm>> -> memref<1x64xf32, #tpu.memory_space<hbm>>
      %dma_start3A_194 = arith.constant 0 : i32
      %dma_start3A_195 = tpu.memref_slice %arg7[%squeeze3A_182, %dma_start3A_194] : memref<100000x64xf32, #tpu.memory_space<hbm>> -> memref<1x64xf32, #tpu.memory_space<hbm>>
      tpu.enqueue_dma source(%dma_start3A_195 : memref<1x64xf32, #tpu.memory_space<hbm>>) target(%dma_start3A_193 : memref<1x64xf32, #tpu.memory_space<hbm>>) target_semaphore(%arg17 : memref<!tpu.dma_semaphore, #tpu.memory_space<semaphore_mem>>)
      %slice3A_196 = vector.extract_strided_slice %get3A_33 {offsets = [11], sizes = [1], strides = [1]} : vector<16xi32> to vector<1xi32>
      %squeeze3A_197 = vector.extract %slice3A_196[0] : i32 from vector<1xi32>
      %add3A_198 = arith.constant 0 : i32
      %add3A_199 = arith.addi %mul3A_2, %add3A_198 : i32
      %add3A_200 = arith.addi %add3A_199, %add3A_29 : i32
      %add3A_201 = arith.constant 11 : i32
      %add3A_202 = arith.addi %add3A_200, %add3A_201 : i32
      %dma_start3A_203 = arith.constant 0 : i32
      %dma_start3A_204 = tpu.memref_slice %arg9[%add3A_202, %dma_start3A_203] : memref<16384x64xf32, #tpu.memory_space<hbm>> -> memref<1x64xf32, #tpu.memory_space<hbm>>
      %dma_start3A_205 = arith.constant 0 : i32
      %dma_start3A_206 = tpu.memref_slice %arg5[%squeeze3A_197, %dma_start3A_205] : memref<100000x64xf32, #tpu.memory_space<hbm>> -> memref<1x64xf32, #tpu.memory_space<hbm>>
      tpu.enqueue_dma source(%dma_start3A_206 : memref<1x64xf32, #tpu.memory_space<hbm>>) target(%dma_start3A_204 : memref<1x64xf32, #tpu.memory_space<hbm>>) target_semaphore(%arg17 : memref<!tpu.dma_semaphore, #tpu.memory_space<semaphore_mem>>)
      %dma_start3A_207 = arith.constant 0 : i32
      %dma_start3A_208 = tpu.memref_slice %arg11[%add3A_202, %dma_start3A_207] : memref<16384x64xf32, #tpu.memory_space<hbm>> -> memref<1x64xf32, #tpu.memory_space<hbm>>
      %dma_start3A_209 = arith.constant 0 : i32
      %dma_start3A_210 = tpu.memref_slice %arg7[%squeeze3A_197, %dma_start3A_209] : memref<100000x64xf32, #tpu.memory_space<hbm>> -> memref<1x64xf32, #tpu.memory_space<hbm>>
      tpu.enqueue_dma source(%dma_start3A_210 : memref<1x64xf32, #tpu.memory_space<hbm>>) target(%dma_start3A_208 : memref<1x64xf32, #tpu.memory_space<hbm>>) target_semaphore(%arg17 : memref<!tpu.dma_semaphore, #tpu.memory_space<semaphore_mem>>)
      %slice3A_211 = vector.extract_strided_slice %get3A_33 {offsets = [12], sizes = [1], strides = [1]} : vector<16xi32> to vector<1xi32>
      %squeeze3A_212 = vector.extract %slice3A_211[0] : i32 from vector<1xi32>
      %add3A_213 = arith.constant 0 : i32
      %add3A_214 = arith.addi %mul3A_2, %add3A_213 : i32
      %add3A_215 = arith.addi %add3A_214, %add3A_29 : i32
      %add3A_216 = arith.constant 12 : i32
      %add3A_217 = arith.addi %add3A_215, %add3A_216 : i32
      %dma_start3A_218 = arith.constant 0 : i32
      %dma_start3A_219 = tpu.memref_slice %arg9[%add3A_217, %dma_start3A_218] : memref<16384x64xf32, #tpu.memory_space<hbm>> -> memref<1x64xf32, #tpu.memory_space<hbm>>
      %dma_start3A_220 = arith.constant 0 : i32
      %dma_start3A_221 = tpu.memref_slice %arg5[%squeeze3A_212, %dma_start3A_220] : memref<100000x64xf32, #tpu.memory_space<hbm>> -> memref<1x64xf32, #tpu.memory_space<hbm>>
      tpu.enqueue_dma source(%dma_start3A_221 : memref<1x64xf32, #tpu.memory_space<hbm>>) target(%dma_start3A_219 : memref<1x64xf32, #tpu.memory_space<hbm>>) target_semaphore(%arg17 : memref<!tpu.dma_semaphore, #tpu.memory_space<semaphore_mem>>)
      %dma_start3A_222 = arith.constant 0 : i32
      %dma_start3A_223 = tpu.memref_slice %arg11[%add3A_217, %dma_start3A_222] : memref<16384x64xf32, #tpu.memory_space<hbm>> -> memref<1x64xf32, #tpu.memory_space<hbm>>
      %dma_start3A_224 = arith.constant 0 : i32
      %dma_start3A_225 = tpu.memref_slice %arg7[%squeeze3A_212, %dma_start3A_224] : memref<100000x64xf32, #tpu.memory_space<hbm>> -> memref<1x64xf32, #tpu.memory_space<hbm>>
      tpu.enqueue_dma source(%dma_start3A_225 : memref<1x64xf32, #tpu.memory_space<hbm>>) target(%dma_start3A_223 : memref<1x64xf32, #tpu.memory_space<hbm>>) target_semaphore(%arg17 : memref<!tpu.dma_semaphore, #tpu.memory_space<semaphore_mem>>)
      %slice3A_226 = vector.extract_strided_slice %get3A_33 {offsets = [13], sizes = [1], strides = [1]} : vector<16xi32> to vector<1xi32>
      %squeeze3A_227 = vector.extract %slice3A_226[0] : i32 from vector<1xi32>
      %add3A_228 = arith.constant 0 : i32
      %add3A_229 = arith.addi %mul3A_2, %add3A_228 : i32
      %add3A_230 = arith.addi %add3A_229, %add3A_29 : i32
      %add3A_231 = arith.constant 13 : i32
      %add3A_232 = arith.addi %add3A_230, %add3A_231 : i32
      %dma_start3A_233 = arith.constant 0 : i32
      %dma_start3A_234 = tpu.memref_slice %arg9[%add3A_232, %dma_start3A_233] : memref<16384x64xf32, #tpu.memory_space<hbm>> -> memref<1x64xf32, #tpu.memory_space<hbm>>
      %dma_start3A_235 = arith.constant 0 : i32
      %dma_start3A_236 = tpu.memref_slice %arg5[%squeeze3A_227, %dma_start3A_235] : memref<100000x64xf32, #tpu.memory_space<hbm>> -> memref<1x64xf32, #tpu.memory_space<hbm>>
      tpu.enqueue_dma source(%dma_start3A_236 : memref<1x64xf32, #tpu.memory_space<hbm>>) target(%dma_start3A_234 : memref<1x64xf32, #tpu.memory_space<hbm>>) target_semaphore(%arg17 : memref<!tpu.dma_semaphore, #tpu.memory_space<semaphore_mem>>)
      %dma_start3A_237 = arith.constant 0 : i32
      %dma_start3A_238 = tpu.memref_slice %arg11[%add3A_232, %dma_start3A_237] : memref<16384x64xf32, #tpu.memory_space<hbm>> -> memref<1x64xf32, #tpu.memory_space<hbm>>
      %dma_start3A_239 = arith.constant 0 : i32
      %dma_start3A_240 = tpu.memref_slice %arg7[%squeeze3A_227, %dma_start3A_239] : memref<100000x64xf32, #tpu.memory_space<hbm>> -> memref<1x64xf32, #tpu.memory_space<hbm>>
      tpu.enqueue_dma source(%dma_start3A_240 : memref<1x64xf32, #tpu.memory_space<hbm>>) target(%dma_start3A_238 : memref<1x64xf32, #tpu.memory_space<hbm>>) target_semaphore(%arg17 : memref<!tpu.dma_semaphore, #tpu.memory_space<semaphore_mem>>)
      %slice3A_241 = vector.extract_strided_slice %get3A_33 {offsets = [14], sizes = [1], strides = [1]} : vector<16xi32> to vector<1xi32>
      %squeeze3A_242 = vector.extract %slice3A_241[0] : i32 from vector<1xi32>
      %add3A_243 = arith.constant 0 : i32
      %add3A_244 = arith.addi %mul3A_2, %add3A_243 : i32
      %add3A_245 = arith.addi %add3A_244, %add3A_29 : i32
      %add3A_246 = arith.constant 14 : i32
      %add3A_247 = arith.addi %add3A_245, %add3A_246 : i32
      %dma_start3A_248 = arith.constant 0 : i32
      %dma_start3A_249 = tpu.memref_slice %arg9[%add3A_247, %dma_start3A_248] : memref<16384x64xf32, #tpu.memory_space<hbm>> -> memref<1x64xf32, #tpu.memory_space<hbm>>
      %dma_start3A_250 = arith.constant 0 : i32
      %dma_start3A_251 = tpu.memref_slice %arg5[%squeeze3A_242, %dma_start3A_250] : memref<100000x64xf32, #tpu.memory_space<hbm>> -> memref<1x64xf32, #tpu.memory_space<hbm>>
      tpu.enqueue_dma source(%dma_start3A_251 : memref<1x64xf32, #tpu.memory_space<hbm>>) target(%dma_start3A_249 : memref<1x64xf32, #tpu.memory_space<hbm>>) target_semaphore(%arg17 : memref<!tpu.dma_semaphore, #tpu.memory_space<semaphore_mem>>)
      %dma_start3A_252 = arith.constant 0 : i32
      %dma_start3A_253 = tpu.memref_slice %arg11[%add3A_247, %dma_start3A_252] : memref<16384x64xf32, #tpu.memory_space<hbm>> -> memref<1x64xf32, #tpu.memory_space<hbm>>
      %dma_start3A_254 = arith.constant 0 : i32
      %dma_start3A_255 = tpu.memref_slice %arg7[%squeeze3A_242, %dma_start3A_254] : memref<100000x64xf32, #tpu.memory_space<hbm>> -> memref<1x64xf32, #tpu.memory_space<hbm>>
      tpu.enqueue_dma source(%dma_start3A_255 : memref<1x64xf32, #tpu.memory_space<hbm>>) target(%dma_start3A_253 : memref<1x64xf32, #tpu.memory_space<hbm>>) target_semaphore(%arg17 : memref<!tpu.dma_semaphore, #tpu.memory_space<semaphore_mem>>)
      %slice3A_256 = vector.extract_strided_slice %get3A_33 {offsets = [15], sizes = [1], strides = [1]} : vector<16xi32> to vector<1xi32>
      %squeeze3A_257 = vector.extract %slice3A_256[0] : i32 from vector<1xi32>
      %add3A_258 = arith.constant 0 : i32
      %add3A_259 = arith.addi %mul3A_2, %add3A_258 : i32
      %add3A_260 = arith.addi %add3A_259, %add3A_29 : i32
      %add3A_261 = arith.constant 15 : i32
      %add3A_262 = arith.addi %add3A_260, %add3A_261 : i32
      %dma_start3A_263 = arith.constant 0 : i32
      %dma_start3A_264 = tpu.memref_slice %arg9[%add3A_262, %dma_start3A_263] : memref<16384x64xf32, #tpu.memory_space<hbm>> -> memref<1x64xf32, #tpu.memory_space<hbm>>
      %dma_start3A_265 = arith.constant 0 : i32
      %dma_start3A_266 = tpu.memref_slice %arg5[%squeeze3A_257, %dma_start3A_265] : memref<100000x64xf32, #tpu.memory_space<hbm>> -> memref<1x64xf32, #tpu.memory_space<hbm>>
      tpu.enqueue_dma source(%dma_start3A_266 : memref<1x64xf32, #tpu.memory_space<hbm>>) target(%dma_start3A_264 : memref<1x64xf32, #tpu.memory_space<hbm>>) target_semaphore(%arg17 : memref<!tpu.dma_semaphore, #tpu.memory_space<semaphore_mem>>)
      %dma_start3A_267 = arith.constant 0 : i32
      %dma_start3A_268 = tpu.memref_slice %arg11[%add3A_262, %dma_start3A_267] : memref<16384x64xf32, #tpu.memory_space<hbm>> -> memref<1x64xf32, #tpu.memory_space<hbm>>
      %dma_start3A_269 = arith.constant 0 : i32
      %dma_start3A_270 = tpu.memref_slice %arg7[%squeeze3A_257, %dma_start3A_269] : memref<100000x64xf32, #tpu.memory_space<hbm>> -> memref<1x64xf32, #tpu.memory_space<hbm>>
      tpu.enqueue_dma source(%dma_start3A_270 : memref<1x64xf32, #tpu.memory_space<hbm>>) target(%dma_start3A_268 : memref<1x64xf32, #tpu.memory_space<hbm>>) target_semaphore(%arg17 : memref<!tpu.dma_semaphore, #tpu.memory_space<semaphore_mem>>)
      %add3A_271 = arith.constant 0 : i32
      %add3A_272 = arith.addi %add3A_271, %add3A_29 : i32
      %get3A_273 = arith.index_cast %add3A_272 : i32 to index
      %get3A_274 = tpu.vector_load %arg12[%get3A_273] {strides = array<i32>} : memref<512xi32, #tpu.memory_space<vmem>>, vector<16xi32>,
      %get3A_275 = vector.shape_cast %get3A_274 : vector<16xi32> to vector<16xi32>
      %slice3A_276 = vector.extract_strided_slice %get3A_275 {offsets = [0], sizes = [1], strides = [1]} : vector<16xi32> to vector<1xi32>
      %squeeze3A_277 = vector.extract %slice3A_276[0] : i32 from vector<1xi32>
      %add3A_278 = arith.constant 0 : i32
      %add3A_279 = arith.addi %add3A_29, %add3A_278 : i32
      %dma_start3A_280 = arith.constant 0 : i32
      %dma_start3A_281 = tpu.memref_slice %arg14[%add3A_279, %dma_start3A_280] : memref<256x64xf32, #tpu.memory_space<vmem>> -> memref<1x64xf32, #tpu.memory_space<vmem>>
      %dma_start3A_282 = arith.constant 0 : i32
      %dma_start3A_283 = tpu.memref_slice %arg4[%squeeze3A_277, %dma_start3A_282] : memref<1000000x64xf32, #tpu.memory_space<hbm>> -> memref<1x64xf32, #tpu.memory_space<hbm>>
      %dma_start3A_284 = arith.constant 0 : i32
      %dma_start3A_285 = tpu.memref_slice %arg14[%add3A_279, %dma_start3A_284] : memref<256x64xf32, #tpu.memory_space<vmem>> -> memref<1x64xf32, #tpu.memory_space<vmem>>
      %dma_start3A_286 = arith.constant 0 : i32
      %dma_start3A_287 = tpu.memref_slice %arg4[%squeeze3A_277, %dma_start3A_286] : memref<1000000x64xf32, #tpu.memory_space<hbm>> -> memref<1x64xf32, #tpu.memory_space<hbm>>
      tpu.enqueue_dma source(%dma_start3A_287 : memref<1x64xf32, #tpu.memory_space<hbm>>) target(%dma_start3A_285 : memref<1x64xf32, #tpu.memory_space<vmem>>) target_semaphore(%arg16 : memref<!tpu.dma_semaphore, #tpu.memory_space<semaphore_mem>>)
      %dma_start3A_288 = arith.constant 0 : i32
      %dma_start3A_289 = tpu.memref_slice %arg15[%add3A_279, %dma_start3A_288] : memref<256x64xf32, #tpu.memory_space<vmem>> -> memref<1x64xf32, #tpu.memory_space<vmem>>
      %dma_start3A_290 = arith.constant 0 : i32
      %dma_start3A_291 = tpu.memref_slice %arg6[%squeeze3A_277, %dma_start3A_290] : memref<1000000x64xf32, #tpu.memory_space<hbm>> -> memref<1x64xf32, #tpu.memory_space<hbm>>
      %dma_start3A_292 = arith.constant 0 : i32
      %dma_start3A_293 = tpu.memref_slice %arg15[%add3A_279, %dma_start3A_292] : memref<256x64xf32, #tpu.memory_space<vmem>> -> memref<1x64xf32, #tpu.memory_space<vmem>>
      %dma_start3A_294 = arith.constant 0 : i32
      %dma_start3A_295 = tpu.memref_slice %arg6[%squeeze3A_277, %dma_start3A_294] : memref<1000000x64xf32, #tpu.memory_space<hbm>> -> memref<1x64xf32, #tpu.memory_space<hbm>>
      tpu.enqueue_dma source(%dma_start3A_295 : memref<1x64xf32, #tpu.memory_space<hbm>>) target(%dma_start3A_293 : memref<1x64xf32, #tpu.memory_space<vmem>>) target_semaphore(%arg16 : memref<!tpu.dma_semaphore, #tpu.memory_space<semaphore_mem>>)
      %slice3A_296 = vector.extract_strided_slice %get3A_275 {offsets = [1], sizes = [1], strides = [1]} : vector<16xi32> to vector<1xi32>
      %squeeze3A_297 = vector.extract %slice3A_296[0] : i32 from vector<1xi32>
      %add3A_298 = arith.constant 1 : i32
      %add3A_299 = arith.addi %add3A_29, %add3A_298 : i32
      %dma_start3A_300 = arith.constant 0 : i32
      %dma_start3A_301 = tpu.memref_slice %arg14[%add3A_299, %dma_start3A_300] : memref<256x64xf32, #tpu.memory_space<vmem>> -> memref<1x64xf32, #tpu.memory_space<vmem>>
      %dma_start3A_302 = arith.constant 0 : i32
      %dma_start3A_303 = tpu.memref_slice %arg4[%squeeze3A_297, %dma_start3A_302] : memref<1000000x64xf32, #tpu.memory_space<hbm>> -> memref<1x64xf32, #tpu.memory_space<hbm>>
      %dma_start3A_304 = arith.constant 0 : i32
      %dma_start3A_305 = tpu.memref_slice %arg14[%add3A_299, %dma_start3A_304] : memref<256x64xf32, #tpu.memory_space<vmem>> -> memref<1x64xf32, #tpu.memory_space<vmem>>
      %dma_start3A_306 = arith.constant 0 : i32
      %dma_start3A_307 = tpu.memref_slice %arg4[%squeeze3A_297, %dma_start3A_306] : memref<1000000x64xf32, #tpu.memory_space<hbm>> -> memref<1x64xf32, #tpu.memory_space<hbm>>
      tpu.enqueue_dma source(%dma_start3A_307 : memref<1x64xf32, #tpu.memory_space<hbm>>) target(%dma_start3A_305 : memref<1x64xf32, #tpu.memory_space<vmem>>) target_semaphore(%arg16 : memref<!tpu.dma_semaphore, #tpu.memory_space<semaphore_mem>>)
      %dma_start3A_308 = arith.constant 0 : i32
      %dma_start3A_309 = tpu.memref_slice %arg15[%add3A_299, %dma_start3A_308] : memref<256x64xf32, #tpu.memory_space<vmem>> -> memref<1x64xf32, #tpu.memory_space<vmem>>
      %dma_start3A_310 = arith.constant 0 : i32
      %dma_start3A_311 = tpu.memref_slice %arg6[%squeeze3A_297, %dma_start3A_310] : memref<1000000x64xf32, #tpu.memory_space<hbm>> -> memref<1x64xf32, #tpu.memory_space<hbm>>
      %dma_start3A_312 = arith.constant 0 : i32
      %dma_start3A_313 = tpu.memref_slice %arg15[%add3A_299, %dma_start3A_312] : memref<256x64xf32, #tpu.memory_space<vmem>> -> memref<1x64xf32, #tpu.memory_space<vmem>>
      %dma_start3A_314 = arith.constant 0 : i32
      %dma_start3A_315 = tpu.memref_slice %arg6[%squeeze3A_297, %dma_start3A_314] : memref<1000000x64xf32, #tpu.memory_space<hbm>> -> memref<1x64xf32, #tpu.memory_space<hbm>>
      tpu.enqueue_dma source(%dma_start3A_315 : memref<1x64xf32, #tpu.memory_space<hbm>>) target(%dma_start3A_313 : memref<1x64xf32, #tpu.memory_space<vmem>>) target_semaphore(%arg16 : memref<!tpu.dma_semaphore, #tpu.memory_space<semaphore_mem>>)
      %slice3A_316 = vector.extract_strided_slice %get3A_275 {offsets = [2], sizes = [1], strides = [1]} : vector<16xi32> to vector<1xi32>
      %squeeze3A_317 = vector.extract %slice3A_316[0] : i32 from vector<1xi32>
      %add3A_318 = arith.constant 2 : i32
      %add3A_319 = arith.addi %add3A_29, %add3A_318 : i32
      %dma_start3A_320 = arith.constant 0 : i32
      %dma_start3A_321 = tpu.memref_slice %arg14[%add3A_319, %dma_start3A_320] : memref<256x64xf32, #tpu.memory_space<vmem>> -> memref<1x64xf32, #tpu.memory_space<vmem>>
      %dma_start3A_322 = arith.constant 0 : i32
      %dma_start3A_323 = tpu.memref_slice %arg4[%squeeze3A_317, %dma_start3A_322] : memref<1000000x64xf32, #tpu.memory_space<hbm>> -> memref<1x64xf32, #tpu.memory_space<hbm>>
      %dma_start3A_324 = arith.constant 0 : i32
      %dma_start3A_325 = tpu.memref_slice %arg14[%add3A_319, %dma_start3A_324] : memref<256x64xf32, #tpu.memory_space<vmem>> -> memref<1x64xf32, #tpu.memory_space<vmem>>
      %dma_start3A_326 = arith.constant 0 : i32
      %dma_start3A_327 = tpu.memref_slice %arg4[%squeeze3A_317, %dma_start3A_326] : memref<1000000x64xf32, #tpu.memory_space<hbm>> -> memref<1x64xf32, #tpu.memory_space<hbm>>
      tpu.enqueue_dma source(%dma_start3A_327 : memref<1x64xf32, #tpu.memory_space<hbm>>) target(%dma_start3A_325 : memref<1x64xf32, #tpu.memory_space<vmem>>) target_semaphore(%arg16 : memref<!tpu.dma_semaphore, #tpu.memory_space<semaphore_mem>>)
      %dma_start3A_328 = arith.constant 0 : i32
      %dma_start3A_329 = tpu.memref_slice %arg15[%add3A_319, %dma_start3A_328] : memref<256x64xf32, #tpu.memory_space<vmem>> -> memref<1x64xf32, #tpu.memory_space<vmem>>
      %dma_start3A_330 = arith.constant 0 : i32
      %dma_start3A_331 = tpu.memref_slice %arg6[%squeeze3A_317, %dma_start3A_330] : memref<1000000x64xf32, #tpu.memory_space<hbm>> -> memref<1x64xf32, #tpu.memory_space<hbm>>
      %dma_start3A_332 = arith.constant 0 : i32
      %dma_start3A_333 = tpu.memref_slice %arg15[%add3A_319, %dma_start3A_332] : memref<256x64xf32, #tpu.memory_space<vmem>> -> memref<1x64xf32, #tpu.memory_space<vmem>>
      %dma_start3A_334 = arith.constant 0 : i32
      %dma_start3A_335 = tpu.memref_slice %arg6[%squeeze3A_317, %dma_start3A_334] : memref<1000000x64xf32, #tpu.memory_space<hbm>> -> memref<1x64xf32, #tpu.memory_space<hbm>>
      tpu.enqueue_dma source(%dma_start3A_335 : memref<1x64xf32, #tpu.memory_space<hbm>>) target(%dma_start3A_333 : memref<1x64xf32, #tpu.memory_space<vmem>>) target_semaphore(%arg16 : memref<!tpu.dma_semaphore, #tpu.memory_space<semaphore_mem>>)
      %slice3A_336 = vector.extract_strided_slice %get3A_275 {offsets = [3], sizes = [1], strides = [1]} : vector<16xi32> to vector<1xi32>
      %squeeze3A_337 = vector.extract %slice3A_336[0] : i32 from vector<1xi32>
      %add3A_338 = arith.constant 3 : i32
      %add3A_339 = arith.addi %add3A_29, %add3A_338 : i32
      %dma_start3A_340 = arith.constant 0 : i32
      %dma_start3A_341 = tpu.memref_slice %arg14[%add3A_339, %dma_start3A_340] : memref<256x64xf32, #tpu.memory_space<vmem>> -> memref<1x64xf32, #tpu.memory_space<vmem>>
      %dma_start3A_342 = arith.constant 0 : i32
      %dma_start3A_343 = tpu.memref_slice %arg4[%squeeze3A_337, %dma_start3A_342] : memref<1000000x64xf32, #tpu.memory_space<hbm>> -> memref<1x64xf32, #tpu.memory_space<hbm>>
      %dma_start3A_344 = arith.constant 0 : i32
      %dma_start3A_345 = tpu.memref_slice %arg14[%add3A_339, %dma_start3A_344] : memref<256x64xf32, #tpu.memory_space<vmem>> -> memref<1x64xf32, #tpu.memory_space<vmem>>
      %dma_start3A_346 = arith.constant 0 : i32
      %dma_start3A_347 = tpu.memref_slice %arg4[%squeeze3A_337, %dma_start3A_346] : memref<1000000x64xf32, #tpu.memory_space<hbm>> -> memref<1x64xf32, #tpu.memory_space<hbm>>
      tpu.enqueue_dma source(%dma_start3A_347 : memref<1x64xf32, #tpu.memory_space<hbm>>) target(%dma_start3A_345 : memref<1x64xf32, #tpu.memory_space<vmem>>) target_semaphore(%arg16 : memref<!tpu.dma_semaphore, #tpu.memory_space<semaphore_mem>>)
      %dma_start3A_348 = arith.constant 0 : i32
      %dma_start3A_349 = tpu.memref_slice %arg15[%add3A_339, %dma_start3A_348] : memref<256x64xf32, #tpu.memory_space<vmem>> -> memref<1x64xf32, #tpu.memory_space<vmem>>
      %dma_start3A_350 = arith.constant 0 : i32
      %dma_start3A_351 = tpu.memref_slice %arg6[%squeeze3A_337, %dma_start3A_350] : memref<1000000x64xf32, #tpu.memory_space<hbm>> -> memref<1x64xf32, #tpu.memory_space<hbm>>
      %dma_start3A_352 = arith.constant 0 : i32
      %dma_start3A_353 = tpu.memref_slice %arg15[%add3A_339, %dma_start3A_352] : memref<256x64xf32, #tpu.memory_space<vmem>> -> memref<1x64xf32, #tpu.memory_space<vmem>>
      %dma_start3A_354 = arith.constant 0 : i32
      %dma_start3A_355 = tpu.memref_slice %arg6[%squeeze3A_337, %dma_start3A_354] : memref<1000000x64xf32, #tpu.memory_space<hbm>> -> memref<1x64xf32, #tpu.memory_space<hbm>>
      tpu.enqueue_dma source(%dma_start3A_355 : memref<1x64xf32, #tpu.memory_space<hbm>>) target(%dma_start3A_353 : memref<1x64xf32, #tpu.memory_space<vmem>>) target_semaphore(%arg16 : memref<!tpu.dma_semaphore, #tpu.memory_space<semaphore_mem>>)
      %slice3A_356 = vector.extract_strided_slice %get3A_275 {offsets = [4], sizes = [1], strides = [1]} : vector<16xi32> to vector<1xi32>
      %squeeze3A_357 = vector.extract %slice3A_356[0] : i32 from vector<1xi32>
      %add3A_358 = arith.constant 4 : i32
      %add3A_359 = arith.addi %add3A_29, %add3A_358 : i32
      %dma_start3A_360 = arith.constant 0 : i32
      %dma_start3A_361 = tpu.memref_slice %arg14[%add3A_359, %dma_start3A_360] : memref<256x64xf32, #tpu.memory_space<vmem>> -> memref<1x64xf32, #tpu.memory_space<vmem>>
      %dma_start3A_362 = arith.constant 0 : i32
      %dma_start3A_363 = tpu.memref_slice %arg4[%squeeze3A_357, %dma_start3A_362] : memref<1000000x64xf32, #tpu.memory_space<hbm>> -> memref<1x64xf32, #tpu.memory_space<hbm>>
      %dma_start3A_364 = arith.constant 0 : i32
      %dma_start3A_365 = tpu.memref_slice %arg14[%add3A_359, %dma_start3A_364] : memref<256x64xf32, #tpu.memory_space<vmem>> -> memref<1x64xf32, #tpu.memory_space<vmem>>
      %dma_start3A_366 = arith.constant 0 : i32
      %dma_start3A_367 = tpu.memref_slice %arg4[%squeeze3A_357, %dma_start3A_366] : memref<1000000x64xf32, #tpu.memory_space<hbm>> -> memref<1x64xf32, #tpu.memory_space<hbm>>
      tpu.enqueue_dma source(%dma_start3A_367 : memref<1x64xf32, #tpu.memory_space<hbm>>) target(%dma_start3A_365 : memref<1x64xf32, #tpu.memory_space<vmem>>) target_semaphore(%arg16 : memref<!tpu.dma_semaphore, #tpu.memory_space<semaphore_mem>>)
      %dma_start3A_368 = arith.constant 0 : i32
      %dma_start3A_369 = tpu.memref_slice %arg15[%add3A_359, %dma_start3A_368] : memref<256x64xf32, #tpu.memory_space<vmem>> -> memref<1x64xf32, #tpu.memory_space<vmem>>
      %dma_start3A_370 = arith.constant 0 : i32
      %dma_start3A_371 = tpu.memref_slice %arg6[%squeeze3A_357, %dma_start3A_370] : memref<1000000x64xf32, #tpu.memory_space<hbm>> -> memref<1x64xf32, #tpu.memory_space<hbm>>
      %dma_start3A_372 = arith.constant 0 : i32
      %dma_start3A_373 = tpu.memref_slice %arg15[%add3A_359, %dma_start3A_372] : memref<256x64xf32, #tpu.memory_space<vmem>> -> memref<1x64xf32, #tpu.memory_space<vmem>>
      %dma_start3A_374 = arith.constant 0 : i32
      %dma_start3A_375 = tpu.memref_slice %arg6[%squeeze3A_357, %dma_start3A_374] : memref<1000000x64xf32, #tpu.memory_space<hbm>> -> memref<1x64xf32, #tpu.memory_space<hbm>>
      tpu.enqueue_dma source(%dma_start3A_375 : memref<1x64xf32, #tpu.memory_space<hbm>>) target(%dma_start3A_373 : memref<1x64xf32, #tpu.memory_space<vmem>>) target_semaphore(%arg16 : memref<!tpu.dma_semaphore, #tpu.memory_space<semaphore_mem>>)
      %slice3A_376 = vector.extract_strided_slice %get3A_275 {offsets = [5], sizes = [1], strides = [1]} : vector<16xi32> to vector<1xi32>
      %squeeze3A_377 = vector.extract %slice3A_376[0] : i32 from vector<1xi32>
      %add3A_378 = arith.constant 5 : i32
      %add3A_379 = arith.addi %add3A_29, %add3A_378 : i32
      %dma_start3A_380 = arith.constant 0 : i32
      %dma_start3A_381 = tpu.memref_slice %arg14[%add3A_379, %dma_start3A_380] : memref<256x64xf32, #tpu.memory_space<vmem>> -> memref<1x64xf32, #tpu.memory_space<vmem>>
      %dma_start3A_382 = arith.constant 0 : i32
      %dma_start3A_383 = tpu.memref_slice %arg4[%squeeze3A_377, %dma_start3A_382] : memref<1000000x64xf32, #tpu.memory_space<hbm>> -> memref<1x64xf32, #tpu.memory_space<hbm>>
      %dma_start3A_384 = arith.constant 0 : i32
      %dma_start3A_385 = tpu.memref_slice %arg14[%add3A_379, %dma_start3A_384] : memref<256x64xf32, #tpu.memory_space<vmem>> -> memref<1x64xf32, #tpu.memory_space<vmem>>
      %dma_start3A_386 = arith.constant 0 : i32
      %dma_start3A_387 = tpu.memref_slice %arg4[%squeeze3A_377, %dma_start3A_386] : memref<1000000x64xf32, #tpu.memory_space<hbm>> -> memref<1x64xf32, #tpu.memory_space<hbm>>
      tpu.enqueue_dma source(%dma_start3A_387 : memref<1x64xf32, #tpu.memory_space<hbm>>) target(%dma_start3A_385 : memref<1x64xf32, #tpu.memory_space<vmem>>) target_semaphore(%arg16 : memref<!tpu.dma_semaphore, #tpu.memory_space<semaphore_mem>>)
      %dma_start3A_388 = arith.constant 0 : i32
      %dma_start3A_389 = tpu.memref_slice %arg15[%add3A_379, %dma_start3A_388] : memref<256x64xf32, #tpu.memory_space<vmem>> -> memref<1x64xf32, #tpu.memory_space<vmem>>
      %dma_start3A_390 = arith.constant 0 : i32
      %dma_start3A_391 = tpu.memref_slice %arg6[%squeeze3A_377, %dma_start3A_390] : memref<1000000x64xf32, #tpu.memory_space<hbm>> -> memref<1x64xf32, #tpu.memory_space<hbm>>
      %dma_start3A_392 = arith.constant 0 : i32
      %dma_start3A_393 = tpu.memref_slice %arg15[%add3A_379, %dma_start3A_392] : memref<256x64xf32, #tpu.memory_space<vmem>> -> memref<1x64xf32, #tpu.memory_space<vmem>>
      %dma_start3A_394 = arith.constant 0 : i32
      %dma_start3A_395 = tpu.memref_slice %arg6[%squeeze3A_377, %dma_start3A_394] : memref<1000000x64xf32, #tpu.memory_space<hbm>> -> memref<1x64xf32, #tpu.memory_space<hbm>>
      tpu.enqueue_dma source(%dma_start3A_395 : memref<1x64xf32, #tpu.memory_space<hbm>>) target(%dma_start3A_393 : memref<1x64xf32, #tpu.memory_space<vmem>>) target_semaphore(%arg16 : memref<!tpu.dma_semaphore, #tpu.memory_space<semaphore_mem>>)
      %slice3A_396 = vector.extract_strided_slice %get3A_275 {offsets = [6], sizes = [1], strides = [1]} : vector<16xi32> to vector<1xi32>
      %squeeze3A_397 = vector.extract %slice3A_396[0] : i32 from vector<1xi32>
      %add3A_398 = arith.constant 6 : i32
      %add3A_399 = arith.addi %add3A_29, %add3A_398 : i32
      %dma_start3A_400 = arith.constant 0 : i32
      %dma_start3A_401 = tpu.memref_slice %arg14[%add3A_399, %dma_start3A_400] : memref<256x64xf32, #tpu.memory_space<vmem>> -> memref<1x64xf32, #tpu.memory_space<vmem>>
      %dma_start3A_402 = arith.constant 0 : i32
      %dma_start3A_403 = tpu.memref_slice %arg4[%squeeze3A_397, %dma_start3A_402] : memref<1000000x64xf32, #tpu.memory_space<hbm>> -> memref<1x64xf32, #tpu.memory_space<hbm>>
      %dma_start3A_404 = arith.constant 0 : i32
      %dma_start3A_405 = tpu.memref_slice %arg14[%add3A_399, %dma_start3A_404] : memref<256x64xf32, #tpu.memory_space<vmem>> -> memref<1x64xf32, #tpu.memory_space<vmem>>
      %dma_start3A_406 = arith.constant 0 : i32
      %dma_start3A_407 = tpu.memref_slice %arg4[%squeeze3A_397, %dma_start3A_406] : memref<1000000x64xf32, #tpu.memory_space<hbm>> -> memref<1x64xf32, #tpu.memory_space<hbm>>
      tpu.enqueue_dma source(%dma_start3A_407 : memref<1x64xf32, #tpu.memory_space<hbm>>) target(%dma_start3A_405 : memref<1x64xf32, #tpu.memory_space<vmem>>) target_semaphore(%arg16 : memref<!tpu.dma_semaphore, #tpu.memory_space<semaphore_mem>>)
      %dma_start3A_408 = arith.constant 0 : i32
      %dma_start3A_409 = tpu.memref_slice %arg15[%add3A_399, %dma_start3A_408] : memref<256x64xf32, #tpu.memory_space<vmem>> -> memref<1x64xf32, #tpu.memory_space<vmem>>
      %dma_start3A_410 = arith.constant 0 : i32
      %dma_start3A_411 = tpu.memref_slice %arg6[%squeeze3A_397, %dma_start3A_410] : memref<1000000x64xf32, #tpu.memory_space<hbm>> -> memref<1x64xf32, #tpu.memory_space<hbm>>
      %dma_start3A_412 = arith.constant 0 : i32
      %dma_start3A_413 = tpu.memref_slice %arg15[%add3A_399, %dma_start3A_412] : memref<256x64xf32, #tpu.memory_space<vmem>> -> memref<1x64xf32, #tpu.memory_space<vmem>>
      %dma_start3A_414 = arith.constant 0 : i32
      %dma_start3A_415 = tpu.memref_slice %arg6[%squeeze3A_397, %dma_start3A_414] : memref<1000000x64xf32, #tpu.memory_space<hbm>> -> memref<1x64xf32, #tpu.memory_space<hbm>>
      tpu.enqueue_dma source(%dma_start3A_415 : memref<1x64xf32, #tpu.memory_space<hbm>>) target(%dma_start3A_413 : memref<1x64xf32, #tpu.memory_space<vmem>>) target_semaphore(%arg16 : memref<!tpu.dma_semaphore, #tpu.memory_space<semaphore_mem>>)
      %slice3A_416 = vector.extract_strided_slice %get3A_275 {offsets = [7], sizes = [1], strides = [1]} : vector<16xi32> to vector<1xi32>
      %squeeze3A_417 = vector.extract %slice3A_416[0] : i32 from vector<1xi32>
      %add3A_418 = arith.constant 7 : i32
      %add3A_419 = arith.addi %add3A_29, %add3A_418 : i32
      %dma_start3A_420 = arith.constant 0 : i32
      %dma_start3A_421 = tpu.memref_slice %arg14[%add3A_419, %dma_start3A_420] : memref<256x64xf32, #tpu.memory_space<vmem>> -> memref<1x64xf32, #tpu.memory_space<vmem>>
      %dma_start3A_422 = arith.constant 0 : i32
      %dma_start3A_423 = tpu.memref_slice %arg4[%squeeze3A_417, %dma_start3A_422] : memref<1000000x64xf32, #tpu.memory_space<hbm>> -> memref<1x64xf32, #tpu.memory_space<hbm>>
      %dma_start3A_424 = arith.constant 0 : i32
      %dma_start3A_425 = tpu.memref_slice %arg14[%add3A_419, %dma_start3A_424] : memref<256x64xf32, #tpu.memory_space<vmem>> -> memref<1x64xf32, #tpu.memory_space<vmem>>
      %dma_start3A_426 = arith.constant 0 : i32
      %dma_start3A_427 = tpu.memref_slice %arg4[%squeeze3A_417, %dma_start3A_426] : memref<1000000x64xf32, #tpu.memory_space<hbm>> -> memref<1x64xf32, #tpu.memory_space<hbm>>
      tpu.enqueue_dma source(%dma_start3A_427 : memref<1x64xf32, #tpu.memory_space<hbm>>) target(%dma_start3A_425 : memref<1x64xf32, #tpu.memory_space<vmem>>) target_semaphore(%arg16 : memref<!tpu.dma_semaphore, #tpu.memory_space<semaphore_mem>>)
      %dma_start3A_428 = arith.constant 0 : i32
      %dma_start3A_429 = tpu.memref_slice %arg15[%add3A_419, %dma_start3A_428] : memref<256x64xf32, #tpu.memory_space<vmem>> -> memref<1x64xf32, #tpu.memory_space<vmem>>
      %dma_start3A_430 = arith.constant 0 : i32
      %dma_start3A_431 = tpu.memref_slice %arg6[%squeeze3A_417, %dma_start3A_430] : memref<1000000x64xf32, #tpu.memory_space<hbm>> -> memref<1x64xf32, #tpu.memory_space<hbm>>
      %dma_start3A_432 = arith.constant 0 : i32
      %dma_start3A_433 = tpu.memref_slice %arg15[%add3A_419, %dma_start3A_432] : memref<256x64xf32, #tpu.memory_space<vmem>> -> memref<1x64xf32, #tpu.memory_space<vmem>>
      %dma_start3A_434 = arith.constant 0 : i32
      %dma_start3A_435 = tpu.memref_slice %arg6[%squeeze3A_417, %dma_start3A_434] : memref<1000000x64xf32, #tpu.memory_space<hbm>> -> memref<1x64xf32, #tpu.memory_space<hbm>>
      tpu.enqueue_dma source(%dma_start3A_435 : memref<1x64xf32, #tpu.memory_space<hbm>>) target(%dma_start3A_433 : memref<1x64xf32, #tpu.memory_space<vmem>>) target_semaphore(%arg16 : memref<!tpu.dma_semaphore, #tpu.memory_space<semaphore_mem>>)
      %slice3A_436 = vector.extract_strided_slice %get3A_275 {offsets = [8], sizes = [1], strides = [1]} : vector<16xi32> to vector<1xi32>
      %squeeze3A_437 = vector.extract %slice3A_436[0] : i32 from vector<1xi32>
      %add3A_438 = arith.constant 8 : i32
      %add3A_439 = arith.addi %add3A_29, %add3A_438 : i32
      %dma_start3A_440 = arith.constant 0 : i32
      %dma_start3A_441 = tpu.memref_slice %arg14[%add3A_439, %dma_start3A_440] : memref<256x64xf32, #tpu.memory_space<vmem>> -> memref<1x64xf32, #tpu.memory_space<vmem>>
      %dma_start3A_442 = arith.constant 0 : i32
      %dma_start3A_443 = tpu.memref_slice %arg4[%squeeze3A_437, %dma_start3A_442] : memref<1000000x64xf32, #tpu.memory_space<hbm>> -> memref<1x64xf32, #tpu.memory_space<hbm>>
      %dma_start3A_444 = arith.constant 0 : i32
      %dma_start3A_445 = tpu.memref_slice %arg14[%add3A_439, %dma_start3A_444] : memref<256x64xf32, #tpu.memory_space<vmem>> -> memref<1x64xf32, #tpu.memory_space<vmem>>
      %dma_start3A_446 = arith.constant 0 : i32
      %dma_start3A_447 = tpu.memref_slice %arg4[%squeeze3A_437, %dma_start3A_446] : memref<1000000x64xf32, #tpu.memory_space<hbm>> -> memref<1x64xf32, #tpu.memory_space<hbm>>
      tpu.enqueue_dma source(%dma_start3A_447 : memref<1x64xf32, #tpu.memory_space<hbm>>) target(%dma_start3A_445 : memref<1x64xf32, #tpu.memory_space<vmem>>) target_semaphore(%arg16 : memref<!tpu.dma_semaphore, #tpu.memory_space<semaphore_mem>>)
      %dma_start3A_448 = arith.constant 0 : i32
      %dma_start3A_449 = tpu.memref_slice %arg15[%add3A_439, %dma_start3A_448] : memref<256x64xf32, #tpu.memory_space<vmem>> -> memref<1x64xf32, #tpu.memory_space<vmem>>
      %dma_start3A_450 = arith.constant 0 : i32
      %dma_start3A_451 = tpu.memref_slice %arg6[%squeeze3A_437, %dma_start3A_450] : memref<1000000x64xf32, #tpu.memory_space<hbm>> -> memref<1x64xf32, #tpu.memory_space<hbm>>
      %dma_start3A_452 = arith.constant 0 : i32
      %dma_start3A_453 = tpu.memref_slice %arg15[%add3A_439, %dma_start3A_452] : memref<256x64xf32, #tpu.memory_space<vmem>> -> memref<1x64xf32, #tpu.memory_space<vmem>>
      %dma_start3A_454 = arith.constant 0 : i32
      %dma_start3A_455 = tpu.memref_slice %arg6[%squeeze3A_437, %dma_start3A_454] : memref<1000000x64xf32, #tpu.memory_space<hbm>> -> memref<1x64xf32, #tpu.memory_space<hbm>>
      tpu.enqueue_dma source(%dma_start3A_455 : memref<1x64xf32, #tpu.memory_space<hbm>>) target(%dma_start3A_453 : memref<1x64xf32, #tpu.memory_space<vmem>>) target_semaphore(%arg16 : memref<!tpu.dma_semaphore, #tpu.memory_space<semaphore_mem>>)
      %slice3A_456 = vector.extract_strided_slice %get3A_275 {offsets = [9], sizes = [1], strides = [1]} : vector<16xi32> to vector<1xi32>
      %squeeze3A_457 = vector.extract %slice3A_456[0] : i32 from vector<1xi32>
      %add3A_458 = arith.constant 9 : i32
      %add3A_459 = arith.addi %add3A_29, %add3A_458 : i32
      %dma_start3A_460 = arith.constant 0 : i32
      %dma_start3A_461 = tpu.memref_slice %arg14[%add3A_459, %dma_start3A_460] : memref<256x64xf32, #tpu.memory_space<vmem>> -> memref<1x64xf32, #tpu.memory_space<vmem>>
      %dma_start3A_462 = arith.constant 0 : i32
      %dma_start3A_463 = tpu.memref_slice %arg4[%squeeze3A_457, %dma_start3A_462] : memref<1000000x64xf32, #tpu.memory_space<hbm>> -> memref<1x64xf32, #tpu.memory_space<hbm>>
      %dma_start3A_464 = arith.constant 0 : i32
      %dma_start3A_465 = tpu.memref_slice %arg14[%add3A_459, %dma_start3A_464] : memref<256x64xf32, #tpu.memory_space<vmem>> -> memref<1x64xf32, #tpu.memory_space<vmem>>
      %dma_start3A_466 = arith.constant 0 : i32
      %dma_start3A_467 = tpu.memref_slice %arg4[%squeeze3A_457, %dma_start3A_466] : memref<1000000x64xf32, #tpu.memory_space<hbm>> -> memref<1x64xf32, #tpu.memory_space<hbm>>
      tpu.enqueue_dma source(%dma_start3A_467 : memref<1x64xf32, #tpu.memory_space<hbm>>) target(%dma_start3A_465 : memref<1x64xf32, #tpu.memory_space<vmem>>) target_semaphore(%arg16 : memref<!tpu.dma_semaphore, #tpu.memory_space<semaphore_mem>>)
      %dma_start3A_468 = arith.constant 0 : i32
      %dma_start3A_469 = tpu.memref_slice %arg15[%add3A_459, %dma_start3A_468] : memref<256x64xf32, #tpu.memory_space<vmem>> -> memref<1x64xf32, #tpu.memory_space<vmem>>
      %dma_start3A_470 = arith.constant 0 : i32
      %dma_start3A_471 = tpu.memref_slice %arg6[%squeeze3A_457, %dma_start3A_470] : memref<1000000x64xf32, #tpu.memory_space<hbm>> -> memref<1x64xf32, #tpu.memory_space<hbm>>
      %dma_start3A_472 = arith.constant 0 : i32
      %dma_start3A_473 = tpu.memref_slice %arg15[%add3A_459, %dma_start3A_472] : memref<256x64xf32, #tpu.memory_space<vmem>> -> memref<1x64xf32, #tpu.memory_space<vmem>>
      %dma_start3A_474 = arith.constant 0 : i32
      %dma_start3A_475 = tpu.memref_slice %arg6[%squeeze3A_457, %dma_start3A_474] : memref<1000000x64xf32, #tpu.memory_space<hbm>> -> memref<1x64xf32, #tpu.memory_space<hbm>>
      tpu.enqueue_dma source(%dma_start3A_475 : memref<1x64xf32, #tpu.memory_space<hbm>>) target(%dma_start3A_473 : memref<1x64xf32, #tpu.memory_space<vmem>>) target_semaphore(%arg16 : memref<!tpu.dma_semaphore, #tpu.memory_space<semaphore_mem>>)
      %slice3A_476 = vector.extract_strided_slice %get3A_275 {offsets = [10], sizes = [1], strides = [1]} : vector<16xi32> to vector<1xi32>
      %squeeze3A_477 = vector.extract %slice3A_476[0] : i32 from vector<1xi32>
      %add3A_478 = arith.constant 10 : i32
      %add3A_479 = arith.addi %add3A_29, %add3A_478 : i32
      %dma_start3A_480 = arith.constant 0 : i32
      %dma_start3A_481 = tpu.memref_slice %arg14[%add3A_479, %dma_start3A_480] : memref<256x64xf32, #tpu.memory_space<vmem>> -> memref<1x64xf32, #tpu.memory_space<vmem>>
      %dma_start3A_482 = arith.constant 0 : i32
      %dma_start3A_483 = tpu.memref_slice %arg4[%squeeze3A_477, %dma_start3A_482] : memref<1000000x64xf32, #tpu.memory_space<hbm>> -> memref<1x64xf32, #tpu.memory_space<hbm>>
      %dma_start3A_484 = arith.constant 0 : i32
      %dma_start3A_485 = tpu.memref_slice %arg14[%add3A_479, %dma_start3A_484] : memref<256x64xf32, #tpu.memory_space<vmem>> -> memref<1x64xf32, #tpu.memory_space<vmem>>
      %dma_start3A_486 = arith.constant 0 : i32
      %dma_start3A_487 = tpu.memref_slice %arg4[%squeeze3A_477, %dma_start3A_486] : memref<1000000x64xf32, #tpu.memory_space<hbm>> -> memref<1x64xf32, #tpu.memory_space<hbm>>
      tpu.enqueue_dma source(%dma_start3A_487 : memref<1x64xf32, #tpu.memory_space<hbm>>) target(%dma_start3A_485 : memref<1x64xf32, #tpu.memory_space<vmem>>) target_semaphore(%arg16 : memref<!tpu.dma_semaphore, #tpu.memory_space<semaphore_mem>>)
      %dma_start3A_488 = arith.constant 0 : i32
      %dma_start3A_489 = tpu.memref_slice %arg15[%add3A_479, %dma_start3A_488] : memref<256x64xf32, #tpu.memory_space<vmem>> -> memref<1x64xf32, #tpu.memory_space<vmem>>
      %dma_start3A_490 = arith.constant 0 : i32
      %dma_start3A_491 = tpu.memref_slice %arg6[%squeeze3A_477, %dma_start3A_490] : memref<1000000x64xf32, #tpu.memory_space<hbm>> -> memref<1x64xf32, #tpu.memory_space<hbm>>
      %dma_start3A_492 = arith.constant 0 : i32
      %dma_start3A_493 = tpu.memref_slice %arg15[%add3A_479, %dma_start3A_492] : memref<256x64xf32, #tpu.memory_space<vmem>> -> memref<1x64xf32, #tpu.memory_space<vmem>>
      %dma_start3A_494 = arith.constant 0 : i32
      %dma_start3A_495 = tpu.memref_slice %arg6[%squeeze3A_477, %dma_start3A_494] : memref<1000000x64xf32, #tpu.memory_space<hbm>> -> memref<1x64xf32, #tpu.memory_space<hbm>>
      tpu.enqueue_dma source(%dma_start3A_495 : memref<1x64xf32, #tpu.memory_space<hbm>>) target(%dma_start3A_493 : memref<1x64xf32, #tpu.memory_space<vmem>>) target_semaphore(%arg16 : memref<!tpu.dma_semaphore, #tpu.memory_space<semaphore_mem>>)
      %slice3A_496 = vector.extract_strided_slice %get3A_275 {offsets = [11], sizes = [1], strides = [1]} : vector<16xi32> to vector<1xi32>
      %squeeze3A_497 = vector.extract %slice3A_496[0] : i32 from vector<1xi32>
      %add3A_498 = arith.constant 11 : i32
      %add3A_499 = arith.addi %add3A_29, %add3A_498 : i32
      %dma_start3A_500 = arith.constant 0 : i32
      %dma_start3A_501 = tpu.memref_slice %arg14[%add3A_499, %dma_start3A_500] : memref<256x64xf32, #tpu.memory_space<vmem>> -> memref<1x64xf32, #tpu.memory_space<vmem>>
      %dma_start3A_502 = arith.constant 0 : i32
      %dma_start3A_503 = tpu.memref_slice %arg4[%squeeze3A_497, %dma_start3A_502] : memref<1000000x64xf32, #tpu.memory_space<hbm>> -> memref<1x64xf32, #tpu.memory_space<hbm>>
      %dma_start3A_504 = arith.constant 0 : i32
      %dma_start3A_505 = tpu.memref_slice %arg14[%add3A_499, %dma_start3A_504] : memref<256x64xf32, #tpu.memory_space<vmem>> -> memref<1x64xf32, #tpu.memory_space<vmem>>
      %dma_start3A_506 = arith.constant 0 : i32
      %dma_start3A_507 = tpu.memref_slice %arg4[%squeeze3A_497, %dma_start3A_506] : memref<1000000x64xf32, #tpu.memory_space<hbm>> -> memref<1x64xf32, #tpu.memory_space<hbm>>
      tpu.enqueue_dma source(%dma_start3A_507 : memref<1x64xf32, #tpu.memory_space<hbm>>) target(%dma_start3A_505 : memref<1x64xf32, #tpu.memory_space<vmem>>) target_semaphore(%arg16 : memref<!tpu.dma_semaphore, #tpu.memory_space<semaphore_mem>>)
      %dma_start3A_508 = arith.constant 0 : i32
      %dma_start3A_509 = tpu.memref_slice %arg15[%add3A_499, %dma_start3A_508] : memref<256x64xf32, #tpu.memory_space<vmem>> -> memref<1x64xf32, #tpu.memory_space<vmem>>
      %dma_start3A_510 = arith.constant 0 : i32
      %dma_start3A_511 = tpu.memref_slice %arg6[%squeeze3A_497, %dma_start3A_510] : memref<1000000x64xf32, #tpu.memory_space<hbm>> -> memref<1x64xf32, #tpu.memory_space<hbm>>
      %dma_start3A_512 = arith.constant 0 : i32
      %dma_start3A_513 = tpu.memref_slice %arg15[%add3A_499, %dma_start3A_512] : memref<256x64xf32, #tpu.memory_space<vmem>> -> memref<1x64xf32, #tpu.memory_space<vmem>>
      %dma_start3A_514 = arith.constant 0 : i32
      %dma_start3A_515 = tpu.memref_slice %arg6[%squeeze3A_497, %dma_start3A_514] : memref<1000000x64xf32, #tpu.memory_space<hbm>> -> memref<1x64xf32, #tpu.memory_space<hbm>>
      tpu.enqueue_dma source(%dma_start3A_515 : memref<1x64xf32, #tpu.memory_space<hbm>>) target(%dma_start3A_513 : memref<1x64xf32, #tpu.memory_space<vmem>>) target_semaphore(%arg16 : memref<!tpu.dma_semaphore, #tpu.memory_space<semaphore_mem>>)
      %slice3A_516 = vector.extract_strided_slice %get3A_275 {offsets = [12], sizes = [1], strides = [1]} : vector<16xi32> to vector<1xi32>
      %squeeze3A_517 = vector.extract %slice3A_516[0] : i32 from vector<1xi32>
      %add3A_518 = arith.constant 12 : i32
      %add3A_519 = arith.addi %add3A_29, %add3A_518 : i32
      %dma_start3A_520 = arith.constant 0 : i32
      %dma_start3A_521 = tpu.memref_slice %arg14[%add3A_519, %dma_start3A_520] : memref<256x64xf32, #tpu.memory_space<vmem>> -> memref<1x64xf32, #tpu.memory_space<vmem>>
      %dma_start3A_522 = arith.constant 0 : i32
      %dma_start3A_523 = tpu.memref_slice %arg4[%squeeze3A_517, %dma_start3A_522] : memref<1000000x64xf32, #tpu.memory_space<hbm>> -> memref<1x64xf32, #tpu.memory_space<hbm>>
      %dma_start3A_524 = arith.constant 0 : i32
      %dma_start3A_525 = tpu.memref_slice %arg14[%add3A_519, %dma_start3A_524] : memref<256x64xf32, #tpu.memory_space<vmem>> -> memref<1x64xf32, #tpu.memory_space<vmem>>
      %dma_start3A_526 = arith.constant 0 : i32
      %dma_start3A_527 = tpu.memref_slice %arg4[%squeeze3A_517, %dma_start3A_526] : memref<1000000x64xf32, #tpu.memory_space<hbm>> -> memref<1x64xf32, #tpu.memory_space<hbm>>
      tpu.enqueue_dma source(%dma_start3A_527 : memref<1x64xf32, #tpu.memory_space<hbm>>) target(%dma_start3A_525 : memref<1x64xf32, #tpu.memory_space<vmem>>) target_semaphore(%arg16 : memref<!tpu.dma_semaphore, #tpu.memory_space<semaphore_mem>>)
      %dma_start3A_528 = arith.constant 0 : i32
      %dma_start3A_529 = tpu.memref_slice %arg15[%add3A_519, %dma_start3A_528] : memref<256x64xf32, #tpu.memory_space<vmem>> -> memref<1x64xf32, #tpu.memory_space<vmem>>
      %dma_start3A_530 = arith.constant 0 : i32
      %dma_start3A_531 = tpu.memref_slice %arg6[%squeeze3A_517, %dma_start3A_530] : memref<1000000x64xf32, #tpu.memory_space<hbm>> -> memref<1x64xf32, #tpu.memory_space<hbm>>
      %dma_start3A_532 = arith.constant 0 : i32
      %dma_start3A_533 = tpu.memref_slice %arg15[%add3A_519, %dma_start3A_532] : memref<256x64xf32, #tpu.memory_space<vmem>> -> memref<1x64xf32, #tpu.memory_space<vmem>>
      %dma_start3A_534 = arith.constant 0 : i32
      %dma_start3A_535 = tpu.memref_slice %arg6[%squeeze3A_517, %dma_start3A_534] : memref<1000000x64xf32, #tpu.memory_space<hbm>> -> memref<1x64xf32, #tpu.memory_space<hbm>>
      tpu.enqueue_dma source(%dma_start3A_535 : memref<1x64xf32, #tpu.memory_space<hbm>>) target(%dma_start3A_533 : memref<1x64xf32, #tpu.memory_space<vmem>>) target_semaphore(%arg16 : memref<!tpu.dma_semaphore, #tpu.memory_space<semaphore_mem>>)
      %slice3A_536 = vector.extract_strided_slice %get3A_275 {offsets = [13], sizes = [1], strides = [1]} : vector<16xi32> to vector<1xi32>
      %squeeze3A_537 = vector.extract %slice3A_536[0] : i32 from vector<1xi32>
      %add3A_538 = arith.constant 13 : i32
      %add3A_539 = arith.addi %add3A_29, %add3A_538 : i32
      %dma_start3A_540 = arith.constant 0 : i32
      %dma_start3A_541 = tpu.memref_slice %arg14[%add3A_539, %dma_start3A_540] : memref<256x64xf32, #tpu.memory_space<vmem>> -> memref<1x64xf32, #tpu.memory_space<vmem>>
      %dma_start3A_542 = arith.constant 0 : i32
      %dma_start3A_543 = tpu.memref_slice %arg4[%squeeze3A_537, %dma_start3A_542] : memref<1000000x64xf32, #tpu.memory_space<hbm>> -> memref<1x64xf32, #tpu.memory_space<hbm>>
      %dma_start3A_544 = arith.constant 0 : i32
      %dma_start3A_545 = tpu.memref_slice %arg14[%add3A_539, %dma_start3A_544] : memref<256x64xf32, #tpu.memory_space<vmem>> -> memref<1x64xf32, #tpu.memory_space<vmem>>
      %dma_start3A_546 = arith.constant 0 : i32
      %dma_start3A_547 = tpu.memref_slice %arg4[%squeeze3A_537, %dma_start3A_546] : memref<1000000x64xf32, #tpu.memory_space<hbm>> -> memref<1x64xf32, #tpu.memory_space<hbm>>
      tpu.enqueue_dma source(%dma_start3A_547 : memref<1x64xf32, #tpu.memory_space<hbm>>) target(%dma_start3A_545 : memref<1x64xf32, #tpu.memory_space<vmem>>) target_semaphore(%arg16 : memref<!tpu.dma_semaphore, #tpu.memory_space<semaphore_mem>>)
      %dma_start3A_548 = arith.constant 0 : i32
      %dma_start3A_549 = tpu.memref_slice %arg15[%add3A_539, %dma_start3A_548] : memref<256x64xf32, #tpu.memory_space<vmem>> -> memref<1x64xf32, #tpu.memory_space<vmem>>
      %dma_start3A_550 = arith.constant 0 : i32
      %dma_start3A_551 = tpu.memref_slice %arg6[%squeeze3A_537, %dma_start3A_550] : memref<1000000x64xf32, #tpu.memory_space<hbm>> -> memref<1x64xf32, #tpu.memory_space<hbm>>
      %dma_start3A_552 = arith.constant 0 : i32
      %dma_start3A_553 = tpu.memref_slice %arg15[%add3A_539, %dma_start3A_552] : memref<256x64xf32, #tpu.memory_space<vmem>> -> memref<1x64xf32, #tpu.memory_space<vmem>>
      %dma_start3A_554 = arith.constant 0 : i32
      %dma_start3A_555 = tpu.memref_slice %arg6[%squeeze3A_537, %dma_start3A_554] : memref<1000000x64xf32, #tpu.memory_space<hbm>> -> memref<1x64xf32, #tpu.memory_space<hbm>>
      tpu.enqueue_dma source(%dma_start3A_555 : memref<1x64xf32, #tpu.memory_space<hbm>>) target(%dma_start3A_553 : memref<1x64xf32, #tpu.memory_space<vmem>>) target_semaphore(%arg16 : memref<!tpu.dma_semaphore, #tpu.memory_space<semaphore_mem>>)
      %slice3A_556 = vector.extract_strided_slice %get3A_275 {offsets = [14], sizes = [1], strides = [1]} : vector<16xi32> to vector<1xi32>
      %squeeze3A_557 = vector.extract %slice3A_556[0] : i32 from vector<1xi32>
      %add3A_558 = arith.constant 14 : i32
      %add3A_559 = arith.addi %add3A_29, %add3A_558 : i32
      %dma_start3A_560 = arith.constant 0 : i32
      %dma_start3A_561 = tpu.memref_slice %arg14[%add3A_559, %dma_start3A_560] : memref<256x64xf32, #tpu.memory_space<vmem>> -> memref<1x64xf32, #tpu.memory_space<vmem>>
      %dma_start3A_562 = arith.constant 0 : i32
      %dma_start3A_563 = tpu.memref_slice %arg4[%squeeze3A_557, %dma_start3A_562] : memref<1000000x64xf32, #tpu.memory_space<hbm>> -> memref<1x64xf32, #tpu.memory_space<hbm>>
      %dma_start3A_564 = arith.constant 0 : i32
      %dma_start3A_565 = tpu.memref_slice %arg14[%add3A_559, %dma_start3A_564] : memref<256x64xf32, #tpu.memory_space<vmem>> -> memref<1x64xf32, #tpu.memory_space<vmem>>
      %dma_start3A_566 = arith.constant 0 : i32
      %dma_start3A_567 = tpu.memref_slice %arg4[%squeeze3A_557, %dma_start3A_566] : memref<1000000x64xf32, #tpu.memory_space<hbm>> -> memref<1x64xf32, #tpu.memory_space<hbm>>
      tpu.enqueue_dma source(%dma_start3A_567 : memref<1x64xf32, #tpu.memory_space<hbm>>) target(%dma_start3A_565 : memref<1x64xf32, #tpu.memory_space<vmem>>) target_semaphore(%arg16 : memref<!tpu.dma_semaphore, #tpu.memory_space<semaphore_mem>>)
      %dma_start3A_568 = arith.constant 0 : i32
      %dma_start3A_569 = tpu.memref_slice %arg15[%add3A_559, %dma_start3A_568] : memref<256x64xf32, #tpu.memory_space<vmem>> -> memref<1x64xf32, #tpu.memory_space<vmem>>
      %dma_start3A_570 = arith.constant 0 : i32
      %dma_start3A_571 = tpu.memref_slice %arg6[%squeeze3A_557, %dma_start3A_570] : memref<1000000x64xf32, #tpu.memory_space<hbm>> -> memref<1x64xf32, #tpu.memory_space<hbm>>
      %dma_start3A_572 = arith.constant 0 : i32
      %dma_start3A_573 = tpu.memref_slice %arg15[%add3A_559, %dma_start3A_572] : memref<256x64xf32, #tpu.memory_space<vmem>> -> memref<1x64xf32, #tpu.memory_space<vmem>>
      %dma_start3A_574 = arith.constant 0 : i32
      %dma_start3A_575 = tpu.memref_slice %arg6[%squeeze3A_557, %dma_start3A_574] : memref<1000000x64xf32, #tpu.memory_space<hbm>> -> memref<1x64xf32, #tpu.memory_space<hbm>>
      tpu.enqueue_dma source(%dma_start3A_575 : memref<1x64xf32, #tpu.memory_space<hbm>>) target(%dma_start3A_573 : memref<1x64xf32, #tpu.memory_space<vmem>>) target_semaphore(%arg16 : memref<!tpu.dma_semaphore, #tpu.memory_space<semaphore_mem>>)
      %slice3A_576 = vector.extract_strided_slice %get3A_275 {offsets = [15], sizes = [1], strides = [1]} : vector<16xi32> to vector<1xi32>
      %squeeze3A_577 = vector.extract %slice3A_576[0] : i32 from vector<1xi32>
      %add3A_578 = arith.constant 15 : i32
      %add3A_579 = arith.addi %add3A_29, %add3A_578 : i32
      %dma_start3A_580 = arith.constant 0 : i32
      %dma_start3A_581 = tpu.memref_slice %arg14[%add3A_579, %dma_start3A_580] : memref<256x64xf32, #tpu.memory_space<vmem>> -> memref<1x64xf32, #tpu.memory_space<vmem>>
      %dma_start3A_582 = arith.constant 0 : i32
      %dma_start3A_583 = tpu.memref_slice %arg4[%squeeze3A_577, %dma_start3A_582] : memref<1000000x64xf32, #tpu.memory_space<hbm>> -> memref<1x64xf32, #tpu.memory_space<hbm>>
      %dma_start3A_584 = arith.constant 0 : i32
      %dma_start3A_585 = tpu.memref_slice %arg14[%add3A_579, %dma_start3A_584] : memref<256x64xf32, #tpu.memory_space<vmem>> -> memref<1x64xf32, #tpu.memory_space<vmem>>
      %dma_start3A_586 = arith.constant 0 : i32
      %dma_start3A_587 = tpu.memref_slice %arg4[%squeeze3A_577, %dma_start3A_586] : memref<1000000x64xf32, #tpu.memory_space<hbm>> -> memref<1x64xf32, #tpu.memory_space<hbm>>
      tpu.enqueue_dma source(%dma_start3A_587 : memref<1x64xf32, #tpu.memory_space<hbm>>) target(%dma_start3A_585 : memref<1x64xf32, #tpu.memory_space<vmem>>) target_semaphore(%arg16 : memref<!tpu.dma_semaphore, #tpu.memory_space<semaphore_mem>>)
      %dma_start3A_588 = arith.constant 0 : i32
      %dma_start3A_589 = tpu.memref_slice %arg15[%add3A_579, %dma_start3A_588] : memref<256x64xf32, #tpu.memory_space<vmem>> -> memref<1x64xf32, #tpu.memory_space<vmem>>
      %dma_start3A_590 = arith.constant 0 : i32
      %dma_start3A_591 = tpu.memref_slice %arg6[%squeeze3A_577, %dma_start3A_590] : memref<1000000x64xf32, #tpu.memory_space<hbm>> -> memref<1x64xf32, #tpu.memory_space<hbm>>
      %dma_start3A_592 = arith.constant 0 : i32
      %dma_start3A_593 = tpu.memref_slice %arg15[%add3A_579, %dma_start3A_592] : memref<256x64xf32, #tpu.memory_space<vmem>> -> memref<1x64xf32, #tpu.memory_space<vmem>>
      %dma_start3A_594 = arith.constant 0 : i32
      %dma_start3A_595 = tpu.memref_slice %arg6[%squeeze3A_577, %dma_start3A_594] : memref<1000000x64xf32, #tpu.memory_space<hbm>> -> memref<1x64xf32, #tpu.memory_space<hbm>>
      tpu.enqueue_dma source(%dma_start3A_595 : memref<1x64xf32, #tpu.memory_space<hbm>>) target(%dma_start3A_593 : memref<1x64xf32, #tpu.memory_space<vmem>>) target_semaphore(%arg16 : memref<!tpu.dma_semaphore, #tpu.memory_space<semaphore_mem>>)
      %dma_wait3A_596 = arith.constant 0 : i32
      %dma_wait3A_597 = tpu.memref_slice %arg14[%add3A_279, %dma_wait3A_596] : memref<256x64xf32, #tpu.memory_space<vmem>> -> memref<1x64xf32, #tpu.memory_space<vmem>>
      %dma_wait3A_598 = arith.constant 0 : i32
      %dma_wait3A_599 = tpu.memref_slice %arg4[%squeeze3A_277, %dma_wait3A_598] : memref<1000000x64xf32, #tpu.memory_space<hbm>> -> memref<1x64xf32, #tpu.memory_space<hbm>>
      %dma_wait3A_600 = arith.constant 0 : i32
      %dma_wait3A_601 = tpu.memref_slice %arg14[%add3A_279, %dma_wait3A_600] : memref<256x64xf32, #tpu.memory_space<vmem>> -> memref<1x64xf32, #tpu.memory_space<vmem>>
      %dma_wait3A_602 = arith.constant 0 : i32
      %dma_wait3A_603 = tpu.memref_slice %arg4[%squeeze3A_277, %dma_wait3A_602] : memref<1000000x64xf32, #tpu.memory_space<hbm>> -> memref<1x64xf32, #tpu.memory_space<hbm>>
      tpu.wait_dma2 semaphore(%arg16 : memref<!tpu.dma_semaphore, #tpu.memory_space<semaphore_mem>>) src(%dma_wait3A_603 : memref<1x64xf32, #tpu.memory_space<hbm>>) dst(%dma_wait3A_601 : memref<1x64xf32, #tpu.memory_space<vmem>>)
      %dma_wait3A_604 = arith.constant 0 : i32
      %dma_wait3A_605 = tpu.memref_slice %arg15[%add3A_279, %dma_wait3A_604] : memref<256x64xf32, #tpu.memory_space<vmem>> -> memref<1x64xf32, #tpu.memory_space<vmem>>
      %dma_wait3A_606 = arith.constant 0 : i32
      %dma_wait3A_607 = tpu.memref_slice %arg6[%squeeze3A_277, %dma_wait3A_606] : memref<1000000x64xf32, #tpu.memory_space<hbm>> -> memref<1x64xf32, #tpu.memory_space<hbm>>
      %dma_wait3A_608 = arith.constant 0 : i32
      %dma_wait3A_609 = tpu.memref_slice %arg15[%add3A_279, %dma_wait3A_608] : memref<256x64xf32, #tpu.memory_space<vmem>> -> memref<1x64xf32, #tpu.memory_space<vmem>>
      %dma_wait3A_610 = arith.constant 0 : i32
      %dma_wait3A_611 = tpu.memref_slice %arg6[%squeeze3A_277, %dma_wait3A_610] : memref<1000000x64xf32, #tpu.memory_space<hbm>> -> memref<1x64xf32, #tpu.memory_space<hbm>>
      tpu.wait_dma2 semaphore(%arg16 : memref<!tpu.dma_semaphore, #tpu.memory_space<semaphore_mem>>) src(%dma_wait3A_611 : memref<1x64xf32, #tpu.memory_space<hbm>>) dst(%dma_wait3A_609 : memref<1x64xf32, #tpu.memory_space<vmem>>)
      %dma_wait3A_612 = arith.constant 0 : i32
      %dma_wait3A_613 = tpu.memref_slice %arg14[%add3A_299, %dma_wait3A_612] : memref<256x64xf32, #tpu.memory_space<vmem>> -> memref<1x64xf32, #tpu.memory_space<vmem>>
      %dma_wait3A_614 = arith.constant 0 : i32
      %dma_wait3A_615 = tpu.memref_slice %arg4[%squeeze3A_297, %dma_wait3A_614] : memref<1000000x64xf32, #tpu.memory_space<hbm>> -> memref<1x64xf32, #tpu.memory_space<hbm>>
      %dma_wait3A_616 = arith.constant 0 : i32
      %dma_wait3A_617 = tpu.memref_slice %arg14[%add3A_299, %dma_wait3A_616] : memref<256x64xf32, #tpu.memory_space<vmem>> -> memref<1x64xf32, #tpu.memory_space<vmem>>
      %dma_wait3A_618 = arith.constant 0 : i32
      %dma_wait3A_619 = tpu.memref_slice %arg4[%squeeze3A_297, %dma_wait3A_618] : memref<1000000x64xf32, #tpu.memory_space<hbm>> -> memref<1x64xf32, #tpu.memory_space<hbm>>
      tpu.wait_dma2 semaphore(%arg16 : memref<!tpu.dma_semaphore, #tpu.memory_space<semaphore_mem>>) src(%dma_wait3A_619 : memref<1x64xf32, #tpu.memory_space<hbm>>) dst(%dma_wait3A_617 : memref<1x64xf32, #tpu.memory_space<vmem>>)
      %dma_wait3A_620 = arith.constant 0 : i32
      %dma_wait3A_621 = tpu.memref_slice %arg15[%add3A_299, %dma_wait3A_620] : memref<256x64xf32, #tpu.memory_space<vmem>> -> memref<1x64xf32, #tpu.memory_space<vmem>>
      %dma_wait3A_622 = arith.constant 0 : i32
      %dma_wait3A_623 = tpu.memref_slice %arg6[%squeeze3A_297, %dma_wait3A_622] : memref<1000000x64xf32, #tpu.memory_space<hbm>> -> memref<1x64xf32, #tpu.memory_space<hbm>>
      %dma_wait3A_624 = arith.constant 0 : i32
      %dma_wait3A_625 = tpu.memref_slice %arg15[%add3A_299, %dma_wait3A_624] : memref<256x64xf32, #tpu.memory_space<vmem>> -> memref<1x64xf32, #tpu.memory_space<vmem>>
      %dma_wait3A_626 = arith.constant 0 : i32
      %dma_wait3A_627 = tpu.memref_slice %arg6[%squeeze3A_297, %dma_wait3A_626] : memref<1000000x64xf32, #tpu.memory_space<hbm>> -> memref<1x64xf32, #tpu.memory_space<hbm>>
      tpu.wait_dma2 semaphore(%arg16 : memref<!tpu.dma_semaphore, #tpu.memory_space<semaphore_mem>>) src(%dma_wait3A_627 : memref<1x64xf32, #tpu.memory_space<hbm>>) dst(%dma_wait3A_625 : memref<1x64xf32, #tpu.memory_space<vmem>>)
      %dma_wait3A_628 = arith.constant 0 : i32
      %dma_wait3A_629 = tpu.memref_slice %arg14[%add3A_319, %dma_wait3A_628] : memref<256x64xf32, #tpu.memory_space<vmem>> -> memref<1x64xf32, #tpu.memory_space<vmem>>
      %dma_wait3A_630 = arith.constant 0 : i32
      %dma_wait3A_631 = tpu.memref_slice %arg4[%squeeze3A_317, %dma_wait3A_630] : memref<1000000x64xf32, #tpu.memory_space<hbm>> -> memref<1x64xf32, #tpu.memory_space<hbm>>
      %dma_wait3A_632 = arith.constant 0 : i32
      %dma_wait3A_633 = tpu.memref_slice %arg14[%add3A_319, %dma_wait3A_632] : memref<256x64xf32, #tpu.memory_space<vmem>> -> memref<1x64xf32, #tpu.memory_space<vmem>>
      %dma_wait3A_634 = arith.constant 0 : i32
      %dma_wait3A_635 = tpu.memref_slice %arg4[%squeeze3A_317, %dma_wait3A_634] : memref<1000000x64xf32, #tpu.memory_space<hbm>> -> memref<1x64xf32, #tpu.memory_space<hbm>>
      tpu.wait_dma2 semaphore(%arg16 : memref<!tpu.dma_semaphore, #tpu.memory_space<semaphore_mem>>) src(%dma_wait3A_635 : memref<1x64xf32, #tpu.memory_space<hbm>>) dst(%dma_wait3A_633 : memref<1x64xf32, #tpu.memory_space<vmem>>)
      %dma_wait3A_636 = arith.constant 0 : i32
      %dma_wait3A_637 = tpu.memref_slice %arg15[%add3A_319, %dma_wait3A_636] : memref<256x64xf32, #tpu.memory_space<vmem>> -> memref<1x64xf32, #tpu.memory_space<vmem>>
      %dma_wait3A_638 = arith.constant 0 : i32
      %dma_wait3A_639 = tpu.memref_slice %arg6[%squeeze3A_317, %dma_wait3A_638] : memref<1000000x64xf32, #tpu.memory_space<hbm>> -> memref<1x64xf32, #tpu.memory_space<hbm>>
      %dma_wait3A_640 = arith.constant 0 : i32
      %dma_wait3A_641 = tpu.memref_slice %arg15[%add3A_319, %dma_wait3A_640] : memref<256x64xf32, #tpu.memory_space<vmem>> -> memref<1x64xf32, #tpu.memory_space<vmem>>
      %dma_wait3A_642 = arith.constant 0 : i32
      %dma_wait3A_643 = tpu.memref_slice %arg6[%squeeze3A_317, %dma_wait3A_642] : memref<1000000x64xf32, #tpu.memory_space<hbm>> -> memref<1x64xf32, #tpu.memory_space<hbm>>
      tpu.wait_dma2 semaphore(%arg16 : memref<!tpu.dma_semaphore, #tpu.memory_space<semaphore_mem>>) src(%dma_wait3A_643 : memref<1x64xf32, #tpu.memory_space<hbm>>) dst(%dma_wait3A_641 : memref<1x64xf32, #tpu.memory_space<vmem>>)
      %dma_wait3A_644 = arith.constant 0 : i32
      %dma_wait3A_645 = tpu.memref_slice %arg14[%add3A_339, %dma_wait3A_644] : memref<256x64xf32, #tpu.memory_space<vmem>> -> memref<1x64xf32, #tpu.memory_space<vmem>>
      %dma_wait3A_646 = arith.constant 0 : i32
      %dma_wait3A_647 = tpu.memref_slice %arg4[%squeeze3A_337, %dma_wait3A_646] : memref<1000000x64xf32, #tpu.memory_space<hbm>> -> memref<1x64xf32, #tpu.memory_space<hbm>>
      %dma_wait3A_648 = arith.constant 0 : i32
      %dma_wait3A_649 = tpu.memref_slice %arg14[%add3A_339, %dma_wait3A_648] : memref<256x64xf32, #tpu.memory_space<vmem>> -> memref<1x64xf32, #tpu.memory_space<vmem>>
      %dma_wait3A_650 = arith.constant 0 : i32
      %dma_wait3A_651 = tpu.memref_slice %arg4[%squeeze3A_337, %dma_wait3A_650] : memref<1000000x64xf32, #tpu.memory_space<hbm>> -> memref<1x64xf32, #tpu.memory_space<hbm>>
      tpu.wait_dma2 semaphore(%arg16 : memref<!tpu.dma_semaphore, #tpu.memory_space<semaphore_mem>>) src(%dma_wait3A_651 : memref<1x64xf32, #tpu.memory_space<hbm>>) dst(%dma_wait3A_649 : memref<1x64xf32, #tpu.memory_space<vmem>>)
      %dma_wait3A_652 = arith.constant 0 : i32
      %dma_wait3A_653 = tpu.memref_slice %arg15[%add3A_339, %dma_wait3A_652] : memref<256x64xf32, #tpu.memory_space<vmem>> -> memref<1x64xf32, #tpu.memory_space<vmem>>
      %dma_wait3A_654 = arith.constant 0 : i32
      %dma_wait3A_655 = tpu.memref_slice %arg6[%squeeze3A_337, %dma_wait3A_654] : memref<1000000x64xf32, #tpu.memory_space<hbm>> -> memref<1x64xf32, #tpu.memory_space<hbm>>
      %dma_wait3A_656 = arith.constant 0 : i32
      %dma_wait3A_657 = tpu.memref_slice %arg15[%add3A_339, %dma_wait3A_656] : memref<256x64xf32, #tpu.memory_space<vmem>> -> memref<1x64xf32, #tpu.memory_space<vmem>>
      %dma_wait3A_658 = arith.constant 0 : i32
      %dma_wait3A_659 = tpu.memref_slice %arg6[%squeeze3A_337, %dma_wait3A_658] : memref<1000000x64xf32, #tpu.memory_space<hbm>> -> memref<1x64xf32, #tpu.memory_space<hbm>>
      tpu.wait_dma2 semaphore(%arg16 : memref<!tpu.dma_semaphore, #tpu.memory_space<semaphore_mem>>) src(%dma_wait3A_659 : memref<1x64xf32, #tpu.memory_space<hbm>>) dst(%dma_wait3A_657 : memref<1x64xf32, #tpu.memory_space<vmem>>)
      %dma_wait3A_660 = arith.constant 0 : i32
      %dma_wait3A_661 = tpu.memref_slice %arg14[%add3A_359, %dma_wait3A_660] : memref<256x64xf32, #tpu.memory_space<vmem>> -> memref<1x64xf32, #tpu.memory_space<vmem>>
      %dma_wait3A_662 = arith.constant 0 : i32
      %dma_wait3A_663 = tpu.memref_slice %arg4[%squeeze3A_357, %dma_wait3A_662] : memref<1000000x64xf32, #tpu.memory_space<hbm>> -> memref<1x64xf32, #tpu.memory_space<hbm>>
      %dma_wait3A_664 = arith.constant 0 : i32
      %dma_wait3A_665 = tpu.memref_slice %arg14[%add3A_359, %dma_wait3A_664] : memref<256x64xf32, #tpu.memory_space<vmem>> -> memref<1x64xf32, #tpu.memory_space<vmem>>
      %dma_wait3A_666 = arith.constant 0 : i32
      %dma_wait3A_667 = tpu.memref_slice %arg4[%squeeze3A_357, %dma_wait3A_666] : memref<1000000x64xf32, #tpu.memory_space<hbm>> -> memref<1x64xf32, #tpu.memory_space<hbm>>
      tpu.wait_dma2 semaphore(%arg16 : memref<!tpu.dma_semaphore, #tpu.memory_space<semaphore_mem>>) src(%dma_wait3A_667 : memref<1x64xf32, #tpu.memory_space<hbm>>) dst(%dma_wait3A_665 : memref<1x64xf32, #tpu.memory_space<vmem>>)
      %dma_wait3A_668 = arith.constant 0 : i32
      %dma_wait3A_669 = tpu.memref_slice %arg15[%add3A_359, %dma_wait3A_668] : memref<256x64xf32, #tpu.memory_space<vmem>> -> memref<1x64xf32, #tpu.memory_space<vmem>>
      %dma_wait3A_670 = arith.constant 0 : i32
      %dma_wait3A_671 = tpu.memref_slice %arg6[%squeeze3A_357, %dma_wait3A_670] : memref<1000000x64xf32, #tpu.memory_space<hbm>> -> memref<1x64xf32, #tpu.memory_space<hbm>>
      %dma_wait3A_672 = arith.constant 0 : i32
      %dma_wait3A_673 = tpu.memref_slice %arg15[%add3A_359, %dma_wait3A_672] : memref<256x64xf32, #tpu.memory_space<vmem>> -> memref<1x64xf32, #tpu.memory_space<vmem>>
      %dma_wait3A_674 = arith.constant 0 : i32
      %dma_wait3A_675 = tpu.memref_slice %arg6[%squeeze3A_357, %dma_wait3A_674] : memref<1000000x64xf32, #tpu.memory_space<hbm>> -> memref<1x64xf32, #tpu.memory_space<hbm>>
      tpu.wait_dma2 semaphore(%arg16 : memref<!tpu.dma_semaphore, #tpu.memory_space<semaphore_mem>>) src(%dma_wait3A_675 : memref<1x64xf32, #tpu.memory_space<hbm>>) dst(%dma_wait3A_673 : memref<1x64xf32, #tpu.memory_space<vmem>>)
      %dma_wait3A_676 = arith.constant 0 : i32
      %dma_wait3A_677 = tpu.memref_slice %arg14[%add3A_379, %dma_wait3A_676] : memref<256x64xf32, #tpu.memory_space<vmem>> -> memref<1x64xf32, #tpu.memory_space<vmem>>
      %dma_wait3A_678 = arith.constant 0 : i32
      %dma_wait3A_679 = tpu.memref_slice %arg4[%squeeze3A_377, %dma_wait3A_678] : memref<1000000x64xf32, #tpu.memory_space<hbm>> -> memref<1x64xf32, #tpu.memory_space<hbm>>
      %dma_wait3A_680 = arith.constant 0 : i32
      %dma_wait3A_681 = tpu.memref_slice %arg14[%add3A_379, %dma_wait3A_680] : memref<256x64xf32, #tpu.memory_space<vmem>> -> memref<1x64xf32, #tpu.memory_space<vmem>>
      %dma_wait3A_682 = arith.constant 0 : i32
      %dma_wait3A_683 = tpu.memref_slice %arg4[%squeeze3A_377, %dma_wait3A_682] : memref<1000000x64xf32, #tpu.memory_space<hbm>> -> memref<1x64xf32, #tpu.memory_space<hbm>>
      tpu.wait_dma2 semaphore(%arg16 : memref<!tpu.dma_semaphore, #tpu.memory_space<semaphore_mem>>) src(%dma_wait3A_683 : memref<1x64xf32, #tpu.memory_space<hbm>>) dst(%dma_wait3A_681 : memref<1x64xf32, #tpu.memory_space<vmem>>)
      %dma_wait3A_684 = arith.constant 0 : i32
      %dma_wait3A_685 = tpu.memref_slice %arg15[%add3A_379, %dma_wait3A_684] : memref<256x64xf32, #tpu.memory_space<vmem>> -> memref<1x64xf32, #tpu.memory_space<vmem>>
      %dma_wait3A_686 = arith.constant 0 : i32
      %dma_wait3A_687 = tpu.memref_slice %arg6[%squeeze3A_377, %dma_wait3A_686] : memref<1000000x64xf32, #tpu.memory_space<hbm>> -> memref<1x64xf32, #tpu.memory_space<hbm>>
      %dma_wait3A_688 = arith.constant 0 : i32
      %dma_wait3A_689 = tpu.memref_slice %arg15[%add3A_379, %dma_wait3A_688] : memref<256x64xf32, #tpu.memory_space<vmem>> -> memref<1x64xf32, #tpu.memory_space<vmem>>
      %dma_wait3A_690 = arith.constant 0 : i32
      %dma_wait3A_691 = tpu.memref_slice %arg6[%squeeze3A_377, %dma_wait3A_690] : memref<1000000x64xf32, #tpu.memory_space<hbm>> -> memref<1x64xf32, #tpu.memory_space<hbm>>
      tpu.wait_dma2 semaphore(%arg16 : memref<!tpu.dma_semaphore, #tpu.memory_space<semaphore_mem>>) src(%dma_wait3A_691 : memref<1x64xf32, #tpu.memory_space<hbm>>) dst(%dma_wait3A_689 : memref<1x64xf32, #tpu.memory_space<vmem>>)
      %dma_wait3A_692 = arith.constant 0 : i32
      %dma_wait3A_693 = tpu.memref_slice %arg14[%add3A_399, %dma_wait3A_692] : memref<256x64xf32, #tpu.memory_space<vmem>> -> memref<1x64xf32, #tpu.memory_space<vmem>>
      %dma_wait3A_694 = arith.constant 0 : i32
      %dma_wait3A_695 = tpu.memref_slice %arg4[%squeeze3A_397, %dma_wait3A_694] : memref<1000000x64xf32, #tpu.memory_space<hbm>> -> memref<1x64xf32, #tpu.memory_space<hbm>>
      %dma_wait3A_696 = arith.constant 0 : i32
      %dma_wait3A_697 = tpu.memref_slice %arg14[%add3A_399, %dma_wait3A_696] : memref<256x64xf32, #tpu.memory_space<vmem>> -> memref<1x64xf32, #tpu.memory_space<vmem>>
      %dma_wait3A_698 = arith.constant 0 : i32
      %dma_wait3A_699 = tpu.memref_slice %arg4[%squeeze3A_397, %dma_wait3A_698] : memref<1000000x64xf32, #tpu.memory_space<hbm>> -> memref<1x64xf32, #tpu.memory_space<hbm>>
      tpu.wait_dma2 semaphore(%arg16 : memref<!tpu.dma_semaphore, #tpu.memory_space<semaphore_mem>>) src(%dma_wait3A_699 : memref<1x64xf32, #tpu.memory_space<hbm>>) dst(%dma_wait3A_697 : memref<1x64xf32, #tpu.memory_space<vmem>>)
      %dma_wait3A_700 = arith.constant 0 : i32
      %dma_wait3A_701 = tpu.memref_slice %arg15[%add3A_399, %dma_wait3A_700] : memref<256x64xf32, #tpu.memory_space<vmem>> -> memref<1x64xf32, #tpu.memory_space<vmem>>
      %dma_wait3A_702 = arith.constant 0 : i32
      %dma_wait3A_703 = tpu.memref_slice %arg6[%squeeze3A_397, %dma_wait3A_702] : memref<1000000x64xf32, #tpu.memory_space<hbm>> -> memref<1x64xf32, #tpu.memory_space<hbm>>
      %dma_wait3A_704 = arith.constant 0 : i32
      %dma_wait3A_705 = tpu.memref_slice %arg15[%add3A_399, %dma_wait3A_704] : memref<256x64xf32, #tpu.memory_space<vmem>> -> memref<1x64xf32, #tpu.memory_space<vmem>>
      %dma_wait3A_706 = arith.constant 0 : i32
      %dma_wait3A_707 = tpu.memref_slice %arg6[%squeeze3A_397, %dma_wait3A_706] : memref<1000000x64xf32, #tpu.memory_space<hbm>> -> memref<1x64xf32, #tpu.memory_space<hbm>>
      tpu.wait_dma2 semaphore(%arg16 : memref<!tpu.dma_semaphore, #tpu.memory_space<semaphore_mem>>) src(%dma_wait3A_707 : memref<1x64xf32, #tpu.memory_space<hbm>>) dst(%dma_wait3A_705 : memref<1x64xf32, #tpu.memory_space<vmem>>)
      %dma_wait3A_708 = arith.constant 0 : i32
      %dma_wait3A_709 = tpu.memref_slice %arg14[%add3A_419, %dma_wait3A_708] : memref<256x64xf32, #tpu.memory_space<vmem>> -> memref<1x64xf32, #tpu.memory_space<vmem>>
      %dma_wait3A_710 = arith.constant 0 : i32
      %dma_wait3A_711 = tpu.memref_slice %arg4[%squeeze3A_417, %dma_wait3A_710] : memref<1000000x64xf32, #tpu.memory_space<hbm>> -> memref<1x64xf32, #tpu.memory_space<hbm>>
      %dma_wait3A_712 = arith.constant 0 : i32
      %dma_wait3A_713 = tpu.memref_slice %arg14[%add3A_419, %dma_wait3A_712] : memref<256x64xf32, #tpu.memory_space<vmem>> -> memref<1x64xf32, #tpu.memory_space<vmem>>
      %dma_wait3A_714 = arith.constant 0 : i32
      %dma_wait3A_715 = tpu.memref_slice %arg4[%squeeze3A_417, %dma_wait3A_714] : memref<1000000x64xf32, #tpu.memory_space<hbm>> -> memref<1x64xf32, #tpu.memory_space<hbm>>
      tpu.wait_dma2 semaphore(%arg16 : memref<!tpu.dma_semaphore, #tpu.memory_space<semaphore_mem>>) src(%dma_wait3A_715 : memref<1x64xf32, #tpu.memory_space<hbm>>) dst(%dma_wait3A_713 : memref<1x64xf32, #tpu.memory_space<vmem>>)
      %dma_wait3A_716 = arith.constant 0 : i32
      %dma_wait3A_717 = tpu.memref_slice %arg15[%add3A_419, %dma_wait3A_716] : memref<256x64xf32, #tpu.memory_space<vmem>> -> memref<1x64xf32, #tpu.memory_space<vmem>>
      %dma_wait3A_718 = arith.constant 0 : i32
      %dma_wait3A_719 = tpu.memref_slice %arg6[%squeeze3A_417, %dma_wait3A_718] : memref<1000000x64xf32, #tpu.memory_space<hbm>> -> memref<1x64xf32, #tpu.memory_space<hbm>>
      %dma_wait3A_720 = arith.constant 0 : i32
      %dma_wait3A_721 = tpu.memref_slice %arg15[%add3A_419, %dma_wait3A_720] : memref<256x64xf32, #tpu.memory_space<vmem>> -> memref<1x64xf32, #tpu.memory_space<vmem>>
      %dma_wait3A_722 = arith.constant 0 : i32
      %dma_wait3A_723 = tpu.memref_slice %arg6[%squeeze3A_417, %dma_wait3A_722] : memref<1000000x64xf32, #tpu.memory_space<hbm>> -> memref<1x64xf32, #tpu.memory_space<hbm>>
      tpu.wait_dma2 semaphore(%arg16 : memref<!tpu.dma_semaphore, #tpu.memory_space<semaphore_mem>>) src(%dma_wait3A_723 : memref<1x64xf32, #tpu.memory_space<hbm>>) dst(%dma_wait3A_721 : memref<1x64xf32, #tpu.memory_space<vmem>>)
      %dma_wait3A_724 = arith.constant 0 : i32
      %dma_wait3A_725 = tpu.memref_slice %arg14[%add3A_439, %dma_wait3A_724] : memref<256x64xf32, #tpu.memory_space<vmem>> -> memref<1x64xf32, #tpu.memory_space<vmem>>
      %dma_wait3A_726 = arith.constant 0 : i32
      %dma_wait3A_727 = tpu.memref_slice %arg4[%squeeze3A_437, %dma_wait3A_726] : memref<1000000x64xf32, #tpu.memory_space<hbm>> -> memref<1x64xf32, #tpu.memory_space<hbm>>
      %dma_wait3A_728 = arith.constant 0 : i32
      %dma_wait3A_729 = tpu.memref_slice %arg14[%add3A_439, %dma_wait3A_728] : memref<256x64xf32, #tpu.memory_space<vmem>> -> memref<1x64xf32, #tpu.memory_space<vmem>>
      %dma_wait3A_730 = arith.constant 0 : i32
      %dma_wait3A_731 = tpu.memref_slice %arg4[%squeeze3A_437, %dma_wait3A_730] : memref<1000000x64xf32, #tpu.memory_space<hbm>> -> memref<1x64xf32, #tpu.memory_space<hbm>>
      tpu.wait_dma2 semaphore(%arg16 : memref<!tpu.dma_semaphore, #tpu.memory_space<semaphore_mem>>) src(%dma_wait3A_731 : memref<1x64xf32, #tpu.memory_space<hbm>>) dst(%dma_wait3A_729 : memref<1x64xf32, #tpu.memory_space<vmem>>)
      %dma_wait3A_732 = arith.constant 0 : i32
      %dma_wait3A_733 = tpu.memref_slice %arg15[%add3A_439, %dma_wait3A_732] : memref<256x64xf32, #tpu.memory_space<vmem>> -> memref<1x64xf32, #tpu.memory_space<vmem>>
      %dma_wait3A_734 = arith.constant 0 : i32
      %dma_wait3A_735 = tpu.memref_slice %arg6[%squeeze3A_437, %dma_wait3A_734] : memref<1000000x64xf32, #tpu.memory_space<hbm>> -> memref<1x64xf32, #tpu.memory_space<hbm>>
      %dma_wait3A_736 = arith.constant 0 : i32
      %dma_wait3A_737 = tpu.memref_slice %arg15[%add3A_439, %dma_wait3A_736] : memref<256x64xf32, #tpu.memory_space<vmem>> -> memref<1x64xf32, #tpu.memory_space<vmem>>
      %dma_wait3A_738 = arith.constant 0 : i32
      %dma_wait3A_739 = tpu.memref_slice %arg6[%squeeze3A_437, %dma_wait3A_738] : memref<1000000x64xf32, #tpu.memory_space<hbm>> -> memref<1x64xf32, #tpu.memory_space<hbm>>
      tpu.wait_dma2 semaphore(%arg16 : memref<!tpu.dma_semaphore, #tpu.memory_space<semaphore_mem>>) src(%dma_wait3A_739 : memref<1x64xf32, #tpu.memory_space<hbm>>) dst(%dma_wait3A_737 : memref<1x64xf32, #tpu.memory_space<vmem>>)
      %dma_wait3A_740 = arith.constant 0 : i32
      %dma_wait3A_741 = tpu.memref_slice %arg14[%add3A_459, %dma_wait3A_740] : memref<256x64xf32, #tpu.memory_space<vmem>> -> memref<1x64xf32, #tpu.memory_space<vmem>>
      %dma_wait3A_742 = arith.constant 0 : i32
      %dma_wait3A_743 = tpu.memref_slice %arg4[%squeeze3A_457, %dma_wait3A_742] : memref<1000000x64xf32, #tpu.memory_space<hbm>> -> memref<1x64xf32, #tpu.memory_space<hbm>>
      %dma_wait3A_744 = arith.constant 0 : i32
      %dma_wait3A_745 = tpu.memref_slice %arg14[%add3A_459, %dma_wait3A_744] : memref<256x64xf32, #tpu.memory_space<vmem>> -> memref<1x64xf32, #tpu.memory_space<vmem>>
      %dma_wait3A_746 = arith.constant 0 : i32
      %dma_wait3A_747 = tpu.memref_slice %arg4[%squeeze3A_457, %dma_wait3A_746] : memref<1000000x64xf32, #tpu.memory_space<hbm>> -> memref<1x64xf32, #tpu.memory_space<hbm>>
      tpu.wait_dma2 semaphore(%arg16 : memref<!tpu.dma_semaphore, #tpu.memory_space<semaphore_mem>>) src(%dma_wait3A_747 : memref<1x64xf32, #tpu.memory_space<hbm>>) dst(%dma_wait3A_745 : memref<1x64xf32, #tpu.memory_space<vmem>>)
      %dma_wait3A_748 = arith.constant 0 : i32
      %dma_wait3A_749 = tpu.memref_slice %arg15[%add3A_459, %dma_wait3A_748] : memref<256x64xf32, #tpu.memory_space<vmem>> -> memref<1x64xf32, #tpu.memory_space<vmem>>
      %dma_wait3A_750 = arith.constant 0 : i32
      %dma_wait3A_751 = tpu.memref_slice %arg6[%squeeze3A_457, %dma_wait3A_750] : memref<1000000x64xf32, #tpu.memory_space<hbm>> -> memref<1x64xf32, #tpu.memory_space<hbm>>
      %dma_wait3A_752 = arith.constant 0 : i32
      %dma_wait3A_753 = tpu.memref_slice %arg15[%add3A_459, %dma_wait3A_752] : memref<256x64xf32, #tpu.memory_space<vmem>> -> memref<1x64xf32, #tpu.memory_space<vmem>>
      %dma_wait3A_754 = arith.constant 0 : i32
      %dma_wait3A_755 = tpu.memref_slice %arg6[%squeeze3A_457, %dma_wait3A_754] : memref<1000000x64xf32, #tpu.memory_space<hbm>> -> memref<1x64xf32, #tpu.memory_space<hbm>>
      tpu.wait_dma2 semaphore(%arg16 : memref<!tpu.dma_semaphore, #tpu.memory_space<semaphore_mem>>) src(%dma_wait3A_755 : memref<1x64xf32, #tpu.memory_space<hbm>>) dst(%dma_wait3A_753 : memref<1x64xf32, #tpu.memory_space<vmem>>)
      %dma_wait3A_756 = arith.constant 0 : i32
      %dma_wait3A_757 = tpu.memref_slice %arg14[%add3A_479, %dma_wait3A_756] : memref<256x64xf32, #tpu.memory_space<vmem>> -> memref<1x64xf32, #tpu.memory_space<vmem>>
      %dma_wait3A_758 = arith.constant 0 : i32
      %dma_wait3A_759 = tpu.memref_slice %arg4[%squeeze3A_477, %dma_wait3A_758] : memref<1000000x64xf32, #tpu.memory_space<hbm>> -> memref<1x64xf32, #tpu.memory_space<hbm>>
      %dma_wait3A_760 = arith.constant 0 : i32
      %dma_wait3A_761 = tpu.memref_slice %arg14[%add3A_479, %dma_wait3A_760] : memref<256x64xf32, #tpu.memory_space<vmem>> -> memref<1x64xf32, #tpu.memory_space<vmem>>
      %dma_wait3A_762 = arith.constant 0 : i32
      %dma_wait3A_763 = tpu.memref_slice %arg4[%squeeze3A_477, %dma_wait3A_762] : memref<1000000x64xf32, #tpu.memory_space<hbm>> -> memref<1x64xf32, #tpu.memory_space<hbm>>
      tpu.wait_dma2 semaphore(%arg16 : memref<!tpu.dma_semaphore, #tpu.memory_space<semaphore_mem>>) src(%dma_wait3A_763 : memref<1x64xf32, #tpu.memory_space<hbm>>) dst(%dma_wait3A_761 : memref<1x64xf32, #tpu.memory_space<vmem>>)
      %dma_wait3A_764 = arith.constant 0 : i32
      %dma_wait3A_765 = tpu.memref_slice %arg15[%add3A_479, %dma_wait3A_764] : memref<256x64xf32, #tpu.memory_space<vmem>> -> memref<1x64xf32, #tpu.memory_space<vmem>>
      %dma_wait3A_766 = arith.constant 0 : i32
      %dma_wait3A_767 = tpu.memref_slice %arg6[%squeeze3A_477, %dma_wait3A_766] : memref<1000000x64xf32, #tpu.memory_space<hbm>> -> memref<1x64xf32, #tpu.memory_space<hbm>>
      %dma_wait3A_768 = arith.constant 0 : i32
      %dma_wait3A_769 = tpu.memref_slice %arg15[%add3A_479, %dma_wait3A_768] : memref<256x64xf32, #tpu.memory_space<vmem>> -> memref<1x64xf32, #tpu.memory_space<vmem>>
      %dma_wait3A_770 = arith.constant 0 : i32
      %dma_wait3A_771 = tpu.memref_slice %arg6[%squeeze3A_477, %dma_wait3A_770] : memref<1000000x64xf32, #tpu.memory_space<hbm>> -> memref<1x64xf32, #tpu.memory_space<hbm>>
      tpu.wait_dma2 semaphore(%arg16 : memref<!tpu.dma_semaphore, #tpu.memory_space<semaphore_mem>>) src(%dma_wait3A_771 : memref<1x64xf32, #tpu.memory_space<hbm>>) dst(%dma_wait3A_769 : memref<1x64xf32, #tpu.memory_space<vmem>>)
      %dma_wait3A_772 = arith.constant 0 : i32
      %dma_wait3A_773 = tpu.memref_slice %arg14[%add3A_499, %dma_wait3A_772] : memref<256x64xf32, #tpu.memory_space<vmem>> -> memref<1x64xf32, #tpu.memory_space<vmem>>
      %dma_wait3A_774 = arith.constant 0 : i32
      %dma_wait3A_775 = tpu.memref_slice %arg4[%squeeze3A_497, %dma_wait3A_774] : memref<1000000x64xf32, #tpu.memory_space<hbm>> -> memref<1x64xf32, #tpu.memory_space<hbm>>
      %dma_wait3A_776 = arith.constant 0 : i32
      %dma_wait3A_777 = tpu.memref_slice %arg14[%add3A_499, %dma_wait3A_776] : memref<256x64xf32, #tpu.memory_space<vmem>> -> memref<1x64xf32, #tpu.memory_space<vmem>>
      %dma_wait3A_778 = arith.constant 0 : i32
      %dma_wait3A_779 = tpu.memref_slice %arg4[%squeeze3A_497, %dma_wait3A_778] : memref<1000000x64xf32, #tpu.memory_space<hbm>> -> memref<1x64xf32, #tpu.memory_space<hbm>>
      tpu.wait_dma2 semaphore(%arg16 : memref<!tpu.dma_semaphore, #tpu.memory_space<semaphore_mem>>) src(%dma_wait3A_779 : memref<1x64xf32, #tpu.memory_space<hbm>>) dst(%dma_wait3A_777 : memref<1x64xf32, #tpu.memory_space<vmem>>)
      %dma_wait3A_780 = arith.constant 0 : i32
      %dma_wait3A_781 = tpu.memref_slice %arg15[%add3A_499, %dma_wait3A_780] : memref<256x64xf32, #tpu.memory_space<vmem>> -> memref<1x64xf32, #tpu.memory_space<vmem>>
      %dma_wait3A_782 = arith.constant 0 : i32
      %dma_wait3A_783 = tpu.memref_slice %arg6[%squeeze3A_497, %dma_wait3A_782] : memref<1000000x64xf32, #tpu.memory_space<hbm>> -> memref<1x64xf32, #tpu.memory_space<hbm>>
      %dma_wait3A_784 = arith.constant 0 : i32
      %dma_wait3A_785 = tpu.memref_slice %arg15[%add3A_499, %dma_wait3A_784] : memref<256x64xf32, #tpu.memory_space<vmem>> -> memref<1x64xf32, #tpu.memory_space<vmem>>
      %dma_wait3A_786 = arith.constant 0 : i32
      %dma_wait3A_787 = tpu.memref_slice %arg6[%squeeze3A_497, %dma_wait3A_786] : memref<1000000x64xf32, #tpu.memory_space<hbm>> -> memref<1x64xf32, #tpu.memory_space<hbm>>
      tpu.wait_dma2 semaphore(%arg16 : memref<!tpu.dma_semaphore, #tpu.memory_space<semaphore_mem>>) src(%dma_wait3A_787 : memref<1x64xf32, #tpu.memory_space<hbm>>) dst(%dma_wait3A_785 : memref<1x64xf32, #tpu.memory_space<vmem>>)
      %dma_wait3A_788 = arith.constant 0 : i32
      %dma_wait3A_789 = tpu.memref_slice %arg14[%add3A_519, %dma_wait3A_788] : memref<256x64xf32, #tpu.memory_space<vmem>> -> memref<1x64xf32, #tpu.memory_space<vmem>>
      %dma_wait3A_790 = arith.constant 0 : i32
      %dma_wait3A_791 = tpu.memref_slice %arg4[%squeeze3A_517, %dma_wait3A_790] : memref<1000000x64xf32, #tpu.memory_space<hbm>> -> memref<1x64xf32, #tpu.memory_space<hbm>>
      %dma_wait3A_792 = arith.constant 0 : i32
      %dma_wait3A_793 = tpu.memref_slice %arg14[%add3A_519, %dma_wait3A_792] : memref<256x64xf32, #tpu.memory_space<vmem>> -> memref<1x64xf32, #tpu.memory_space<vmem>>
      %dma_wait3A_794 = arith.constant 0 : i32
      %dma_wait3A_795 = tpu.memref_slice %arg4[%squeeze3A_517, %dma_wait3A_794] : memref<1000000x64xf32, #tpu.memory_space<hbm>> -> memref<1x64xf32, #tpu.memory_space<hbm>>
      tpu.wait_dma2 semaphore(%arg16 : memref<!tpu.dma_semaphore, #tpu.memory_space<semaphore_mem>>) src(%dma_wait3A_795 : memref<1x64xf32, #tpu.memory_space<hbm>>) dst(%dma_wait3A_793 : memref<1x64xf32, #tpu.memory_space<vmem>>)
      %dma_wait3A_796 = arith.constant 0 : i32
      %dma_wait3A_797 = tpu.memref_slice %arg15[%add3A_519, %dma_wait3A_796] : memref<256x64xf32, #tpu.memory_space<vmem>> -> memref<1x64xf32, #tpu.memory_space<vmem>>
      %dma_wait3A_798 = arith.constant 0 : i32
      %dma_wait3A_799 = tpu.memref_slice %arg6[%squeeze3A_517, %dma_wait3A_798] : memref<1000000x64xf32, #tpu.memory_space<hbm>> -> memref<1x64xf32, #tpu.memory_space<hbm>>
      %dma_wait3A_800 = arith.constant 0 : i32
      %dma_wait3A_801 = tpu.memref_slice %arg15[%add3A_519, %dma_wait3A_800] : memref<256x64xf32, #tpu.memory_space<vmem>> -> memref<1x64xf32, #tpu.memory_space<vmem>>
      %dma_wait3A_802 = arith.constant 0 : i32
      %dma_wait3A_803 = tpu.memref_slice %arg6[%squeeze3A_517, %dma_wait3A_802] : memref<1000000x64xf32, #tpu.memory_space<hbm>> -> memref<1x64xf32, #tpu.memory_space<hbm>>
      tpu.wait_dma2 semaphore(%arg16 : memref<!tpu.dma_semaphore, #tpu.memory_space<semaphore_mem>>) src(%dma_wait3A_803 : memref<1x64xf32, #tpu.memory_space<hbm>>) dst(%dma_wait3A_801 : memref<1x64xf32, #tpu.memory_space<vmem>>)
      %dma_wait3A_804 = arith.constant 0 : i32
      %dma_wait3A_805 = tpu.memref_slice %arg14[%add3A_539, %dma_wait3A_804] : memref<256x64xf32, #tpu.memory_space<vmem>> -> memref<1x64xf32, #tpu.memory_space<vmem>>
      %dma_wait3A_806 = arith.constant 0 : i32
      %dma_wait3A_807 = tpu.memref_slice %arg4[%squeeze3A_537, %dma_wait3A_806] : memref<1000000x64xf32, #tpu.memory_space<hbm>> -> memref<1x64xf32, #tpu.memory_space<hbm>>
      %dma_wait3A_808 = arith.constant 0 : i32
      %dma_wait3A_809 = tpu.memref_slice %arg14[%add3A_539, %dma_wait3A_808] : memref<256x64xf32, #tpu.memory_space<vmem>> -> memref<1x64xf32, #tpu.memory_space<vmem>>
      %dma_wait3A_810 = arith.constant 0 : i32
      %dma_wait3A_811 = tpu.memref_slice %arg4[%squeeze3A_537, %dma_wait3A_810] : memref<1000000x64xf32, #tpu.memory_space<hbm>> -> memref<1x64xf32, #tpu.memory_space<hbm>>
      tpu.wait_dma2 semaphore(%arg16 : memref<!tpu.dma_semaphore, #tpu.memory_space<semaphore_mem>>) src(%dma_wait3A_811 : memref<1x64xf32, #tpu.memory_space<hbm>>) dst(%dma_wait3A_809 : memref<1x64xf32, #tpu.memory_space<vmem>>)
      %dma_wait3A_812 = arith.constant 0 : i32
      %dma_wait3A_813 = tpu.memref_slice %arg15[%add3A_539, %dma_wait3A_812] : memref<256x64xf32, #tpu.memory_space<vmem>> -> memref<1x64xf32, #tpu.memory_space<vmem>>
      %dma_wait3A_814 = arith.constant 0 : i32
      %dma_wait3A_815 = tpu.memref_slice %arg6[%squeeze3A_537, %dma_wait3A_814] : memref<1000000x64xf32, #tpu.memory_space<hbm>> -> memref<1x64xf32, #tpu.memory_space<hbm>>
      %dma_wait3A_816 = arith.constant 0 : i32
      %dma_wait3A_817 = tpu.memref_slice %arg15[%add3A_539, %dma_wait3A_816] : memref<256x64xf32, #tpu.memory_space<vmem>> -> memref<1x64xf32, #tpu.memory_space<vmem>>
      %dma_wait3A_818 = arith.constant 0 : i32
      %dma_wait3A_819 = tpu.memref_slice %arg6[%squeeze3A_537, %dma_wait3A_818] : memref<1000000x64xf32, #tpu.memory_space<hbm>> -> memref<1x64xf32, #tpu.memory_space<hbm>>
      tpu.wait_dma2 semaphore(%arg16 : memref<!tpu.dma_semaphore, #tpu.memory_space<semaphore_mem>>) src(%dma_wait3A_819 : memref<1x64xf32, #tpu.memory_space<hbm>>) dst(%dma_wait3A_817 : memref<1x64xf32, #tpu.memory_space<vmem>>)
      %dma_wait3A_820 = arith.constant 0 : i32
      %dma_wait3A_821 = tpu.memref_slice %arg14[%add3A_559, %dma_wait3A_820] : memref<256x64xf32, #tpu.memory_space<vmem>> -> memref<1x64xf32, #tpu.memory_space<vmem>>
      %dma_wait3A_822 = arith.constant 0 : i32
      %dma_wait3A_823 = tpu.memref_slice %arg4[%squeeze3A_557, %dma_wait3A_822] : memref<1000000x64xf32, #tpu.memory_space<hbm>> -> memref<1x64xf32, #tpu.memory_space<hbm>>
      %dma_wait3A_824 = arith.constant 0 : i32
      %dma_wait3A_825 = tpu.memref_slice %arg14[%add3A_559, %dma_wait3A_824] : memref<256x64xf32, #tpu.memory_space<vmem>> -> memref<1x64xf32, #tpu.memory_space<vmem>>
      %dma_wait3A_826 = arith.constant 0 : i32
      %dma_wait3A_827 = tpu.memref_slice %arg4[%squeeze3A_557, %dma_wait3A_826] : memref<1000000x64xf32, #tpu.memory_space<hbm>> -> memref<1x64xf32, #tpu.memory_space<hbm>>
      tpu.wait_dma2 semaphore(%arg16 : memref<!tpu.dma_semaphore, #tpu.memory_space<semaphore_mem>>) src(%dma_wait3A_827 : memref<1x64xf32, #tpu.memory_space<hbm>>) dst(%dma_wait3A_825 : memref<1x64xf32, #tpu.memory_space<vmem>>)
      %dma_wait3A_828 = arith.constant 0 : i32
      %dma_wait3A_829 = tpu.memref_slice %arg15[%add3A_559, %dma_wait3A_828] : memref<256x64xf32, #tpu.memory_space<vmem>> -> memref<1x64xf32, #tpu.memory_space<vmem>>
      %dma_wait3A_830 = arith.constant 0 : i32
      %dma_wait3A_831 = tpu.memref_slice %arg6[%squeeze3A_557, %dma_wait3A_830] : memref<1000000x64xf32, #tpu.memory_space<hbm>> -> memref<1x64xf32, #tpu.memory_space<hbm>>
      %dma_wait3A_832 = arith.constant 0 : i32
      %dma_wait3A_833 = tpu.memref_slice %arg15[%add3A_559, %dma_wait3A_832] : memref<256x64xf32, #tpu.memory_space<vmem>> -> memref<1x64xf32, #tpu.memory_space<vmem>>
      %dma_wait3A_834 = arith.constant 0 : i32
      %dma_wait3A_835 = tpu.memref_slice %arg6[%squeeze3A_557, %dma_wait3A_834] : memref<1000000x64xf32, #tpu.memory_space<hbm>> -> memref<1x64xf32, #tpu.memory_space<hbm>>
      tpu.wait_dma2 semaphore(%arg16 : memref<!tpu.dma_semaphore, #tpu.memory_space<semaphore_mem>>) src(%dma_wait3A_835 : memref<1x64xf32, #tpu.memory_space<hbm>>) dst(%dma_wait3A_833 : memref<1x64xf32, #tpu.memory_space<vmem>>)
      %dma_wait3A_836 = arith.constant 0 : i32
      %dma_wait3A_837 = tpu.memref_slice %arg14[%add3A_579, %dma_wait3A_836] : memref<256x64xf32, #tpu.memory_space<vmem>> -> memref<1x64xf32, #tpu.memory_space<vmem>>
      %dma_wait3A_838 = arith.constant 0 : i32
      %dma_wait3A_839 = tpu.memref_slice %arg4[%squeeze3A_577, %dma_wait3A_838] : memref<1000000x64xf32, #tpu.memory_space<hbm>> -> memref<1x64xf32, #tpu.memory_space<hbm>>
      %dma_wait3A_840 = arith.constant 0 : i32
      %dma_wait3A_841 = tpu.memref_slice %arg14[%add3A_579, %dma_wait3A_840] : memref<256x64xf32, #tpu.memory_space<vmem>> -> memref<1x64xf32, #tpu.memory_space<vmem>>
      %dma_wait3A_842 = arith.constant 0 : i32
      %dma_wait3A_843 = tpu.memref_slice %arg4[%squeeze3A_577, %dma_wait3A_842] : memref<1000000x64xf32, #tpu.memory_space<hbm>> -> memref<1x64xf32, #tpu.memory_space<hbm>>
      tpu.wait_dma2 semaphore(%arg16 : memref<!tpu.dma_semaphore, #tpu.memory_space<semaphore_mem>>) src(%dma_wait3A_843 : memref<1x64xf32, #tpu.memory_space<hbm>>) dst(%dma_wait3A_841 : memref<1x64xf32, #tpu.memory_space<vmem>>)
      %dma_wait3A_844 = arith.constant 0 : i32
      %dma_wait3A_845 = tpu.memref_slice %arg15[%add3A_579, %dma_wait3A_844] : memref<256x64xf32, #tpu.memory_space<vmem>> -> memref<1x64xf32, #tpu.memory_space<vmem>>
      %dma_wait3A_846 = arith.constant 0 : i32
      %dma_wait3A_847 = tpu.memref_slice %arg6[%squeeze3A_577, %dma_wait3A_846] : memref<1000000x64xf32, #tpu.memory_space<hbm>> -> memref<1x64xf32, #tpu.memory_space<hbm>>
      %dma_wait3A_848 = arith.constant 0 : i32
      %dma_wait3A_849 = tpu.memref_slice %arg15[%add3A_579, %dma_wait3A_848] : memref<256x64xf32, #tpu.memory_space<vmem>> -> memref<1x64xf32, #tpu.memory_space<vmem>>
      %dma_wait3A_850 = arith.constant 0 : i32
      %dma_wait3A_851 = tpu.memref_slice %arg6[%squeeze3A_577, %dma_wait3A_850] : memref<1000000x64xf32, #tpu.memory_space<hbm>> -> memref<1x64xf32, #tpu.memory_space<hbm>>
      tpu.wait_dma2 semaphore(%arg16 : memref<!tpu.dma_semaphore, #tpu.memory_space<semaphore_mem>>) src(%dma_wait3A_851 : memref<1x64xf32, #tpu.memory_space<hbm>>) dst(%dma_wait3A_849 : memref<1x64xf32, #tpu.memory_space<vmem>>)
    }
    %scan3A_6 = arith.constant 16 : i32
    %add3A_7 = arith.constant 0 : i32
    %add3A_8 = arith.addi %mul3A_2, %add3A_7 : i32
    "tpu.region"() ({
      %run_scoped3A = tpu.sem_alloc : memref<!tpu.dma_semaphore, #tpu.memory_space<semaphore_mem>>
      %dma_start3A = arith.constant 0 : i32
      %dma_start3A_25 = tpu.memref_slice %arg8[%add3A_8, %dma_start3A] : memref<16384x64xf32, #tpu.memory_space<hbm>> -> memref<256x64xf32, #tpu.memory_space<hbm>>
      %dma_start3A_26 = arith.constant 0 : i32
      %dma_start3A_27 = tpu.memref_slice %arg8[%add3A_8, %dma_start3A_26] : memref<16384x64xf32, #tpu.memory_space<hbm>> -> memref<256x64xf32, #tpu.memory_space<hbm>>
      tpu.enqueue_dma source(%arg14 : memref<256x64xf32, #tpu.memory_space<vmem>>) target(%dma_start3A_27 : memref<256x64xf32, #tpu.memory_space<hbm>>) target_semaphore(%run_scoped3A : memref<!tpu.dma_semaphore, #tpu.memory_space<semaphore_mem>>)
      %dma_wait3A_28 = arith.constant 0 : i32
      %dma_wait3A_29 = tpu.memref_slice %arg8[%add3A_8, %dma_wait3A_28] : memref<16384x64xf32, #tpu.memory_space<hbm>> -> memref<256x64xf32, #tpu.memory_space<hbm>>
      %dma_wait3A_30 = arith.constant 0 : i32
      %dma_wait3A_31 = tpu.memref_slice %arg8[%add3A_8, %dma_wait3A_30] : memref<16384x64xf32, #tpu.memory_space<hbm>> -> memref<256x64xf32, #tpu.memory_space<hbm>>
      tpu.wait_dma2 semaphore(%run_scoped3A : memref<!tpu.dma_semaphore, #tpu.memory_space<semaphore_mem>>) src(%arg14 : memref<256x64xf32, #tpu.memory_space<vmem>>) dst(%dma_wait3A_31 : memref<256x64xf32, #tpu.memory_space<hbm>>)
      tpu.yield
    }) : () -> ()
    "tpu.region"() ({
      %run_scoped3A = tpu.sem_alloc : memref<!tpu.dma_semaphore, #tpu.memory_space<semaphore_mem>>
      %dma_start3A = arith.constant 0 : i32
      %dma_start3A_25 = tpu.memref_slice %arg10[%add3A_8, %dma_start3A] : memref<16384x64xf32, #tpu.memory_space<hbm>> -> memref<256x64xf32, #tpu.memory_space<hbm>>
      %dma_start3A_26 = arith.constant 0 : i32
      %dma_start3A_27 = tpu.memref_slice %arg10[%add3A_8, %dma_start3A_26] : memref<16384x64xf32, #tpu.memory_space<hbm>> -> memref<256x64xf32, #tpu.memory_space<hbm>>
      tpu.enqueue_dma source(%arg15 : memref<256x64xf32, #tpu.memory_space<vmem>>) target(%dma_start3A_27 : memref<256x64xf32, #tpu.memory_space<hbm>>) target_semaphore(%run_scoped3A : memref<!tpu.dma_semaphore, #tpu.memory_space<semaphore_mem>>)
      %dma_wait3A_28 = arith.constant 0 : i32
      %dma_wait3A_29 = tpu.memref_slice %arg10[%add3A_8, %dma_wait3A_28] : memref<16384x64xf32, #tpu.memory_space<hbm>> -> memref<256x64xf32, #tpu.memory_space<hbm>>
      %dma_wait3A_30 = arith.constant 0 : i32
      %dma_wait3A_31 = tpu.memref_slice %arg10[%add3A_8, %dma_wait3A_30] : memref<16384x64xf32, #tpu.memory_space<hbm>> -> memref<256x64xf32, #tpu.memory_space<hbm>>
      tpu.wait_dma2 semaphore(%run_scoped3A : memref<!tpu.dma_semaphore, #tpu.memory_space<semaphore_mem>>) src(%arg15 : memref<256x64xf32, #tpu.memory_space<vmem>>) dst(%dma_wait3A_31 : memref<256x64xf32, #tpu.memory_space<hbm>>)
      tpu.yield
    }) : () -> ()
    %scan3A_9 = arith.constant 0 : i32
    %scan3A_10 = arith.constant 16 : i32
    %scan3A_11 = arith.addi %scan3A_9, %scan3A_10 : i32
    %scan3A_12 = arith.constant 1 : i32
    scf.for %scan3A_25 = %scan3A_9 to %scan3A_11 step %scan3A_12  : i32 {
      %mul3A_26 = arith.constant 16 : i32
      %mul3A_27 = arith.muli %scan3A_25, %mul3A_26 : i32
      %add3A_28 = arith.constant 0 : i32
      %add3A_29 = arith.addi %add3A_28, %mul3A_27 : i32
      %add3A_30 = arith.constant 256 : i32
      %add3A_31 = arith.addi %add3A_30, %add3A_29 : i32
      %get3A = arith.index_cast %add3A_31 : i32 to index
      %get3A_32 = tpu.vector_load %arg13[%get3A] {strides = array<i32>} : memref<512xi32, #tpu.memory_space<vmem>>, vector<16xi32>,
      %get3A_33 = vector.shape_cast %get3A_32 : vector<16xi32> to vector<16xi32>
      %slice3A = vector.extract_strided_slice %get3A_33 {offsets = [0], sizes = [1], strides = [1]} : vector<16xi32> to vector<1xi32>
      %squeeze3A = vector.extract %slice3A[0] : i32 from vector<1xi32>
      %add3A_34 = arith.constant 256 : i32
      %add3A_35 = arith.addi %mul3A_2, %add3A_34 : i32
      %add3A_36 = arith.addi %add3A_35, %add3A_29 : i32
      %add3A_37 = arith.constant 0 : i32
      %add3A_38 = arith.addi %add3A_36, %add3A_37 : i32
      %dma_start3A = arith.constant 0 : i32
      %dma_start3A_39 = tpu.memref_slice %arg9[%add3A_38, %dma_start3A] : memref<16384x64xf32, #tpu.memory_space<hbm>> -> memref<1x64xf32, #tpu.memory_space<hbm>>
      %dma_start3A_40 = arith.constant 0 : i32
      %dma_start3A_41 = tpu.memref_slice %arg5[%squeeze3A, %dma_start3A_40] : memref<100000x64xf32, #tpu.memory_space<hbm>> -> memref<1x64xf32, #tpu.memory_space<hbm>>
      tpu.enqueue_dma source(%dma_start3A_41 : memref<1x64xf32, #tpu.memory_space<hbm>>) target(%dma_start3A_39 : memref<1x64xf32, #tpu.memory_space<hbm>>) target_semaphore(%arg17 : memref<!tpu.dma_semaphore, #tpu.memory_space<semaphore_mem>>)
      %dma_start3A_42 = arith.constant 0 : i32
      %dma_start3A_43 = tpu.memref_slice %arg11[%add3A_38, %dma_start3A_42] : memref<16384x64xf32, #tpu.memory_space<hbm>> -> memref<1x64xf32, #tpu.memory_space<hbm>>
      %dma_start3A_44 = arith.constant 0 : i32
      %dma_start3A_45 = tpu.memref_slice %arg7[%squeeze3A, %dma_start3A_44] : memref<100000x64xf32, #tpu.memory_space<hbm>> -> memref<1x64xf32, #tpu.memory_space<hbm>>
      tpu.enqueue_dma source(%dma_start3A_45 : memref<1x64xf32, #tpu.memory_space<hbm>>) target(%dma_start3A_43 : memref<1x64xf32, #tpu.memory_space<hbm>>) target_semaphore(%arg17 : memref<!tpu.dma_semaphore, #tpu.memory_space<semaphore_mem>>)
      %slice3A_46 = vector.extract_strided_slice %get3A_33 {offsets = [1], sizes = [1], strides = [1]} : vector<16xi32> to vector<1xi32>
      %squeeze3A_47 = vector.extract %slice3A_46[0] : i32 from vector<1xi32>
      %add3A_48 = arith.constant 256 : i32
      %add3A_49 = arith.addi %mul3A_2, %add3A_48 : i32
      %add3A_50 = arith.addi %add3A_49, %add3A_29 : i32
      %add3A_51 = arith.constant 1 : i32
      %add3A_52 = arith.addi %add3A_50, %add3A_51 : i32
      %dma_start3A_53 = arith.constant 0 : i32
      %dma_start3A_54 = tpu.memref_slice %arg9[%add3A_52, %dma_start3A_53] : memref<16384x64xf32, #tpu.memory_space<hbm>> -> memref<1x64xf32, #tpu.memory_space<hbm>>
      %dma_start3A_55 = arith.constant 0 : i32
      %dma_start3A_56 = tpu.memref_slice %arg5[%squeeze3A_47, %dma_start3A_55] : memref<100000x64xf32, #tpu.memory_space<hbm>> -> memref<1x64xf32, #tpu.memory_space<hbm>>
      tpu.enqueue_dma source(%dma_start3A_56 : memref<1x64xf32, #tpu.memory_space<hbm>>) target(%dma_start3A_54 : memref<1x64xf32, #tpu.memory_space<hbm>>) target_semaphore(%arg17 : memref<!tpu.dma_semaphore, #tpu.memory_space<semaphore_mem>>)
      %dma_start3A_57 = arith.constant 0 : i32
      %dma_start3A_58 = tpu.memref_slice %arg11[%add3A_52, %dma_start3A_57] : memref<16384x64xf32, #tpu.memory_space<hbm>> -> memref<1x64xf32, #tpu.memory_space<hbm>>
      %dma_start3A_59 = arith.constant 0 : i32
      %dma_start3A_60 = tpu.memref_slice %arg7[%squeeze3A_47, %dma_start3A_59] : memref<100000x64xf32, #tpu.memory_space<hbm>> -> memref<1x64xf32, #tpu.memory_space<hbm>>
      tpu.enqueue_dma source(%dma_start3A_60 : memref<1x64xf32, #tpu.memory_space<hbm>>) target(%dma_start3A_58 : memref<1x64xf32, #tpu.memory_space<hbm>>) target_semaphore(%arg17 : memref<!tpu.dma_semaphore, #tpu.memory_space<semaphore_mem>>)
      %slice3A_61 = vector.extract_strided_slice %get3A_33 {offsets = [2], sizes = [1], strides = [1]} : vector<16xi32> to vector<1xi32>
      %squeeze3A_62 = vector.extract %slice3A_61[0] : i32 from vector<1xi32>
      %add3A_63 = arith.constant 256 : i32
      %add3A_64 = arith.addi %mul3A_2, %add3A_63 : i32
      %add3A_65 = arith.addi %add3A_64, %add3A_29 : i32
      %add3A_66 = arith.constant 2 : i32
      %add3A_67 = arith.addi %add3A_65, %add3A_66 : i32
      %dma_start3A_68 = arith.constant 0 : i32
      %dma_start3A_69 = tpu.memref_slice %arg9[%add3A_67, %dma_start3A_68] : memref<16384x64xf32, #tpu.memory_space<hbm>> -> memref<1x64xf32, #tpu.memory_space<hbm>>
      %dma_start3A_70 = arith.constant 0 : i32
      %dma_start3A_71 = tpu.memref_slice %arg5[%squeeze3A_62, %dma_start3A_70] : memref<100000x64xf32, #tpu.memory_space<hbm>> -> memref<1x64xf32, #tpu.memory_space<hbm>>
      tpu.enqueue_dma source(%dma_start3A_71 : memref<1x64xf32, #tpu.memory_space<hbm>>) target(%dma_start3A_69 : memref<1x64xf32, #tpu.memory_space<hbm>>) target_semaphore(%arg17 : memref<!tpu.dma_semaphore, #tpu.memory_space<semaphore_mem>>)
      %dma_start3A_72 = arith.constant 0 : i32
      %dma_start3A_73 = tpu.memref_slice %arg11[%add3A_67, %dma_start3A_72] : memref<16384x64xf32, #tpu.memory_space<hbm>> -> memref<1x64xf32, #tpu.memory_space<hbm>>
      %dma_start3A_74 = arith.constant 0 : i32
      %dma_start3A_75 = tpu.memref_slice %arg7[%squeeze3A_62, %dma_start3A_74] : memref<100000x64xf32, #tpu.memory_space<hbm>> -> memref<1x64xf32, #tpu.memory_space<hbm>>
      tpu.enqueue_dma source(%dma_start3A_75 : memref<1x64xf32, #tpu.memory_space<hbm>>) target(%dma_start3A_73 : memref<1x64xf32, #tpu.memory_space<hbm>>) target_semaphore(%arg17 : memref<!tpu.dma_semaphore, #tpu.memory_space<semaphore_mem>>)
      %slice3A_76 = vector.extract_strided_slice %get3A_33 {offsets = [3], sizes = [1], strides = [1]} : vector<16xi32> to vector<1xi32>
      %squeeze3A_77 = vector.extract %slice3A_76[0] : i32 from vector<1xi32>
      %add3A_78 = arith.constant 256 : i32
      %add3A_79 = arith.addi %mul3A_2, %add3A_78 : i32
      %add3A_80 = arith.addi %add3A_79, %add3A_29 : i32
      %add3A_81 = arith.constant 3 : i32
      %add3A_82 = arith.addi %add3A_80, %add3A_81 : i32
      %dma_start3A_83 = arith.constant 0 : i32
      %dma_start3A_84 = tpu.memref_slice %arg9[%add3A_82, %dma_start3A_83] : memref<16384x64xf32, #tpu.memory_space<hbm>> -> memref<1x64xf32, #tpu.memory_space<hbm>>
      %dma_start3A_85 = arith.constant 0 : i32
      %dma_start3A_86 = tpu.memref_slice %arg5[%squeeze3A_77, %dma_start3A_85] : memref<100000x64xf32, #tpu.memory_space<hbm>> -> memref<1x64xf32, #tpu.memory_space<hbm>>
      tpu.enqueue_dma source(%dma_start3A_86 : memref<1x64xf32, #tpu.memory_space<hbm>>) target(%dma_start3A_84 : memref<1x64xf32, #tpu.memory_space<hbm>>) target_semaphore(%arg17 : memref<!tpu.dma_semaphore, #tpu.memory_space<semaphore_mem>>)
      %dma_start3A_87 = arith.constant 0 : i32
      %dma_start3A_88 = tpu.memref_slice %arg11[%add3A_82, %dma_start3A_87] : memref<16384x64xf32, #tpu.memory_space<hbm>> -> memref<1x64xf32, #tpu.memory_space<hbm>>
      %dma_start3A_89 = arith.constant 0 : i32
      %dma_start3A_90 = tpu.memref_slice %arg7[%squeeze3A_77, %dma_start3A_89] : memref<100000x64xf32, #tpu.memory_space<hbm>> -> memref<1x64xf32, #tpu.memory_space<hbm>>
      tpu.enqueue_dma source(%dma_start3A_90 : memref<1x64xf32, #tpu.memory_space<hbm>>) target(%dma_start3A_88 : memref<1x64xf32, #tpu.memory_space<hbm>>) target_semaphore(%arg17 : memref<!tpu.dma_semaphore, #tpu.memory_space<semaphore_mem>>)
      %slice3A_91 = vector.extract_strided_slice %get3A_33 {offsets = [4], sizes = [1], strides = [1]} : vector<16xi32> to vector<1xi32>
      %squeeze3A_92 = vector.extract %slice3A_91[0] : i32 from vector<1xi32>
      %add3A_93 = arith.constant 256 : i32
      %add3A_94 = arith.addi %mul3A_2, %add3A_93 : i32
      %add3A_95 = arith.addi %add3A_94, %add3A_29 : i32
      %add3A_96 = arith.constant 4 : i32
      %add3A_97 = arith.addi %add3A_95, %add3A_96 : i32
      %dma_start3A_98 = arith.constant 0 : i32
      %dma_start3A_99 = tpu.memref_slice %arg9[%add3A_97, %dma_start3A_98] : memref<16384x64xf32, #tpu.memory_space<hbm>> -> memref<1x64xf32, #tpu.memory_space<hbm>>
      %dma_start3A_100 = arith.constant 0 : i32
      %dma_start3A_101 = tpu.memref_slice %arg5[%squeeze3A_92, %dma_start3A_100] : memref<100000x64xf32, #tpu.memory_space<hbm>> -> memref<1x64xf32, #tpu.memory_space<hbm>>
      tpu.enqueue_dma source(%dma_start3A_101 : memref<1x64xf32, #tpu.memory_space<hbm>>) target(%dma_start3A_99 : memref<1x64xf32, #tpu.memory_space<hbm>>) target_semaphore(%arg17 : memref<!tpu.dma_semaphore, #tpu.memory_space<semaphore_mem>>)
      %dma_start3A_102 = arith.constant 0 : i32
      %dma_start3A_103 = tpu.memref_slice %arg11[%add3A_97, %dma_start3A_102] : memref<16384x64xf32, #tpu.memory_space<hbm>> -> memref<1x64xf32, #tpu.memory_space<hbm>>
      %dma_start3A_104 = arith.constant 0 : i32
      %dma_start3A_105 = tpu.memref_slice %arg7[%squeeze3A_92, %dma_start3A_104] : memref<100000x64xf32, #tpu.memory_space<hbm>> -> memref<1x64xf32, #tpu.memory_space<hbm>>
      tpu.enqueue_dma source(%dma_start3A_105 : memref<1x64xf32, #tpu.memory_space<hbm>>) target(%dma_start3A_103 : memref<1x64xf32, #tpu.memory_space<hbm>>) target_semaphore(%arg17 : memref<!tpu.dma_semaphore, #tpu.memory_space<semaphore_mem>>)
      %slice3A_106 = vector.extract_strided_slice %get3A_33 {offsets = [5], sizes = [1], strides = [1]} : vector<16xi32> to vector<1xi32>
      %squeeze3A_107 = vector.extract %slice3A_106[0] : i32 from vector<1xi32>
      %add3A_108 = arith.constant 256 : i32
      %add3A_109 = arith.addi %mul3A_2, %add3A_108 : i32
      %add3A_110 = arith.addi %add3A_109, %add3A_29 : i32
      %add3A_111 = arith.constant 5 : i32
      %add3A_112 = arith.addi %add3A_110, %add3A_111 : i32
      %dma_start3A_113 = arith.constant 0 : i32
      %dma_start3A_114 = tpu.memref_slice %arg9[%add3A_112, %dma_start3A_113] : memref<16384x64xf32, #tpu.memory_space<hbm>> -> memref<1x64xf32, #tpu.memory_space<hbm>>
      %dma_start3A_115 = arith.constant 0 : i32
      %dma_start3A_116 = tpu.memref_slice %arg5[%squeeze3A_107, %dma_start3A_115] : memref<100000x64xf32, #tpu.memory_space<hbm>> -> memref<1x64xf32, #tpu.memory_space<hbm>>
      tpu.enqueue_dma source(%dma_start3A_116 : memref<1x64xf32, #tpu.memory_space<hbm>>) target(%dma_start3A_114 : memref<1x64xf32, #tpu.memory_space<hbm>>) target_semaphore(%arg17 : memref<!tpu.dma_semaphore, #tpu.memory_space<semaphore_mem>>)
      %dma_start3A_117 = arith.constant 0 : i32
      %dma_start3A_118 = tpu.memref_slice %arg11[%add3A_112, %dma_start3A_117] : memref<16384x64xf32, #tpu.memory_space<hbm>> -> memref<1x64xf32, #tpu.memory_space<hbm>>
      %dma_start3A_119 = arith.constant 0 : i32
      %dma_start3A_120 = tpu.memref_slice %arg7[%squeeze3A_107, %dma_start3A_119] : memref<100000x64xf32, #tpu.memory_space<hbm>> -> memref<1x64xf32, #tpu.memory_space<hbm>>
      tpu.enqueue_dma source(%dma_start3A_120 : memref<1x64xf32, #tpu.memory_space<hbm>>) target(%dma_start3A_118 : memref<1x64xf32, #tpu.memory_space<hbm>>) target_semaphore(%arg17 : memref<!tpu.dma_semaphore, #tpu.memory_space<semaphore_mem>>)
      %slice3A_121 = vector.extract_strided_slice %get3A_33 {offsets = [6], sizes = [1], strides = [1]} : vector<16xi32> to vector<1xi32>
      %squeeze3A_122 = vector.extract %slice3A_121[0] : i32 from vector<1xi32>
      %add3A_123 = arith.constant 256 : i32
      %add3A_124 = arith.addi %mul3A_2, %add3A_123 : i32
      %add3A_125 = arith.addi %add3A_124, %add3A_29 : i32
      %add3A_126 = arith.constant 6 : i32
      %add3A_127 = arith.addi %add3A_125, %add3A_126 : i32
      %dma_start3A_128 = arith.constant 0 : i32
      %dma_start3A_129 = tpu.memref_slice %arg9[%add3A_127, %dma_start3A_128] : memref<16384x64xf32, #tpu.memory_space<hbm>> -> memref<1x64xf32, #tpu.memory_space<hbm>>
      %dma_start3A_130 = arith.constant 0 : i32
      %dma_start3A_131 = tpu.memref_slice %arg5[%squeeze3A_122, %dma_start3A_130] : memref<100000x64xf32, #tpu.memory_space<hbm>> -> memref<1x64xf32, #tpu.memory_space<hbm>>
      tpu.enqueue_dma source(%dma_start3A_131 : memref<1x64xf32, #tpu.memory_space<hbm>>) target(%dma_start3A_129 : memref<1x64xf32, #tpu.memory_space<hbm>>) target_semaphore(%arg17 : memref<!tpu.dma_semaphore, #tpu.memory_space<semaphore_mem>>)
      %dma_start3A_132 = arith.constant 0 : i32
      %dma_start3A_133 = tpu.memref_slice %arg11[%add3A_127, %dma_start3A_132] : memref<16384x64xf32, #tpu.memory_space<hbm>> -> memref<1x64xf32, #tpu.memory_space<hbm>>
      %dma_start3A_134 = arith.constant 0 : i32
      %dma_start3A_135 = tpu.memref_slice %arg7[%squeeze3A_122, %dma_start3A_134] : memref<100000x64xf32, #tpu.memory_space<hbm>> -> memref<1x64xf32, #tpu.memory_space<hbm>>
      tpu.enqueue_dma source(%dma_start3A_135 : memref<1x64xf32, #tpu.memory_space<hbm>>) target(%dma_start3A_133 : memref<1x64xf32, #tpu.memory_space<hbm>>) target_semaphore(%arg17 : memref<!tpu.dma_semaphore, #tpu.memory_space<semaphore_mem>>)
      %slice3A_136 = vector.extract_strided_slice %get3A_33 {offsets = [7], sizes = [1], strides = [1]} : vector<16xi32> to vector<1xi32>
      %squeeze3A_137 = vector.extract %slice3A_136[0] : i32 from vector<1xi32>
      %add3A_138 = arith.constant 256 : i32
      %add3A_139 = arith.addi %mul3A_2, %add3A_138 : i32
      %add3A_140 = arith.addi %add3A_139, %add3A_29 : i32
      %add3A_141 = arith.constant 7 : i32
      %add3A_142 = arith.addi %add3A_140, %add3A_141 : i32
      %dma_start3A_143 = arith.constant 0 : i32
      %dma_start3A_144 = tpu.memref_slice %arg9[%add3A_142, %dma_start3A_143] : memref<16384x64xf32, #tpu.memory_space<hbm>> -> memref<1x64xf32, #tpu.memory_space<hbm>>
      %dma_start3A_145 = arith.constant 0 : i32
      %dma_start3A_146 = tpu.memref_slice %arg5[%squeeze3A_137, %dma_start3A_145] : memref<100000x64xf32, #tpu.memory_space<hbm>> -> memref<1x64xf32, #tpu.memory_space<hbm>>
      tpu.enqueue_dma source(%dma_start3A_146 : memref<1x64xf32, #tpu.memory_space<hbm>>) target(%dma_start3A_144 : memref<1x64xf32, #tpu.memory_space<hbm>>) target_semaphore(%arg17 : memref<!tpu.dma_semaphore, #tpu.memory_space<semaphore_mem>>)
      %dma_start3A_147 = arith.constant 0 : i32
      %dma_start3A_148 = tpu.memref_slice %arg11[%add3A_142, %dma_start3A_147] : memref<16384x64xf32, #tpu.memory_space<hbm>> -> memref<1x64xf32, #tpu.memory_space<hbm>>
      %dma_start3A_149 = arith.constant 0 : i32
      %dma_start3A_150 = tpu.memref_slice %arg7[%squeeze3A_137, %dma_start3A_149] : memref<100000x64xf32, #tpu.memory_space<hbm>> -> memref<1x64xf32, #tpu.memory_space<hbm>>
      tpu.enqueue_dma source(%dma_start3A_150 : memref<1x64xf32, #tpu.memory_space<hbm>>) target(%dma_start3A_148 : memref<1x64xf32, #tpu.memory_space<hbm>>) target_semaphore(%arg17 : memref<!tpu.dma_semaphore, #tpu.memory_space<semaphore_mem>>)
      %slice3A_151 = vector.extract_strided_slice %get3A_33 {offsets = [8], sizes = [1], strides = [1]} : vector<16xi32> to vector<1xi32>
      %squeeze3A_152 = vector.extract %slice3A_151[0] : i32 from vector<1xi32>
      %add3A_153 = arith.constant 256 : i32
      %add3A_154 = arith.addi %mul3A_2, %add3A_153 : i32
      %add3A_155 = arith.addi %add3A_154, %add3A_29 : i32
      %add3A_156 = arith.constant 8 : i32
      %add3A_157 = arith.addi %add3A_155, %add3A_156 : i32
      %dma_start3A_158 = arith.constant 0 : i32
      %dma_start3A_159 = tpu.memref_slice %arg9[%add3A_157, %dma_start3A_158] : memref<16384x64xf32, #tpu.memory_space<hbm>> -> memref<1x64xf32, #tpu.memory_space<hbm>>
      %dma_start3A_160 = arith.constant 0 : i32
      %dma_start3A_161 = tpu.memref_slice %arg5[%squeeze3A_152, %dma_start3A_160] : memref<100000x64xf32, #tpu.memory_space<hbm>> -> memref<1x64xf32, #tpu.memory_space<hbm>>
      tpu.enqueue_dma source(%dma_start3A_161 : memref<1x64xf32, #tpu.memory_space<hbm>>) target(%dma_start3A_159 : memref<1x64xf32, #tpu.memory_space<hbm>>) target_semaphore(%arg17 : memref<!tpu.dma_semaphore, #tpu.memory_space<semaphore_mem>>)
      %dma_start3A_162 = arith.constant 0 : i32
      %dma_start3A_163 = tpu.memref_slice %arg11[%add3A_157, %dma_start3A_162] : memref<16384x64xf32, #tpu.memory_space<hbm>> -> memref<1x64xf32, #tpu.memory_space<hbm>>
      %dma_start3A_164 = arith.constant 0 : i32
      %dma_start3A_165 = tpu.memref_slice %arg7[%squeeze3A_152, %dma_start3A_164] : memref<100000x64xf32, #tpu.memory_space<hbm>> -> memref<1x64xf32, #tpu.memory_space<hbm>>
      tpu.enqueue_dma source(%dma_start3A_165 : memref<1x64xf32, #tpu.memory_space<hbm>>) target(%dma_start3A_163 : memref<1x64xf32, #tpu.memory_space<hbm>>) target_semaphore(%arg17 : memref<!tpu.dma_semaphore, #tpu.memory_space<semaphore_mem>>)
      %slice3A_166 = vector.extract_strided_slice %get3A_33 {offsets = [9], sizes = [1], strides = [1]} : vector<16xi32> to vector<1xi32>
      %squeeze3A_167 = vector.extract %slice3A_166[0] : i32 from vector<1xi32>
      %add3A_168 = arith.constant 256 : i32
      %add3A_169 = arith.addi %mul3A_2, %add3A_168 : i32
      %add3A_170 = arith.addi %add3A_169, %add3A_29 : i32
      %add3A_171 = arith.constant 9 : i32
      %add3A_172 = arith.addi %add3A_170, %add3A_171 : i32
      %dma_start3A_173 = arith.constant 0 : i32
      %dma_start3A_174 = tpu.memref_slice %arg9[%add3A_172, %dma_start3A_173] : memref<16384x64xf32, #tpu.memory_space<hbm>> -> memref<1x64xf32, #tpu.memory_space<hbm>>
      %dma_start3A_175 = arith.constant 0 : i32
      %dma_start3A_176 = tpu.memref_slice %arg5[%squeeze3A_167, %dma_start3A_175] : memref<100000x64xf32, #tpu.memory_space<hbm>> -> memref<1x64xf32, #tpu.memory_space<hbm>>
      tpu.enqueue_dma source(%dma_start3A_176 : memref<1x64xf32, #tpu.memory_space<hbm>>) target(%dma_start3A_174 : memref<1x64xf32, #tpu.memory_space<hbm>>) target_semaphore(%arg17 : memref<!tpu.dma_semaphore, #tpu.memory_space<semaphore_mem>>)
      %dma_start3A_177 = arith.constant 0 : i32
      %dma_start3A_178 = tpu.memref_slice %arg11[%add3A_172, %dma_start3A_177] : memref<16384x64xf32, #tpu.memory_space<hbm>> -> memref<1x64xf32, #tpu.memory_space<hbm>>
      %dma_start3A_179 = arith.constant 0 : i32
      %dma_start3A_180 = tpu.memref_slice %arg7[%squeeze3A_167, %dma_start3A_179] : memref<100000x64xf32, #tpu.memory_space<hbm>> -> memref<1x64xf32, #tpu.memory_space<hbm>>
      tpu.enqueue_dma source(%dma_start3A_180 : memref<1x64xf32, #tpu.memory_space<hbm>>) target(%dma_start3A_178 : memref<1x64xf32, #tpu.memory_space<hbm>>) target_semaphore(%arg17 : memref<!tpu.dma_semaphore, #tpu.memory_space<semaphore_mem>>)
      %slice3A_181 = vector.extract_strided_slice %get3A_33 {offsets = [10], sizes = [1], strides = [1]} : vector<16xi32> to vector<1xi32>
      %squeeze3A_182 = vector.extract %slice3A_181[0] : i32 from vector<1xi32>
      %add3A_183 = arith.constant 256 : i32
      %add3A_184 = arith.addi %mul3A_2, %add3A_183 : i32
      %add3A_185 = arith.addi %add3A_184, %add3A_29 : i32
      %add3A_186 = arith.constant 10 : i32
      %add3A_187 = arith.addi %add3A_185, %add3A_186 : i32
      %dma_start3A_188 = arith.constant 0 : i32
      %dma_start3A_189 = tpu.memref_slice %arg9[%add3A_187, %dma_start3A_188] : memref<16384x64xf32, #tpu.memory_space<hbm>> -> memref<1x64xf32, #tpu.memory_space<hbm>>
      %dma_start3A_190 = arith.constant 0 : i32
      %dma_start3A_191 = tpu.memref_slice %arg5[%squeeze3A_182, %dma_start3A_190] : memref<100000x64xf32, #tpu.memory_space<hbm>> -> memref<1x64xf32, #tpu.memory_space<hbm>>
      tpu.enqueue_dma source(%dma_start3A_191 : memref<1x64xf32, #tpu.memory_space<hbm>>) target(%dma_start3A_189 : memref<1x64xf32, #tpu.memory_space<hbm>>) target_semaphore(%arg17 : memref<!tpu.dma_semaphore, #tpu.memory_space<semaphore_mem>>)
      %dma_start3A_192 = arith.constant 0 : i32
      %dma_start3A_193 = tpu.memref_slice %arg11[%add3A_187, %dma_start3A_192] : memref<16384x64xf32, #tpu.memory_space<hbm>> -> memref<1x64xf32, #tpu.memory_space<hbm>>
      %dma_start3A_194 = arith.constant 0 : i32
      %dma_start3A_195 = tpu.memref_slice %arg7[%squeeze3A_182, %dma_start3A_194] : memref<100000x64xf32, #tpu.memory_space<hbm>> -> memref<1x64xf32, #tpu.memory_space<hbm>>
      tpu.enqueue_dma source(%dma_start3A_195 : memref<1x64xf32, #tpu.memory_space<hbm>>) target(%dma_start3A_193 : memref<1x64xf32, #tpu.memory_space<hbm>>) target_semaphore(%arg17 : memref<!tpu.dma_semaphore, #tpu.memory_space<semaphore_mem>>)
      %slice3A_196 = vector.extract_strided_slice %get3A_33 {offsets = [11], sizes = [1], strides = [1]} : vector<16xi32> to vector<1xi32>
      %squeeze3A_197 = vector.extract %slice3A_196[0] : i32 from vector<1xi32>
      %add3A_198 = arith.constant 256 : i32
      %add3A_199 = arith.addi %mul3A_2, %add3A_198 : i32
      %add3A_200 = arith.addi %add3A_199, %add3A_29 : i32
      %add3A_201 = arith.constant 11 : i32
      %add3A_202 = arith.addi %add3A_200, %add3A_201 : i32
      %dma_start3A_203 = arith.constant 0 : i32
      %dma_start3A_204 = tpu.memref_slice %arg9[%add3A_202, %dma_start3A_203] : memref<16384x64xf32, #tpu.memory_space<hbm>> -> memref<1x64xf32, #tpu.memory_space<hbm>>
      %dma_start3A_205 = arith.constant 0 : i32
      %dma_start3A_206 = tpu.memref_slice %arg5[%squeeze3A_197, %dma_start3A_205] : memref<100000x64xf32, #tpu.memory_space<hbm>> -> memref<1x64xf32, #tpu.memory_space<hbm>>
      tpu.enqueue_dma source(%dma_start3A_206 : memref<1x64xf32, #tpu.memory_space<hbm>>) target(%dma_start3A_204 : memref<1x64xf32, #tpu.memory_space<hbm>>) target_semaphore(%arg17 : memref<!tpu.dma_semaphore, #tpu.memory_space<semaphore_mem>>)
      %dma_start3A_207 = arith.constant 0 : i32
      %dma_start3A_208 = tpu.memref_slice %arg11[%add3A_202, %dma_start3A_207] : memref<16384x64xf32, #tpu.memory_space<hbm>> -> memref<1x64xf32, #tpu.memory_space<hbm>>
      %dma_start3A_209 = arith.constant 0 : i32
      %dma_start3A_210 = tpu.memref_slice %arg7[%squeeze3A_197, %dma_start3A_209] : memref<100000x64xf32, #tpu.memory_space<hbm>> -> memref<1x64xf32, #tpu.memory_space<hbm>>
      tpu.enqueue_dma source(%dma_start3A_210 : memref<1x64xf32, #tpu.memory_space<hbm>>) target(%dma_start3A_208 : memref<1x64xf32, #tpu.memory_space<hbm>>) target_semaphore(%arg17 : memref<!tpu.dma_semaphore, #tpu.memory_space<semaphore_mem>>)
      %slice3A_211 = vector.extract_strided_slice %get3A_33 {offsets = [12], sizes = [1], strides = [1]} : vector<16xi32> to vector<1xi32>
      %squeeze3A_212 = vector.extract %slice3A_211[0] : i32 from vector<1xi32>
      %add3A_213 = arith.constant 256 : i32
      %add3A_214 = arith.addi %mul3A_2, %add3A_213 : i32
      %add3A_215 = arith.addi %add3A_214, %add3A_29 : i32
      %add3A_216 = arith.constant 12 : i32
      %add3A_217 = arith.addi %add3A_215, %add3A_216 : i32
      %dma_start3A_218 = arith.constant 0 : i32
      %dma_start3A_219 = tpu.memref_slice %arg9[%add3A_217, %dma_start3A_218] : memref<16384x64xf32, #tpu.memory_space<hbm>> -> memref<1x64xf32, #tpu.memory_space<hbm>>
      %dma_start3A_220 = arith.constant 0 : i32
      %dma_start3A_221 = tpu.memref_slice %arg5[%squeeze3A_212, %dma_start3A_220] : memref<100000x64xf32, #tpu.memory_space<hbm>> -> memref<1x64xf32, #tpu.memory_space<hbm>>
      tpu.enqueue_dma source(%dma_start3A_221 : memref<1x64xf32, #tpu.memory_space<hbm>>) target(%dma_start3A_219 : memref<1x64xf32, #tpu.memory_space<hbm>>) target_semaphore(%arg17 : memref<!tpu.dma_semaphore, #tpu.memory_space<semaphore_mem>>)
      %dma_start3A_222 = arith.constant 0 : i32
      %dma_start3A_223 = tpu.memref_slice %arg11[%add3A_217, %dma_start3A_222] : memref<16384x64xf32, #tpu.memory_space<hbm>> -> memref<1x64xf32, #tpu.memory_space<hbm>>
      %dma_start3A_224 = arith.constant 0 : i32
      %dma_start3A_225 = tpu.memref_slice %arg7[%squeeze3A_212, %dma_start3A_224] : memref<100000x64xf32, #tpu.memory_space<hbm>> -> memref<1x64xf32, #tpu.memory_space<hbm>>
      tpu.enqueue_dma source(%dma_start3A_225 : memref<1x64xf32, #tpu.memory_space<hbm>>) target(%dma_start3A_223 : memref<1x64xf32, #tpu.memory_space<hbm>>) target_semaphore(%arg17 : memref<!tpu.dma_semaphore, #tpu.memory_space<semaphore_mem>>)
      %slice3A_226 = vector.extract_strided_slice %get3A_33 {offsets = [13], sizes = [1], strides = [1]} : vector<16xi32> to vector<1xi32>
      %squeeze3A_227 = vector.extract %slice3A_226[0] : i32 from vector<1xi32>
      %add3A_228 = arith.constant 256 : i32
      %add3A_229 = arith.addi %mul3A_2, %add3A_228 : i32
      %add3A_230 = arith.addi %add3A_229, %add3A_29 : i32
      %add3A_231 = arith.constant 13 : i32
      %add3A_232 = arith.addi %add3A_230, %add3A_231 : i32
      %dma_start3A_233 = arith.constant 0 : i32
      %dma_start3A_234 = tpu.memref_slice %arg9[%add3A_232, %dma_start3A_233] : memref<16384x64xf32, #tpu.memory_space<hbm>> -> memref<1x64xf32, #tpu.memory_space<hbm>>
      %dma_start3A_235 = arith.constant 0 : i32
      %dma_start3A_236 = tpu.memref_slice %arg5[%squeeze3A_227, %dma_start3A_235] : memref<100000x64xf32, #tpu.memory_space<hbm>> -> memref<1x64xf32, #tpu.memory_space<hbm>>
      tpu.enqueue_dma source(%dma_start3A_236 : memref<1x64xf32, #tpu.memory_space<hbm>>) target(%dma_start3A_234 : memref<1x64xf32, #tpu.memory_space<hbm>>) target_semaphore(%arg17 : memref<!tpu.dma_semaphore, #tpu.memory_space<semaphore_mem>>)
      %dma_start3A_237 = arith.constant 0 : i32
      %dma_start3A_238 = tpu.memref_slice %arg11[%add3A_232, %dma_start3A_237] : memref<16384x64xf32, #tpu.memory_space<hbm>> -> memref<1x64xf32, #tpu.memory_space<hbm>>
      %dma_start3A_239 = arith.constant 0 : i32
      %dma_start3A_240 = tpu.memref_slice %arg7[%squeeze3A_227, %dma_start3A_239] : memref<100000x64xf32, #tpu.memory_space<hbm>> -> memref<1x64xf32, #tpu.memory_space<hbm>>
      tpu.enqueue_dma source(%dma_start3A_240 : memref<1x64xf32, #tpu.memory_space<hbm>>) target(%dma_start3A_238 : memref<1x64xf32, #tpu.memory_space<hbm>>) target_semaphore(%arg17 : memref<!tpu.dma_semaphore, #tpu.memory_space<semaphore_mem>>)
      %slice3A_241 = vector.extract_strided_slice %get3A_33 {offsets = [14], sizes = [1], strides = [1]} : vector<16xi32> to vector<1xi32>
      %squeeze3A_242 = vector.extract %slice3A_241[0] : i32 from vector<1xi32>
      %add3A_243 = arith.constant 256 : i32
      %add3A_244 = arith.addi %mul3A_2, %add3A_243 : i32
      %add3A_245 = arith.addi %add3A_244, %add3A_29 : i32
      %add3A_246 = arith.constant 14 : i32
      %add3A_247 = arith.addi %add3A_245, %add3A_246 : i32
      %dma_start3A_248 = arith.constant 0 : i32
      %dma_start3A_249 = tpu.memref_slice %arg9[%add3A_247, %dma_start3A_248] : memref<16384x64xf32, #tpu.memory_space<hbm>> -> memref<1x64xf32, #tpu.memory_space<hbm>>
      %dma_start3A_250 = arith.constant 0 : i32
      %dma_start3A_251 = tpu.memref_slice %arg5[%squeeze3A_242, %dma_start3A_250] : memref<100000x64xf32, #tpu.memory_space<hbm>> -> memref<1x64xf32, #tpu.memory_space<hbm>>
      tpu.enqueue_dma source(%dma_start3A_251 : memref<1x64xf32, #tpu.memory_space<hbm>>) target(%dma_start3A_249 : memref<1x64xf32, #tpu.memory_space<hbm>>) target_semaphore(%arg17 : memref<!tpu.dma_semaphore, #tpu.memory_space<semaphore_mem>>)
      %dma_start3A_252 = arith.constant 0 : i32
      %dma_start3A_253 = tpu.memref_slice %arg11[%add3A_247, %dma_start3A_252] : memref<16384x64xf32, #tpu.memory_space<hbm>> -> memref<1x64xf32, #tpu.memory_space<hbm>>
      %dma_start3A_254 = arith.constant 0 : i32
      %dma_start3A_255 = tpu.memref_slice %arg7[%squeeze3A_242, %dma_start3A_254] : memref<100000x64xf32, #tpu.memory_space<hbm>> -> memref<1x64xf32, #tpu.memory_space<hbm>>
      tpu.enqueue_dma source(%dma_start3A_255 : memref<1x64xf32, #tpu.memory_space<hbm>>) target(%dma_start3A_253 : memref<1x64xf32, #tpu.memory_space<hbm>>) target_semaphore(%arg17 : memref<!tpu.dma_semaphore, #tpu.memory_space<semaphore_mem>>)
      %slice3A_256 = vector.extract_strided_slice %get3A_33 {offsets = [15], sizes = [1], strides = [1]} : vector<16xi32> to vector<1xi32>
      %squeeze3A_257 = vector.extract %slice3A_256[0] : i32 from vector<1xi32>
      %add3A_258 = arith.constant 256 : i32
      %add3A_259 = arith.addi %mul3A_2, %add3A_258 : i32
      %add3A_260 = arith.addi %add3A_259, %add3A_29 : i32
      %add3A_261 = arith.constant 15 : i32
      %add3A_262 = arith.addi %add3A_260, %add3A_261 : i32
      %dma_start3A_263 = arith.constant 0 : i32
      %dma_start3A_264 = tpu.memref_slice %arg9[%add3A_262, %dma_start3A_263] : memref<16384x64xf32, #tpu.memory_space<hbm>> -> memref<1x64xf32, #tpu.memory_space<hbm>>
      %dma_start3A_265 = arith.constant 0 : i32
      %dma_start3A_266 = tpu.memref_slice %arg5[%squeeze3A_257, %dma_start3A_265] : memref<100000x64xf32, #tpu.memory_space<hbm>> -> memref<1x64xf32, #tpu.memory_space<hbm>>
      tpu.enqueue_dma source(%dma_start3A_266 : memref<1x64xf32, #tpu.memory_space<hbm>>) target(%dma_start3A_264 : memref<1x64xf32, #tpu.memory_space<hbm>>) target_semaphore(%arg17 : memref<!tpu.dma_semaphore, #tpu.memory_space<semaphore_mem>>)
      %dma_start3A_267 = arith.constant 0 : i32
      %dma_start3A_268 = tpu.memref_slice %arg11[%add3A_262, %dma_start3A_267] : memref<16384x64xf32, #tpu.memory_space<hbm>> -> memref<1x64xf32, #tpu.memory_space<hbm>>
      %dma_start3A_269 = arith.constant 0 : i32
      %dma_start3A_270 = tpu.memref_slice %arg7[%squeeze3A_257, %dma_start3A_269] : memref<100000x64xf32, #tpu.memory_space<hbm>> -> memref<1x64xf32, #tpu.memory_space<hbm>>
      tpu.enqueue_dma source(%dma_start3A_270 : memref<1x64xf32, #tpu.memory_space<hbm>>) target(%dma_start3A_268 : memref<1x64xf32, #tpu.memory_space<hbm>>) target_semaphore(%arg17 : memref<!tpu.dma_semaphore, #tpu.memory_space<semaphore_mem>>)
      %add3A_271 = arith.constant 256 : i32
      %add3A_272 = arith.addi %add3A_271, %add3A_29 : i32
      %get3A_273 = arith.index_cast %add3A_272 : i32 to index
      %get3A_274 = tpu.vector_load %arg12[%get3A_273] {strides = array<i32>} : memref<512xi32, #tpu.memory_space<vmem>>, vector<16xi32>,
      %get3A_275 = vector.shape_cast %get3A_274 : vector<16xi32> to vector<16xi32>
      %slice3A_276 = vector.extract_strided_slice %get3A_275 {offsets = [0], sizes = [1], strides = [1]} : vector<16xi32> to vector<1xi32>
      %squeeze3A_277 = vector.extract %slice3A_276[0] : i32 from vector<1xi32>
      %add3A_278 = arith.constant 0 : i32
      %add3A_279 = arith.addi %add3A_29, %add3A_278 : i32
      %dma_start3A_280 = arith.constant 0 : i32
      %dma_start3A_281 = tpu.memref_slice %arg14[%add3A_279, %dma_start3A_280] : memref<256x64xf32, #tpu.memory_space<vmem>> -> memref<1x64xf32, #tpu.memory_space<vmem>>
      %dma_start3A_282 = arith.constant 0 : i32
      %dma_start3A_283 = tpu.memref_slice %arg4[%squeeze3A_277, %dma_start3A_282] : memref<1000000x64xf32, #tpu.memory_space<hbm>> -> memref<1x64xf32, #tpu.memory_space<hbm>>
      %dma_start3A_284 = arith.constant 0 : i32
      %dma_start3A_285 = tpu.memref_slice %arg14[%add3A_279, %dma_start3A_284] : memref<256x64xf32, #tpu.memory_space<vmem>> -> memref<1x64xf32, #tpu.memory_space<vmem>>
      %dma_start3A_286 = arith.constant 0 : i32
      %dma_start3A_287 = tpu.memref_slice %arg4[%squeeze3A_277, %dma_start3A_286] : memref<1000000x64xf32, #tpu.memory_space<hbm>> -> memref<1x64xf32, #tpu.memory_space<hbm>>
      tpu.enqueue_dma source(%dma_start3A_287 : memref<1x64xf32, #tpu.memory_space<hbm>>) target(%dma_start3A_285 : memref<1x64xf32, #tpu.memory_space<vmem>>) target_semaphore(%arg16 : memref<!tpu.dma_semaphore, #tpu.memory_space<semaphore_mem>>)
      %dma_start3A_288 = arith.constant 0 : i32
      %dma_start3A_289 = tpu.memref_slice %arg15[%add3A_279, %dma_start3A_288] : memref<256x64xf32, #tpu.memory_space<vmem>> -> memref<1x64xf32, #tpu.memory_space<vmem>>
      %dma_start3A_290 = arith.constant 0 : i32
      %dma_start3A_291 = tpu.memref_slice %arg6[%squeeze3A_277, %dma_start3A_290] : memref<1000000x64xf32, #tpu.memory_space<hbm>> -> memref<1x64xf32, #tpu.memory_space<hbm>>
      %dma_start3A_292 = arith.constant 0 : i32
      %dma_start3A_293 = tpu.memref_slice %arg15[%add3A_279, %dma_start3A_292] : memref<256x64xf32, #tpu.memory_space<vmem>> -> memref<1x64xf32, #tpu.memory_space<vmem>>
      %dma_start3A_294 = arith.constant 0 : i32
      %dma_start3A_295 = tpu.memref_slice %arg6[%squeeze3A_277, %dma_start3A_294] : memref<1000000x64xf32, #tpu.memory_space<hbm>> -> memref<1x64xf32, #tpu.memory_space<hbm>>
      tpu.enqueue_dma source(%dma_start3A_295 : memref<1x64xf32, #tpu.memory_space<hbm>>) target(%dma_start3A_293 : memref<1x64xf32, #tpu.memory_space<vmem>>) target_semaphore(%arg16 : memref<!tpu.dma_semaphore, #tpu.memory_space<semaphore_mem>>)
      %slice3A_296 = vector.extract_strided_slice %get3A_275 {offsets = [1], sizes = [1], strides = [1]} : vector<16xi32> to vector<1xi32>
      %squeeze3A_297 = vector.extract %slice3A_296[0] : i32 from vector<1xi32>
      %add3A_298 = arith.constant 1 : i32
      %add3A_299 = arith.addi %add3A_29, %add3A_298 : i32
      %dma_start3A_300 = arith.constant 0 : i32
      %dma_start3A_301 = tpu.memref_slice %arg14[%add3A_299, %dma_start3A_300] : memref<256x64xf32, #tpu.memory_space<vmem>> -> memref<1x64xf32, #tpu.memory_space<vmem>>
      %dma_start3A_302 = arith.constant 0 : i32
      %dma_start3A_303 = tpu.memref_slice %arg4[%squeeze3A_297, %dma_start3A_302] : memref<1000000x64xf32, #tpu.memory_space<hbm>> -> memref<1x64xf32, #tpu.memory_space<hbm>>
      %dma_start3A_304 = arith.constant 0 : i32
      %dma_start3A_305 = tpu.memref_slice %arg14[%add3A_299, %dma_start3A_304] : memref<256x64xf32, #tpu.memory_space<vmem>> -> memref<1x64xf32, #tpu.memory_space<vmem>>
      %dma_start3A_306 = arith.constant 0 : i32
      %dma_start3A_307 = tpu.memref_slice %arg4[%squeeze3A_297, %dma_start3A_306] : memref<1000000x64xf32, #tpu.memory_space<hbm>> -> memref<1x64xf32, #tpu.memory_space<hbm>>
      tpu.enqueue_dma source(%dma_start3A_307 : memref<1x64xf32, #tpu.memory_space<hbm>>) target(%dma_start3A_305 : memref<1x64xf32, #tpu.memory_space<vmem>>) target_semaphore(%arg16 : memref<!tpu.dma_semaphore, #tpu.memory_space<semaphore_mem>>)
      %dma_start3A_308 = arith.constant 0 : i32
      %dma_start3A_309 = tpu.memref_slice %arg15[%add3A_299, %dma_start3A_308] : memref<256x64xf32, #tpu.memory_space<vmem>> -> memref<1x64xf32, #tpu.memory_space<vmem>>
      %dma_start3A_310 = arith.constant 0 : i32
      %dma_start3A_311 = tpu.memref_slice %arg6[%squeeze3A_297, %dma_start3A_310] : memref<1000000x64xf32, #tpu.memory_space<hbm>> -> memref<1x64xf32, #tpu.memory_space<hbm>>
      %dma_start3A_312 = arith.constant 0 : i32
      %dma_start3A_313 = tpu.memref_slice %arg15[%add3A_299, %dma_start3A_312] : memref<256x64xf32, #tpu.memory_space<vmem>> -> memref<1x64xf32, #tpu.memory_space<vmem>>
      %dma_start3A_314 = arith.constant 0 : i32
      %dma_start3A_315 = tpu.memref_slice %arg6[%squeeze3A_297, %dma_start3A_314] : memref<1000000x64xf32, #tpu.memory_space<hbm>> -> memref<1x64xf32, #tpu.memory_space<hbm>>
      tpu.enqueue_dma source(%dma_start3A_315 : memref<1x64xf32, #tpu.memory_space<hbm>>) target(%dma_start3A_313 : memref<1x64xf32, #tpu.memory_space<vmem>>) target_semaphore(%arg16 : memref<!tpu.dma_semaphore, #tpu.memory_space<semaphore_mem>>)
      %slice3A_316 = vector.extract_strided_slice %get3A_275 {offsets = [2], sizes = [1], strides = [1]} : vector<16xi32> to vector<1xi32>
      %squeeze3A_317 = vector.extract %slice3A_316[0] : i32 from vector<1xi32>
      %add3A_318 = arith.constant 2 : i32
      %add3A_319 = arith.addi %add3A_29, %add3A_318 : i32
      %dma_start3A_320 = arith.constant 0 : i32
      %dma_start3A_321 = tpu.memref_slice %arg14[%add3A_319, %dma_start3A_320] : memref<256x64xf32, #tpu.memory_space<vmem>> -> memref<1x64xf32, #tpu.memory_space<vmem>>
      %dma_start3A_322 = arith.constant 0 : i32
      %dma_start3A_323 = tpu.memref_slice %arg4[%squeeze3A_317, %dma_start3A_322] : memref<1000000x64xf32, #tpu.memory_space<hbm>> -> memref<1x64xf32, #tpu.memory_space<hbm>>
      %dma_start3A_324 = arith.constant 0 : i32
      %dma_start3A_325 = tpu.memref_slice %arg14[%add3A_319, %dma_start3A_324] : memref<256x64xf32, #tpu.memory_space<vmem>> -> memref<1x64xf32, #tpu.memory_space<vmem>>
      %dma_start3A_326 = arith.constant 0 : i32
      %dma_start3A_327 = tpu.memref_slice %arg4[%squeeze3A_317, %dma_start3A_326] : memref<1000000x64xf32, #tpu.memory_space<hbm>> -> memref<1x64xf32, #tpu.memory_space<hbm>>
      tpu.enqueue_dma source(%dma_start3A_327 : memref<1x64xf32, #tpu.memory_space<hbm>>) target(%dma_start3A_325 : memref<1x64xf32, #tpu.memory_space<vmem>>) target_semaphore(%arg16 : memref<!tpu.dma_semaphore, #tpu.memory_space<semaphore_mem>>)
      %dma_start3A_328 = arith.constant 0 : i32
      %dma_start3A_329 = tpu.memref_slice %arg15[%add3A_319, %dma_start3A_328] : memref<256x64xf32, #tpu.memory_space<vmem>> -> memref<1x64xf32, #tpu.memory_space<vmem>>
      %dma_start3A_330 = arith.constant 0 : i32
      %dma_start3A_331 = tpu.memref_slice %arg6[%squeeze3A_317, %dma_start3A_330] : memref<1000000x64xf32, #tpu.memory_space<hbm>> -> memref<1x64xf32, #tpu.memory_space<hbm>>
      %dma_start3A_332 = arith.constant 0 : i32
      %dma_start3A_333 = tpu.memref_slice %arg15[%add3A_319, %dma_start3A_332] : memref<256x64xf32, #tpu.memory_space<vmem>> -> memref<1x64xf32, #tpu.memory_space<vmem>>
      %dma_start3A_334 = arith.constant 0 : i32
      %dma_start3A_335 = tpu.memref_slice %arg6[%squeeze3A_317, %dma_start3A_334] : memref<1000000x64xf32, #tpu.memory_space<hbm>> -> memref<1x64xf32, #tpu.memory_space<hbm>>
      tpu.enqueue_dma source(%dma_start3A_335 : memref<1x64xf32, #tpu.memory_space<hbm>>) target(%dma_start3A_333 : memref<1x64xf32, #tpu.memory_space<vmem>>) target_semaphore(%arg16 : memref<!tpu.dma_semaphore, #tpu.memory_space<semaphore_mem>>)
      %slice3A_336 = vector.extract_strided_slice %get3A_275 {offsets = [3], sizes = [1], strides = [1]} : vector<16xi32> to vector<1xi32>
      %squeeze3A_337 = vector.extract %slice3A_336[0] : i32 from vector<1xi32>
      %add3A_338 = arith.constant 3 : i32
      %add3A_339 = arith.addi %add3A_29, %add3A_338 : i32
      %dma_start3A_340 = arith.constant 0 : i32
      %dma_start3A_341 = tpu.memref_slice %arg14[%add3A_339, %dma_start3A_340] : memref<256x64xf32, #tpu.memory_space<vmem>> -> memref<1x64xf32, #tpu.memory_space<vmem>>
      %dma_start3A_342 = arith.constant 0 : i32
      %dma_start3A_343 = tpu.memref_slice %arg4[%squeeze3A_337, %dma_start3A_342] : memref<1000000x64xf32, #tpu.memory_space<hbm>> -> memref<1x64xf32, #tpu.memory_space<hbm>>
      %dma_start3A_344 = arith.constant 0 : i32
      %dma_start3A_345 = tpu.memref_slice %arg14[%add3A_339, %dma_start3A_344] : memref<256x64xf32, #tpu.memory_space<vmem>> -> memref<1x64xf32, #tpu.memory_space<vmem>>
      %dma_start3A_346 = arith.constant 0 : i32
      %dma_start3A_347 = tpu.memref_slice %arg4[%squeeze3A_337, %dma_start3A_346] : memref<1000000x64xf32, #tpu.memory_space<hbm>> -> memref<1x64xf32, #tpu.memory_space<hbm>>
      tpu.enqueue_dma source(%dma_start3A_347 : memref<1x64xf32, #tpu.memory_space<hbm>>) target(%dma_start3A_345 : memref<1x64xf32, #tpu.memory_space<vmem>>) target_semaphore(%arg16 : memref<!tpu.dma_semaphore, #tpu.memory_space<semaphore_mem>>)
      %dma_start3A_348 = arith.constant 0 : i32
      %dma_start3A_349 = tpu.memref_slice %arg15[%add3A_339, %dma_start3A_348] : memref<256x64xf32, #tpu.memory_space<vmem>> -> memref<1x64xf32, #tpu.memory_space<vmem>>
      %dma_start3A_350 = arith.constant 0 : i32
      %dma_start3A_351 = tpu.memref_slice %arg6[%squeeze3A_337, %dma_start3A_350] : memref<1000000x64xf32, #tpu.memory_space<hbm>> -> memref<1x64xf32, #tpu.memory_space<hbm>>
      %dma_start3A_352 = arith.constant 0 : i32
      %dma_start3A_353 = tpu.memref_slice %arg15[%add3A_339, %dma_start3A_352] : memref<256x64xf32, #tpu.memory_space<vmem>> -> memref<1x64xf32, #tpu.memory_space<vmem>>
      %dma_start3A_354 = arith.constant 0 : i32
      %dma_start3A_355 = tpu.memref_slice %arg6[%squeeze3A_337, %dma_start3A_354] : memref<1000000x64xf32, #tpu.memory_space<hbm>> -> memref<1x64xf32, #tpu.memory_space<hbm>>
      tpu.enqueue_dma source(%dma_start3A_355 : memref<1x64xf32, #tpu.memory_space<hbm>>) target(%dma_start3A_353 : memref<1x64xf32, #tpu.memory_space<vmem>>) target_semaphore(%arg16 : memref<!tpu.dma_semaphore, #tpu.memory_space<semaphore_mem>>)
      %slice3A_356 = vector.extract_strided_slice %get3A_275 {offsets = [4], sizes = [1], strides = [1]} : vector<16xi32> to vector<1xi32>
      %squeeze3A_357 = vector.extract %slice3A_356[0] : i32 from vector<1xi32>
      %add3A_358 = arith.constant 4 : i32
      %add3A_359 = arith.addi %add3A_29, %add3A_358 : i32
      %dma_start3A_360 = arith.constant 0 : i32
      %dma_start3A_361 = tpu.memref_slice %arg14[%add3A_359, %dma_start3A_360] : memref<256x64xf32, #tpu.memory_space<vmem>> -> memref<1x64xf32, #tpu.memory_space<vmem>>
      %dma_start3A_362 = arith.constant 0 : i32
      %dma_start3A_363 = tpu.memref_slice %arg4[%squeeze3A_357, %dma_start3A_362] : memref<1000000x64xf32, #tpu.memory_space<hbm>> -> memref<1x64xf32, #tpu.memory_space<hbm>>
      %dma_start3A_364 = arith.constant 0 : i32
      %dma_start3A_365 = tpu.memref_slice %arg14[%add3A_359, %dma_start3A_364] : memref<256x64xf32, #tpu.memory_space<vmem>> -> memref<1x64xf32, #tpu.memory_space<vmem>>
      %dma_start3A_366 = arith.constant 0 : i32
      %dma_start3A_367 = tpu.memref_slice %arg4[%squeeze3A_357, %dma_start3A_366] : memref<1000000x64xf32, #tpu.memory_space<hbm>> -> memref<1x64xf32, #tpu.memory_space<hbm>>
      tpu.enqueue_dma source(%dma_start3A_367 : memref<1x64xf32, #tpu.memory_space<hbm>>) target(%dma_start3A_365 : memref<1x64xf32, #tpu.memory_space<vmem>>) target_semaphore(%arg16 : memref<!tpu.dma_semaphore, #tpu.memory_space<semaphore_mem>>)
      %dma_start3A_368 = arith.constant 0 : i32
      %dma_start3A_369 = tpu.memref_slice %arg15[%add3A_359, %dma_start3A_368] : memref<256x64xf32, #tpu.memory_space<vmem>> -> memref<1x64xf32, #tpu.memory_space<vmem>>
      %dma_start3A_370 = arith.constant 0 : i32
      %dma_start3A_371 = tpu.memref_slice %arg6[%squeeze3A_357, %dma_start3A_370] : memref<1000000x64xf32, #tpu.memory_space<hbm>> -> memref<1x64xf32, #tpu.memory_space<hbm>>
      %dma_start3A_372 = arith.constant 0 : i32
      %dma_start3A_373 = tpu.memref_slice %arg15[%add3A_359, %dma_start3A_372] : memref<256x64xf32, #tpu.memory_space<vmem>> -> memref<1x64xf32, #tpu.memory_space<vmem>>
      %dma_start3A_374 = arith.constant 0 : i32
      %dma_start3A_375 = tpu.memref_slice %arg6[%squeeze3A_357, %dma_start3A_374] : memref<1000000x64xf32, #tpu.memory_space<hbm>> -> memref<1x64xf32, #tpu.memory_space<hbm>>
      tpu.enqueue_dma source(%dma_start3A_375 : memref<1x64xf32, #tpu.memory_space<hbm>>) target(%dma_start3A_373 : memref<1x64xf32, #tpu.memory_space<vmem>>) target_semaphore(%arg16 : memref<!tpu.dma_semaphore, #tpu.memory_space<semaphore_mem>>)
      %slice3A_376 = vector.extract_strided_slice %get3A_275 {offsets = [5], sizes = [1], strides = [1]} : vector<16xi32> to vector<1xi32>
      %squeeze3A_377 = vector.extract %slice3A_376[0] : i32 from vector<1xi32>
      %add3A_378 = arith.constant 5 : i32
      %add3A_379 = arith.addi %add3A_29, %add3A_378 : i32
      %dma_start3A_380 = arith.constant 0 : i32
      %dma_start3A_381 = tpu.memref_slice %arg14[%add3A_379, %dma_start3A_380] : memref<256x64xf32, #tpu.memory_space<vmem>> -> memref<1x64xf32, #tpu.memory_space<vmem>>
      %dma_start3A_382 = arith.constant 0 : i32
      %dma_start3A_383 = tpu.memref_slice %arg4[%squeeze3A_377, %dma_start3A_382] : memref<1000000x64xf32, #tpu.memory_space<hbm>> -> memref<1x64xf32, #tpu.memory_space<hbm>>
      %dma_start3A_384 = arith.constant 0 : i32
      %dma_start3A_385 = tpu.memref_slice %arg14[%add3A_379, %dma_start3A_384] : memref<256x64xf32, #tpu.memory_space<vmem>> -> memref<1x64xf32, #tpu.memory_space<vmem>>
      %dma_start3A_386 = arith.constant 0 : i32
      %dma_start3A_387 = tpu.memref_slice %arg4[%squeeze3A_377, %dma_start3A_386] : memref<1000000x64xf32, #tpu.memory_space<hbm>> -> memref<1x64xf32, #tpu.memory_space<hbm>>
      tpu.enqueue_dma source(%dma_start3A_387 : memref<1x64xf32, #tpu.memory_space<hbm>>) target(%dma_start3A_385 : memref<1x64xf32, #tpu.memory_space<vmem>>) target_semaphore(%arg16 : memref<!tpu.dma_semaphore, #tpu.memory_space<semaphore_mem>>)
      %dma_start3A_388 = arith.constant 0 : i32
      %dma_start3A_389 = tpu.memref_slice %arg15[%add3A_379, %dma_start3A_388] : memref<256x64xf32, #tpu.memory_space<vmem>> -> memref<1x64xf32, #tpu.memory_space<vmem>>
      %dma_start3A_390 = arith.constant 0 : i32
      %dma_start3A_391 = tpu.memref_slice %arg6[%squeeze3A_377, %dma_start3A_390] : memref<1000000x64xf32, #tpu.memory_space<hbm>> -> memref<1x64xf32, #tpu.memory_space<hbm>>
      %dma_start3A_392 = arith.constant 0 : i32
      %dma_start3A_393 = tpu.memref_slice %arg15[%add3A_379, %dma_start3A_392] : memref<256x64xf32, #tpu.memory_space<vmem>> -> memref<1x64xf32, #tpu.memory_space<vmem>>
      %dma_start3A_394 = arith.constant 0 : i32
      %dma_start3A_395 = tpu.memref_slice %arg6[%squeeze3A_377, %dma_start3A_394] : memref<1000000x64xf32, #tpu.memory_space<hbm>> -> memref<1x64xf32, #tpu.memory_space<hbm>>
      tpu.enqueue_dma source(%dma_start3A_395 : memref<1x64xf32, #tpu.memory_space<hbm>>) target(%dma_start3A_393 : memref<1x64xf32, #tpu.memory_space<vmem>>) target_semaphore(%arg16 : memref<!tpu.dma_semaphore, #tpu.memory_space<semaphore_mem>>)
      %slice3A_396 = vector.extract_strided_slice %get3A_275 {offsets = [6], sizes = [1], strides = [1]} : vector<16xi32> to vector<1xi32>
      %squeeze3A_397 = vector.extract %slice3A_396[0] : i32 from vector<1xi32>
      %add3A_398 = arith.constant 6 : i32
      %add3A_399 = arith.addi %add3A_29, %add3A_398 : i32
      %dma_start3A_400 = arith.constant 0 : i32
      %dma_start3A_401 = tpu.memref_slice %arg14[%add3A_399, %dma_start3A_400] : memref<256x64xf32, #tpu.memory_space<vmem>> -> memref<1x64xf32, #tpu.memory_space<vmem>>
      %dma_start3A_402 = arith.constant 0 : i32
      %dma_start3A_403 = tpu.memref_slice %arg4[%squeeze3A_397, %dma_start3A_402] : memref<1000000x64xf32, #tpu.memory_space<hbm>> -> memref<1x64xf32, #tpu.memory_space<hbm>>
      %dma_start3A_404 = arith.constant 0 : i32
      %dma_start3A_405 = tpu.memref_slice %arg14[%add3A_399, %dma_start3A_404] : memref<256x64xf32, #tpu.memory_space<vmem>> -> memref<1x64xf32, #tpu.memory_space<vmem>>
      %dma_start3A_406 = arith.constant 0 : i32
      %dma_start3A_407 = tpu.memref_slice %arg4[%squeeze3A_397, %dma_start3A_406] : memref<1000000x64xf32, #tpu.memory_space<hbm>> -> memref<1x64xf32, #tpu.memory_space<hbm>>
      tpu.enqueue_dma source(%dma_start3A_407 : memref<1x64xf32, #tpu.memory_space<hbm>>) target(%dma_start3A_405 : memref<1x64xf32, #tpu.memory_space<vmem>>) target_semaphore(%arg16 : memref<!tpu.dma_semaphore, #tpu.memory_space<semaphore_mem>>)
      %dma_start3A_408 = arith.constant 0 : i32
      %dma_start3A_409 = tpu.memref_slice %arg15[%add3A_399, %dma_start3A_408] : memref<256x64xf32, #tpu.memory_space<vmem>> -> memref<1x64xf32, #tpu.memory_space<vmem>>
      %dma_start3A_410 = arith.constant 0 : i32
      %dma_start3A_411 = tpu.memref_slice %arg6[%squeeze3A_397, %dma_start3A_410] : memref<1000000x64xf32, #tpu.memory_space<hbm>> -> memref<1x64xf32, #tpu.memory_space<hbm>>
      %dma_start3A_412 = arith.constant 0 : i32
      %dma_start3A_413 = tpu.memref_slice %arg15[%add3A_399, %dma_start3A_412] : memref<256x64xf32, #tpu.memory_space<vmem>> -> memref<1x64xf32, #tpu.memory_space<vmem>>
      %dma_start3A_414 = arith.constant 0 : i32
      %dma_start3A_415 = tpu.memref_slice %arg6[%squeeze3A_397, %dma_start3A_414] : memref<1000000x64xf32, #tpu.memory_space<hbm>> -> memref<1x64xf32, #tpu.memory_space<hbm>>
      tpu.enqueue_dma source(%dma_start3A_415 : memref<1x64xf32, #tpu.memory_space<hbm>>) target(%dma_start3A_413 : memref<1x64xf32, #tpu.memory_space<vmem>>) target_semaphore(%arg16 : memref<!tpu.dma_semaphore, #tpu.memory_space<semaphore_mem>>)
      %slice3A_416 = vector.extract_strided_slice %get3A_275 {offsets = [7], sizes = [1], strides = [1]} : vector<16xi32> to vector<1xi32>
      %squeeze3A_417 = vector.extract %slice3A_416[0] : i32 from vector<1xi32>
      %add3A_418 = arith.constant 7 : i32
      %add3A_419 = arith.addi %add3A_29, %add3A_418 : i32
      %dma_start3A_420 = arith.constant 0 : i32
      %dma_start3A_421 = tpu.memref_slice %arg14[%add3A_419, %dma_start3A_420] : memref<256x64xf32, #tpu.memory_space<vmem>> -> memref<1x64xf32, #tpu.memory_space<vmem>>
      %dma_start3A_422 = arith.constant 0 : i32
      %dma_start3A_423 = tpu.memref_slice %arg4[%squeeze3A_417, %dma_start3A_422] : memref<1000000x64xf32, #tpu.memory_space<hbm>> -> memref<1x64xf32, #tpu.memory_space<hbm>>
      %dma_start3A_424 = arith.constant 0 : i32
      %dma_start3A_425 = tpu.memref_slice %arg14[%add3A_419, %dma_start3A_424] : memref<256x64xf32, #tpu.memory_space<vmem>> -> memref<1x64xf32, #tpu.memory_space<vmem>>
      %dma_start3A_426 = arith.constant 0 : i32
      %dma_start3A_427 = tpu.memref_slice %arg4[%squeeze3A_417, %dma_start3A_426] : memref<1000000x64xf32, #tpu.memory_space<hbm>> -> memref<1x64xf32, #tpu.memory_space<hbm>>
      tpu.enqueue_dma source(%dma_start3A_427 : memref<1x64xf32, #tpu.memory_space<hbm>>) target(%dma_start3A_425 : memref<1x64xf32, #tpu.memory_space<vmem>>) target_semaphore(%arg16 : memref<!tpu.dma_semaphore, #tpu.memory_space<semaphore_mem>>)
      %dma_start3A_428 = arith.constant 0 : i32
      %dma_start3A_429 = tpu.memref_slice %arg15[%add3A_419, %dma_start3A_428] : memref<256x64xf32, #tpu.memory_space<vmem>> -> memref<1x64xf32, #tpu.memory_space<vmem>>
      %dma_start3A_430 = arith.constant 0 : i32
      %dma_start3A_431 = tpu.memref_slice %arg6[%squeeze3A_417, %dma_start3A_430] : memref<1000000x64xf32, #tpu.memory_space<hbm>> -> memref<1x64xf32, #tpu.memory_space<hbm>>
      %dma_start3A_432 = arith.constant 0 : i32
      %dma_start3A_433 = tpu.memref_slice %arg15[%add3A_419, %dma_start3A_432] : memref<256x64xf32, #tpu.memory_space<vmem>> -> memref<1x64xf32, #tpu.memory_space<vmem>>
      %dma_start3A_434 = arith.constant 0 : i32
      %dma_start3A_435 = tpu.memref_slice %arg6[%squeeze3A_417, %dma_start3A_434] : memref<1000000x64xf32, #tpu.memory_space<hbm>> -> memref<1x64xf32, #tpu.memory_space<hbm>>
      tpu.enqueue_dma source(%dma_start3A_435 : memref<1x64xf32, #tpu.memory_space<hbm>>) target(%dma_start3A_433 : memref<1x64xf32, #tpu.memory_space<vmem>>) target_semaphore(%arg16 : memref<!tpu.dma_semaphore, #tpu.memory_space<semaphore_mem>>)
      %slice3A_436 = vector.extract_strided_slice %get3A_275 {offsets = [8], sizes = [1], strides = [1]} : vector<16xi32> to vector<1xi32>
      %squeeze3A_437 = vector.extract %slice3A_436[0] : i32 from vector<1xi32>
      %add3A_438 = arith.constant 8 : i32
      %add3A_439 = arith.addi %add3A_29, %add3A_438 : i32
      %dma_start3A_440 = arith.constant 0 : i32
      %dma_start3A_441 = tpu.memref_slice %arg14[%add3A_439, %dma_start3A_440] : memref<256x64xf32, #tpu.memory_space<vmem>> -> memref<1x64xf32, #tpu.memory_space<vmem>>
      %dma_start3A_442 = arith.constant 0 : i32
      %dma_start3A_443 = tpu.memref_slice %arg4[%squeeze3A_437, %dma_start3A_442] : memref<1000000x64xf32, #tpu.memory_space<hbm>> -> memref<1x64xf32, #tpu.memory_space<hbm>>
      %dma_start3A_444 = arith.constant 0 : i32
      %dma_start3A_445 = tpu.memref_slice %arg14[%add3A_439, %dma_start3A_444] : memref<256x64xf32, #tpu.memory_space<vmem>> -> memref<1x64xf32, #tpu.memory_space<vmem>>
      %dma_start3A_446 = arith.constant 0 : i32
      %dma_start3A_447 = tpu.memref_slice %arg4[%squeeze3A_437, %dma_start3A_446] : memref<1000000x64xf32, #tpu.memory_space<hbm>> -> memref<1x64xf32, #tpu.memory_space<hbm>>
      tpu.enqueue_dma source(%dma_start3A_447 : memref<1x64xf32, #tpu.memory_space<hbm>>) target(%dma_start3A_445 : memref<1x64xf32, #tpu.memory_space<vmem>>) target_semaphore(%arg16 : memref<!tpu.dma_semaphore, #tpu.memory_space<semaphore_mem>>)
      %dma_start3A_448 = arith.constant 0 : i32
      %dma_start3A_449 = tpu.memref_slice %arg15[%add3A_439, %dma_start3A_448] : memref<256x64xf32, #tpu.memory_space<vmem>> -> memref<1x64xf32, #tpu.memory_space<vmem>>
      %dma_start3A_450 = arith.constant 0 : i32
      %dma_start3A_451 = tpu.memref_slice %arg6[%squeeze3A_437, %dma_start3A_450] : memref<1000000x64xf32, #tpu.memory_space<hbm>> -> memref<1x64xf32, #tpu.memory_space<hbm>>
      %dma_start3A_452 = arith.constant 0 : i32
      %dma_start3A_453 = tpu.memref_slice %arg15[%add3A_439, %dma_start3A_452] : memref<256x64xf32, #tpu.memory_space<vmem>> -> memref<1x64xf32, #tpu.memory_space<vmem>>
      %dma_start3A_454 = arith.constant 0 : i32
      %dma_start3A_455 = tpu.memref_slice %arg6[%squeeze3A_437, %dma_start3A_454] : memref<1000000x64xf32, #tpu.memory_space<hbm>> -> memref<1x64xf32, #tpu.memory_space<hbm>>
      tpu.enqueue_dma source(%dma_start3A_455 : memref<1x64xf32, #tpu.memory_space<hbm>>) target(%dma_start3A_453 : memref<1x64xf32, #tpu.memory_space<vmem>>) target_semaphore(%arg16 : memref<!tpu.dma_semaphore, #tpu.memory_space<semaphore_mem>>)
      %slice3A_456 = vector.extract_strided_slice %get3A_275 {offsets = [9], sizes = [1], strides = [1]} : vector<16xi32> to vector<1xi32>
      %squeeze3A_457 = vector.extract %slice3A_456[0] : i32 from vector<1xi32>
      %add3A_458 = arith.constant 9 : i32
      %add3A_459 = arith.addi %add3A_29, %add3A_458 : i32
      %dma_start3A_460 = arith.constant 0 : i32
      %dma_start3A_461 = tpu.memref_slice %arg14[%add3A_459, %dma_start3A_460] : memref<256x64xf32, #tpu.memory_space<vmem>> -> memref<1x64xf32, #tpu.memory_space<vmem>>
      %dma_start3A_462 = arith.constant 0 : i32
      %dma_start3A_463 = tpu.memref_slice %arg4[%squeeze3A_457, %dma_start3A_462] : memref<1000000x64xf32, #tpu.memory_space<hbm>> -> memref<1x64xf32, #tpu.memory_space<hbm>>
      %dma_start3A_464 = arith.constant 0 : i32
      %dma_start3A_465 = tpu.memref_slice %arg14[%add3A_459, %dma_start3A_464] : memref<256x64xf32, #tpu.memory_space<vmem>> -> memref<1x64xf32, #tpu.memory_space<vmem>>
      %dma_start3A_466 = arith.constant 0 : i32
      %dma_start3A_467 = tpu.memref_slice %arg4[%squeeze3A_457, %dma_start3A_466] : memref<1000000x64xf32, #tpu.memory_space<hbm>> -> memref<1x64xf32, #tpu.memory_space<hbm>>
      tpu.enqueue_dma source(%dma_start3A_467 : memref<1x64xf32, #tpu.memory_space<hbm>>) target(%dma_start3A_465 : memref<1x64xf32, #tpu.memory_space<vmem>>) target_semaphore(%arg16 : memref<!tpu.dma_semaphore, #tpu.memory_space<semaphore_mem>>)
      %dma_start3A_468 = arith.constant 0 : i32
      %dma_start3A_469 = tpu.memref_slice %arg15[%add3A_459, %dma_start3A_468] : memref<256x64xf32, #tpu.memory_space<vmem>> -> memref<1x64xf32, #tpu.memory_space<vmem>>
      %dma_start3A_470 = arith.constant 0 : i32
      %dma_start3A_471 = tpu.memref_slice %arg6[%squeeze3A_457, %dma_start3A_470] : memref<1000000x64xf32, #tpu.memory_space<hbm>> -> memref<1x64xf32, #tpu.memory_space<hbm>>
      %dma_start3A_472 = arith.constant 0 : i32
      %dma_start3A_473 = tpu.memref_slice %arg15[%add3A_459, %dma_start3A_472] : memref<256x64xf32, #tpu.memory_space<vmem>> -> memref<1x64xf32, #tpu.memory_space<vmem>>
      %dma_start3A_474 = arith.constant 0 : i32
      %dma_start3A_475 = tpu.memref_slice %arg6[%squeeze3A_457, %dma_start3A_474] : memref<1000000x64xf32, #tpu.memory_space<hbm>> -> memref<1x64xf32, #tpu.memory_space<hbm>>
      tpu.enqueue_dma source(%dma_start3A_475 : memref<1x64xf32, #tpu.memory_space<hbm>>) target(%dma_start3A_473 : memref<1x64xf32, #tpu.memory_space<vmem>>) target_semaphore(%arg16 : memref<!tpu.dma_semaphore, #tpu.memory_space<semaphore_mem>>)
      %slice3A_476 = vector.extract_strided_slice %get3A_275 {offsets = [10], sizes = [1], strides = [1]} : vector<16xi32> to vector<1xi32>
      %squeeze3A_477 = vector.extract %slice3A_476[0] : i32 from vector<1xi32>
      %add3A_478 = arith.constant 10 : i32
      %add3A_479 = arith.addi %add3A_29, %add3A_478 : i32
      %dma_start3A_480 = arith.constant 0 : i32
      %dma_start3A_481 = tpu.memref_slice %arg14[%add3A_479, %dma_start3A_480] : memref<256x64xf32, #tpu.memory_space<vmem>> -> memref<1x64xf32, #tpu.memory_space<vmem>>
      %dma_start3A_482 = arith.constant 0 : i32
      %dma_start3A_483 = tpu.memref_slice %arg4[%squeeze3A_477, %dma_start3A_482] : memref<1000000x64xf32, #tpu.memory_space<hbm>> -> memref<1x64xf32, #tpu.memory_space<hbm>>
      %dma_start3A_484 = arith.constant 0 : i32
      %dma_start3A_485 = tpu.memref_slice %arg14[%add3A_479, %dma_start3A_484] : memref<256x64xf32, #tpu.memory_space<vmem>> -> memref<1x64xf32, #tpu.memory_space<vmem>>
      %dma_start3A_486 = arith.constant 0 : i32
      %dma_start3A_487 = tpu.memref_slice %arg4[%squeeze3A_477, %dma_start3A_486] : memref<1000000x64xf32, #tpu.memory_space<hbm>> -> memref<1x64xf32, #tpu.memory_space<hbm>>
      tpu.enqueue_dma source(%dma_start3A_487 : memref<1x64xf32, #tpu.memory_space<hbm>>) target(%dma_start3A_485 : memref<1x64xf32, #tpu.memory_space<vmem>>) target_semaphore(%arg16 : memref<!tpu.dma_semaphore, #tpu.memory_space<semaphore_mem>>)
      %dma_start3A_488 = arith.constant 0 : i32
      %dma_start3A_489 = tpu.memref_slice %arg15[%add3A_479, %dma_start3A_488] : memref<256x64xf32, #tpu.memory_space<vmem>> -> memref<1x64xf32, #tpu.memory_space<vmem>>
      %dma_start3A_490 = arith.constant 0 : i32
      %dma_start3A_491 = tpu.memref_slice %arg6[%squeeze3A_477, %dma_start3A_490] : memref<1000000x64xf32, #tpu.memory_space<hbm>> -> memref<1x64xf32, #tpu.memory_space<hbm>>
      %dma_start3A_492 = arith.constant 0 : i32
      %dma_start3A_493 = tpu.memref_slice %arg15[%add3A_479, %dma_start3A_492] : memref<256x64xf32, #tpu.memory_space<vmem>> -> memref<1x64xf32, #tpu.memory_space<vmem>>
      %dma_start3A_494 = arith.constant 0 : i32
      %dma_start3A_495 = tpu.memref_slice %arg6[%squeeze3A_477, %dma_start3A_494] : memref<1000000x64xf32, #tpu.memory_space<hbm>> -> memref<1x64xf32, #tpu.memory_space<hbm>>
      tpu.enqueue_dma source(%dma_start3A_495 : memref<1x64xf32, #tpu.memory_space<hbm>>) target(%dma_start3A_493 : memref<1x64xf32, #tpu.memory_space<vmem>>) target_semaphore(%arg16 : memref<!tpu.dma_semaphore, #tpu.memory_space<semaphore_mem>>)
      %slice3A_496 = vector.extract_strided_slice %get3A_275 {offsets = [11], sizes = [1], strides = [1]} : vector<16xi32> to vector<1xi32>
      %squeeze3A_497 = vector.extract %slice3A_496[0] : i32 from vector<1xi32>
      %add3A_498 = arith.constant 11 : i32
      %add3A_499 = arith.addi %add3A_29, %add3A_498 : i32
      %dma_start3A_500 = arith.constant 0 : i32
      %dma_start3A_501 = tpu.memref_slice %arg14[%add3A_499, %dma_start3A_500] : memref<256x64xf32, #tpu.memory_space<vmem>> -> memref<1x64xf32, #tpu.memory_space<vmem>>
      %dma_start3A_502 = arith.constant 0 : i32
      %dma_start3A_503 = tpu.memref_slice %arg4[%squeeze3A_497, %dma_start3A_502] : memref<1000000x64xf32, #tpu.memory_space<hbm>> -> memref<1x64xf32, #tpu.memory_space<hbm>>
      %dma_start3A_504 = arith.constant 0 : i32
      %dma_start3A_505 = tpu.memref_slice %arg14[%add3A_499, %dma_start3A_504] : memref<256x64xf32, #tpu.memory_space<vmem>> -> memref<1x64xf32, #tpu.memory_space<vmem>>
      %dma_start3A_506 = arith.constant 0 : i32
      %dma_start3A_507 = tpu.memref_slice %arg4[%squeeze3A_497, %dma_start3A_506] : memref<1000000x64xf32, #tpu.memory_space<hbm>> -> memref<1x64xf32, #tpu.memory_space<hbm>>
      tpu.enqueue_dma source(%dma_start3A_507 : memref<1x64xf32, #tpu.memory_space<hbm>>) target(%dma_start3A_505 : memref<1x64xf32, #tpu.memory_space<vmem>>) target_semaphore(%arg16 : memref<!tpu.dma_semaphore, #tpu.memory_space<semaphore_mem>>)
      %dma_start3A_508 = arith.constant 0 : i32
      %dma_start3A_509 = tpu.memref_slice %arg15[%add3A_499, %dma_start3A_508] : memref<256x64xf32, #tpu.memory_space<vmem>> -> memref<1x64xf32, #tpu.memory_space<vmem>>
      %dma_start3A_510 = arith.constant 0 : i32
      %dma_start3A_511 = tpu.memref_slice %arg6[%squeeze3A_497, %dma_start3A_510] : memref<1000000x64xf32, #tpu.memory_space<hbm>> -> memref<1x64xf32, #tpu.memory_space<hbm>>
      %dma_start3A_512 = arith.constant 0 : i32
      %dma_start3A_513 = tpu.memref_slice %arg15[%add3A_499, %dma_start3A_512] : memref<256x64xf32, #tpu.memory_space<vmem>> -> memref<1x64xf32, #tpu.memory_space<vmem>>
      %dma_start3A_514 = arith.constant 0 : i32
      %dma_start3A_515 = tpu.memref_slice %arg6[%squeeze3A_497, %dma_start3A_514] : memref<1000000x64xf32, #tpu.memory_space<hbm>> -> memref<1x64xf32, #tpu.memory_space<hbm>>
      tpu.enqueue_dma source(%dma_start3A_515 : memref<1x64xf32, #tpu.memory_space<hbm>>) target(%dma_start3A_513 : memref<1x64xf32, #tpu.memory_space<vmem>>) target_semaphore(%arg16 : memref<!tpu.dma_semaphore, #tpu.memory_space<semaphore_mem>>)
      %slice3A_516 = vector.extract_strided_slice %get3A_275 {offsets = [12], sizes = [1], strides = [1]} : vector<16xi32> to vector<1xi32>
      %squeeze3A_517 = vector.extract %slice3A_516[0] : i32 from vector<1xi32>
      %add3A_518 = arith.constant 12 : i32
      %add3A_519 = arith.addi %add3A_29, %add3A_518 : i32
      %dma_start3A_520 = arith.constant 0 : i32
      %dma_start3A_521 = tpu.memref_slice %arg14[%add3A_519, %dma_start3A_520] : memref<256x64xf32, #tpu.memory_space<vmem>> -> memref<1x64xf32, #tpu.memory_space<vmem>>
      %dma_start3A_522 = arith.constant 0 : i32
      %dma_start3A_523 = tpu.memref_slice %arg4[%squeeze3A_517, %dma_start3A_522] : memref<1000000x64xf32, #tpu.memory_space<hbm>> -> memref<1x64xf32, #tpu.memory_space<hbm>>
      %dma_start3A_524 = arith.constant 0 : i32
      %dma_start3A_525 = tpu.memref_slice %arg14[%add3A_519, %dma_start3A_524] : memref<256x64xf32, #tpu.memory_space<vmem>> -> memref<1x64xf32, #tpu.memory_space<vmem>>
      %dma_start3A_526 = arith.constant 0 : i32
      %dma_start3A_527 = tpu.memref_slice %arg4[%squeeze3A_517, %dma_start3A_526] : memref<1000000x64xf32, #tpu.memory_space<hbm>> -> memref<1x64xf32, #tpu.memory_space<hbm>>
      tpu.enqueue_dma source(%dma_start3A_527 : memref<1x64xf32, #tpu.memory_space<hbm>>) target(%dma_start3A_525 : memref<1x64xf32, #tpu.memory_space<vmem>>) target_semaphore(%arg16 : memref<!tpu.dma_semaphore, #tpu.memory_space<semaphore_mem>>)
      %dma_start3A_528 = arith.constant 0 : i32
      %dma_start3A_529 = tpu.memref_slice %arg15[%add3A_519, %dma_start3A_528] : memref<256x64xf32, #tpu.memory_space<vmem>> -> memref<1x64xf32, #tpu.memory_space<vmem>>
      %dma_start3A_530 = arith.constant 0 : i32
      %dma_start3A_531 = tpu.memref_slice %arg6[%squeeze3A_517, %dma_start3A_530] : memref<1000000x64xf32, #tpu.memory_space<hbm>> -> memref<1x64xf32, #tpu.memory_space<hbm>>
      %dma_start3A_532 = arith.constant 0 : i32
      %dma_start3A_533 = tpu.memref_slice %arg15[%add3A_519, %dma_start3A_532] : memref<256x64xf32, #tpu.memory_space<vmem>> -> memref<1x64xf32, #tpu.memory_space<vmem>>
      %dma_start3A_534 = arith.constant 0 : i32
      %dma_start3A_535 = tpu.memref_slice %arg6[%squeeze3A_517, %dma_start3A_534] : memref<1000000x64xf32, #tpu.memory_space<hbm>> -> memref<1x64xf32, #tpu.memory_space<hbm>>
      tpu.enqueue_dma source(%dma_start3A_535 : memref<1x64xf32, #tpu.memory_space<hbm>>) target(%dma_start3A_533 : memref<1x64xf32, #tpu.memory_space<vmem>>) target_semaphore(%arg16 : memref<!tpu.dma_semaphore, #tpu.memory_space<semaphore_mem>>)
      %slice3A_536 = vector.extract_strided_slice %get3A_275 {offsets = [13], sizes = [1], strides = [1]} : vector<16xi32> to vector<1xi32>
      %squeeze3A_537 = vector.extract %slice3A_536[0] : i32 from vector<1xi32>
      %add3A_538 = arith.constant 13 : i32
      %add3A_539 = arith.addi %add3A_29, %add3A_538 : i32
      %dma_start3A_540 = arith.constant 0 : i32
      %dma_start3A_541 = tpu.memref_slice %arg14[%add3A_539, %dma_start3A_540] : memref<256x64xf32, #tpu.memory_space<vmem>> -> memref<1x64xf32, #tpu.memory_space<vmem>>
      %dma_start3A_542 = arith.constant 0 : i32
      %dma_start3A_543 = tpu.memref_slice %arg4[%squeeze3A_537, %dma_start3A_542] : memref<1000000x64xf32, #tpu.memory_space<hbm>> -> memref<1x64xf32, #tpu.memory_space<hbm>>
      %dma_start3A_544 = arith.constant 0 : i32
      %dma_start3A_545 = tpu.memref_slice %arg14[%add3A_539, %dma_start3A_544] : memref<256x64xf32, #tpu.memory_space<vmem>> -> memref<1x64xf32, #tpu.memory_space<vmem>>
      %dma_start3A_546 = arith.constant 0 : i32
      %dma_start3A_547 = tpu.memref_slice %arg4[%squeeze3A_537, %dma_start3A_546] : memref<1000000x64xf32, #tpu.memory_space<hbm>> -> memref<1x64xf32, #tpu.memory_space<hbm>>
      tpu.enqueue_dma source(%dma_start3A_547 : memref<1x64xf32, #tpu.memory_space<hbm>>) target(%dma_start3A_545 : memref<1x64xf32, #tpu.memory_space<vmem>>) target_semaphore(%arg16 : memref<!tpu.dma_semaphore, #tpu.memory_space<semaphore_mem>>)
      %dma_start3A_548 = arith.constant 0 : i32
      %dma_start3A_549 = tpu.memref_slice %arg15[%add3A_539, %dma_start3A_548] : memref<256x64xf32, #tpu.memory_space<vmem>> -> memref<1x64xf32, #tpu.memory_space<vmem>>
      %dma_start3A_550 = arith.constant 0 : i32
      %dma_start3A_551 = tpu.memref_slice %arg6[%squeeze3A_537, %dma_start3A_550] : memref<1000000x64xf32, #tpu.memory_space<hbm>> -> memref<1x64xf32, #tpu.memory_space<hbm>>
      %dma_start3A_552 = arith.constant 0 : i32
      %dma_start3A_553 = tpu.memref_slice %arg15[%add3A_539, %dma_start3A_552] : memref<256x64xf32, #tpu.memory_space<vmem>> -> memref<1x64xf32, #tpu.memory_space<vmem>>
      %dma_start3A_554 = arith.constant 0 : i32
      %dma_start3A_555 = tpu.memref_slice %arg6[%squeeze3A_537, %dma_start3A_554] : memref<1000000x64xf32, #tpu.memory_space<hbm>> -> memref<1x64xf32, #tpu.memory_space<hbm>>
      tpu.enqueue_dma source(%dma_start3A_555 : memref<1x64xf32, #tpu.memory_space<hbm>>) target(%dma_start3A_553 : memref<1x64xf32, #tpu.memory_space<vmem>>) target_semaphore(%arg16 : memref<!tpu.dma_semaphore, #tpu.memory_space<semaphore_mem>>)
      %slice3A_556 = vector.extract_strided_slice %get3A_275 {offsets = [14], sizes = [1], strides = [1]} : vector<16xi32> to vector<1xi32>
      %squeeze3A_557 = vector.extract %slice3A_556[0] : i32 from vector<1xi32>
      %add3A_558 = arith.constant 14 : i32
      %add3A_559 = arith.addi %add3A_29, %add3A_558 : i32
      %dma_start3A_560 = arith.constant 0 : i32
      %dma_start3A_561 = tpu.memref_slice %arg14[%add3A_559, %dma_start3A_560] : memref<256x64xf32, #tpu.memory_space<vmem>> -> memref<1x64xf32, #tpu.memory_space<vmem>>
      %dma_start3A_562 = arith.constant 0 : i32
      %dma_start3A_563 = tpu.memref_slice %arg4[%squeeze3A_557, %dma_start3A_562] : memref<1000000x64xf32, #tpu.memory_space<hbm>> -> memref<1x64xf32, #tpu.memory_space<hbm>>
      %dma_start3A_564 = arith.constant 0 : i32
      %dma_start3A_565 = tpu.memref_slice %arg14[%add3A_559, %dma_start3A_564] : memref<256x64xf32, #tpu.memory_space<vmem>> -> memref<1x64xf32, #tpu.memory_space<vmem>>
      %dma_start3A_566 = arith.constant 0 : i32
      %dma_start3A_567 = tpu.memref_slice %arg4[%squeeze3A_557, %dma_start3A_566] : memref<1000000x64xf32, #tpu.memory_space<hbm>> -> memref<1x64xf32, #tpu.memory_space<hbm>>
      tpu.enqueue_dma source(%dma_start3A_567 : memref<1x64xf32, #tpu.memory_space<hbm>>) target(%dma_start3A_565 : memref<1x64xf32, #tpu.memory_space<vmem>>) target_semaphore(%arg16 : memref<!tpu.dma_semaphore, #tpu.memory_space<semaphore_mem>>)
      %dma_start3A_568 = arith.constant 0 : i32
      %dma_start3A_569 = tpu.memref_slice %arg15[%add3A_559, %dma_start3A_568] : memref<256x64xf32, #tpu.memory_space<vmem>> -> memref<1x64xf32, #tpu.memory_space<vmem>>
      %dma_start3A_570 = arith.constant 0 : i32
      %dma_start3A_571 = tpu.memref_slice %arg6[%squeeze3A_557, %dma_start3A_570] : memref<1000000x64xf32, #tpu.memory_space<hbm>> -> memref<1x64xf32, #tpu.memory_space<hbm>>
      %dma_start3A_572 = arith.constant 0 : i32
      %dma_start3A_573 = tpu.memref_slice %arg15[%add3A_559, %dma_start3A_572] : memref<256x64xf32, #tpu.memory_space<vmem>> -> memref<1x64xf32, #tpu.memory_space<vmem>>
      %dma_start3A_574 = arith.constant 0 : i32
      %dma_start3A_575 = tpu.memref_slice %arg6[%squeeze3A_557, %dma_start3A_574] : memref<1000000x64xf32, #tpu.memory_space<hbm>> -> memref<1x64xf32, #tpu.memory_space<hbm>>
      tpu.enqueue_dma source(%dma_start3A_575 : memref<1x64xf32, #tpu.memory_space<hbm>>) target(%dma_start3A_573 : memref<1x64xf32, #tpu.memory_space<vmem>>) target_semaphore(%arg16 : memref<!tpu.dma_semaphore, #tpu.memory_space<semaphore_mem>>)
      %slice3A_576 = vector.extract_strided_slice %get3A_275 {offsets = [15], sizes = [1], strides = [1]} : vector<16xi32> to vector<1xi32>
      %squeeze3A_577 = vector.extract %slice3A_576[0] : i32 from vector<1xi32>
      %add3A_578 = arith.constant 15 : i32
      %add3A_579 = arith.addi %add3A_29, %add3A_578 : i32
      %dma_start3A_580 = arith.constant 0 : i32
      %dma_start3A_581 = tpu.memref_slice %arg14[%add3A_579, %dma_start3A_580] : memref<256x64xf32, #tpu.memory_space<vmem>> -> memref<1x64xf32, #tpu.memory_space<vmem>>
      %dma_start3A_582 = arith.constant 0 : i32
      %dma_start3A_583 = tpu.memref_slice %arg4[%squeeze3A_577, %dma_start3A_582] : memref<1000000x64xf32, #tpu.memory_space<hbm>> -> memref<1x64xf32, #tpu.memory_space<hbm>>
      %dma_start3A_584 = arith.constant 0 : i32
      %dma_start3A_585 = tpu.memref_slice %arg14[%add3A_579, %dma_start3A_584] : memref<256x64xf32, #tpu.memory_space<vmem>> -> memref<1x64xf32, #tpu.memory_space<vmem>>
      %dma_start3A_586 = arith.constant 0 : i32
      %dma_start3A_587 = tpu.memref_slice %arg4[%squeeze3A_577, %dma_start3A_586] : memref<1000000x64xf32, #tpu.memory_space<hbm>> -> memref<1x64xf32, #tpu.memory_space<hbm>>
      tpu.enqueue_dma source(%dma_start3A_587 : memref<1x64xf32, #tpu.memory_space<hbm>>) target(%dma_start3A_585 : memref<1x64xf32, #tpu.memory_space<vmem>>) target_semaphore(%arg16 : memref<!tpu.dma_semaphore, #tpu.memory_space<semaphore_mem>>)
      %dma_start3A_588 = arith.constant 0 : i32
      %dma_start3A_589 = tpu.memref_slice %arg15[%add3A_579, %dma_start3A_588] : memref<256x64xf32, #tpu.memory_space<vmem>> -> memref<1x64xf32, #tpu.memory_space<vmem>>
      %dma_start3A_590 = arith.constant 0 : i32
      %dma_start3A_591 = tpu.memref_slice %arg6[%squeeze3A_577, %dma_start3A_590] : memref<1000000x64xf32, #tpu.memory_space<hbm>> -> memref<1x64xf32, #tpu.memory_space<hbm>>
      %dma_start3A_592 = arith.constant 0 : i32
      %dma_start3A_593 = tpu.memref_slice %arg15[%add3A_579, %dma_start3A_592] : memref<256x64xf32, #tpu.memory_space<vmem>> -> memref<1x64xf32, #tpu.memory_space<vmem>>
      %dma_start3A_594 = arith.constant 0 : i32
      %dma_start3A_595 = tpu.memref_slice %arg6[%squeeze3A_577, %dma_start3A_594] : memref<1000000x64xf32, #tpu.memory_space<hbm>> -> memref<1x64xf32, #tpu.memory_space<hbm>>
      tpu.enqueue_dma source(%dma_start3A_595 : memref<1x64xf32, #tpu.memory_space<hbm>>) target(%dma_start3A_593 : memref<1x64xf32, #tpu.memory_space<vmem>>) target_semaphore(%arg16 : memref<!tpu.dma_semaphore, #tpu.memory_space<semaphore_mem>>)
      %dma_wait3A_596 = arith.constant 0 : i32
      %dma_wait3A_597 = tpu.memref_slice %arg14[%add3A_279, %dma_wait3A_596] : memref<256x64xf32, #tpu.memory_space<vmem>> -> memref<1x64xf32, #tpu.memory_space<vmem>>
      %dma_wait3A_598 = arith.constant 0 : i32
      %dma_wait3A_599 = tpu.memref_slice %arg4[%squeeze3A_277, %dma_wait3A_598] : memref<1000000x64xf32, #tpu.memory_space<hbm>> -> memref<1x64xf32, #tpu.memory_space<hbm>>
      %dma_wait3A_600 = arith.constant 0 : i32
      %dma_wait3A_601 = tpu.memref_slice %arg14[%add3A_279, %dma_wait3A_600] : memref<256x64xf32, #tpu.memory_space<vmem>> -> memref<1x64xf32, #tpu.memory_space<vmem>>
      %dma_wait3A_602 = arith.constant 0 : i32
      %dma_wait3A_603 = tpu.memref_slice %arg4[%squeeze3A_277, %dma_wait3A_602] : memref<1000000x64xf32, #tpu.memory_space<hbm>> -> memref<1x64xf32, #tpu.memory_space<hbm>>
      tpu.wait_dma2 semaphore(%arg16 : memref<!tpu.dma_semaphore, #tpu.memory_space<semaphore_mem>>) src(%dma_wait3A_603 : memref<1x64xf32, #tpu.memory_space<hbm>>) dst(%dma_wait3A_601 : memref<1x64xf32, #tpu.memory_space<vmem>>)
      %dma_wait3A_604 = arith.constant 0 : i32
      %dma_wait3A_605 = tpu.memref_slice %arg15[%add3A_279, %dma_wait3A_604] : memref<256x64xf32, #tpu.memory_space<vmem>> -> memref<1x64xf32, #tpu.memory_space<vmem>>
      %dma_wait3A_606 = arith.constant 0 : i32
      %dma_wait3A_607 = tpu.memref_slice %arg6[%squeeze3A_277, %dma_wait3A_606] : memref<1000000x64xf32, #tpu.memory_space<hbm>> -> memref<1x64xf32, #tpu.memory_space<hbm>>
      %dma_wait3A_608 = arith.constant 0 : i32
      %dma_wait3A_609 = tpu.memref_slice %arg15[%add3A_279, %dma_wait3A_608] : memref<256x64xf32, #tpu.memory_space<vmem>> -> memref<1x64xf32, #tpu.memory_space<vmem>>
      %dma_wait3A_610 = arith.constant 0 : i32
      %dma_wait3A_611 = tpu.memref_slice %arg6[%squeeze3A_277, %dma_wait3A_610] : memref<1000000x64xf32, #tpu.memory_space<hbm>> -> memref<1x64xf32, #tpu.memory_space<hbm>>
      tpu.wait_dma2 semaphore(%arg16 : memref<!tpu.dma_semaphore, #tpu.memory_space<semaphore_mem>>) src(%dma_wait3A_611 : memref<1x64xf32, #tpu.memory_space<hbm>>) dst(%dma_wait3A_609 : memref<1x64xf32, #tpu.memory_space<vmem>>)
      %dma_wait3A_612 = arith.constant 0 : i32
      %dma_wait3A_613 = tpu.memref_slice %arg14[%add3A_299, %dma_wait3A_612] : memref<256x64xf32, #tpu.memory_space<vmem>> -> memref<1x64xf32, #tpu.memory_space<vmem>>
      %dma_wait3A_614 = arith.constant 0 : i32
      %dma_wait3A_615 = tpu.memref_slice %arg4[%squeeze3A_297, %dma_wait3A_614] : memref<1000000x64xf32, #tpu.memory_space<hbm>> -> memref<1x64xf32, #tpu.memory_space<hbm>>
      %dma_wait3A_616 = arith.constant 0 : i32
      %dma_wait3A_617 = tpu.memref_slice %arg14[%add3A_299, %dma_wait3A_616] : memref<256x64xf32, #tpu.memory_space<vmem>> -> memref<1x64xf32, #tpu.memory_space<vmem>>
      %dma_wait3A_618 = arith.constant 0 : i32
      %dma_wait3A_619 = tpu.memref_slice %arg4[%squeeze3A_297, %dma_wait3A_618] : memref<1000000x64xf32, #tpu.memory_space<hbm>> -> memref<1x64xf32, #tpu.memory_space<hbm>>
      tpu.wait_dma2 semaphore(%arg16 : memref<!tpu.dma_semaphore, #tpu.memory_space<semaphore_mem>>) src(%dma_wait3A_619 : memref<1x64xf32, #tpu.memory_space<hbm>>) dst(%dma_wait3A_617 : memref<1x64xf32, #tpu.memory_space<vmem>>)
      %dma_wait3A_620 = arith.constant 0 : i32
      %dma_wait3A_621 = tpu.memref_slice %arg15[%add3A_299, %dma_wait3A_620] : memref<256x64xf32, #tpu.memory_space<vmem>> -> memref<1x64xf32, #tpu.memory_space<vmem>>
      %dma_wait3A_622 = arith.constant 0 : i32
      %dma_wait3A_623 = tpu.memref_slice %arg6[%squeeze3A_297, %dma_wait3A_622] : memref<1000000x64xf32, #tpu.memory_space<hbm>> -> memref<1x64xf32, #tpu.memory_space<hbm>>
      %dma_wait3A_624 = arith.constant 0 : i32
      %dma_wait3A_625 = tpu.memref_slice %arg15[%add3A_299, %dma_wait3A_624] : memref<256x64xf32, #tpu.memory_space<vmem>> -> memref<1x64xf32, #tpu.memory_space<vmem>>
      %dma_wait3A_626 = arith.constant 0 : i32
      %dma_wait3A_627 = tpu.memref_slice %arg6[%squeeze3A_297, %dma_wait3A_626] : memref<1000000x64xf32, #tpu.memory_space<hbm>> -> memref<1x64xf32, #tpu.memory_space<hbm>>
      tpu.wait_dma2 semaphore(%arg16 : memref<!tpu.dma_semaphore, #tpu.memory_space<semaphore_mem>>) src(%dma_wait3A_627 : memref<1x64xf32, #tpu.memory_space<hbm>>) dst(%dma_wait3A_625 : memref<1x64xf32, #tpu.memory_space<vmem>>)
      %dma_wait3A_628 = arith.constant 0 : i32
      %dma_wait3A_629 = tpu.memref_slice %arg14[%add3A_319, %dma_wait3A_628] : memref<256x64xf32, #tpu.memory_space<vmem>> -> memref<1x64xf32, #tpu.memory_space<vmem>>
      %dma_wait3A_630 = arith.constant 0 : i32
      %dma_wait3A_631 = tpu.memref_slice %arg4[%squeeze3A_317, %dma_wait3A_630] : memref<1000000x64xf32, #tpu.memory_space<hbm>> -> memref<1x64xf32, #tpu.memory_space<hbm>>
      %dma_wait3A_632 = arith.constant 0 : i32
      %dma_wait3A_633 = tpu.memref_slice %arg14[%add3A_319, %dma_wait3A_632] : memref<256x64xf32, #tpu.memory_space<vmem>> -> memref<1x64xf32, #tpu.memory_space<vmem>>
      %dma_wait3A_634 = arith.constant 0 : i32
      %dma_wait3A_635 = tpu.memref_slice %arg4[%squeeze3A_317, %dma_wait3A_634] : memref<1000000x64xf32, #tpu.memory_space<hbm>> -> memref<1x64xf32, #tpu.memory_space<hbm>>
      tpu.wait_dma2 semaphore(%arg16 : memref<!tpu.dma_semaphore, #tpu.memory_space<semaphore_mem>>) src(%dma_wait3A_635 : memref<1x64xf32, #tpu.memory_space<hbm>>) dst(%dma_wait3A_633 : memref<1x64xf32, #tpu.memory_space<vmem>>)
      %dma_wait3A_636 = arith.constant 0 : i32
      %dma_wait3A_637 = tpu.memref_slice %arg15[%add3A_319, %dma_wait3A_636] : memref<256x64xf32, #tpu.memory_space<vmem>> -> memref<1x64xf32, #tpu.memory_space<vmem>>
      %dma_wait3A_638 = arith.constant 0 : i32
      %dma_wait3A_639 = tpu.memref_slice %arg6[%squeeze3A_317, %dma_wait3A_638] : memref<1000000x64xf32, #tpu.memory_space<hbm>> -> memref<1x64xf32, #tpu.memory_space<hbm>>
      %dma_wait3A_640 = arith.constant 0 : i32
      %dma_wait3A_641 = tpu.memref_slice %arg15[%add3A_319, %dma_wait3A_640] : memref<256x64xf32, #tpu.memory_space<vmem>> -> memref<1x64xf32, #tpu.memory_space<vmem>>
      %dma_wait3A_642 = arith.constant 0 : i32
      %dma_wait3A_643 = tpu.memref_slice %arg6[%squeeze3A_317, %dma_wait3A_642] : memref<1000000x64xf32, #tpu.memory_space<hbm>> -> memref<1x64xf32, #tpu.memory_space<hbm>>
      tpu.wait_dma2 semaphore(%arg16 : memref<!tpu.dma_semaphore, #tpu.memory_space<semaphore_mem>>) src(%dma_wait3A_643 : memref<1x64xf32, #tpu.memory_space<hbm>>) dst(%dma_wait3A_641 : memref<1x64xf32, #tpu.memory_space<vmem>>)
      %dma_wait3A_644 = arith.constant 0 : i32
      %dma_wait3A_645 = tpu.memref_slice %arg14[%add3A_339, %dma_wait3A_644] : memref<256x64xf32, #tpu.memory_space<vmem>> -> memref<1x64xf32, #tpu.memory_space<vmem>>
      %dma_wait3A_646 = arith.constant 0 : i32
      %dma_wait3A_647 = tpu.memref_slice %arg4[%squeeze3A_337, %dma_wait3A_646] : memref<1000000x64xf32, #tpu.memory_space<hbm>> -> memref<1x64xf32, #tpu.memory_space<hbm>>
      %dma_wait3A_648 = arith.constant 0 : i32
      %dma_wait3A_649 = tpu.memref_slice %arg14[%add3A_339, %dma_wait3A_648] : memref<256x64xf32, #tpu.memory_space<vmem>> -> memref<1x64xf32, #tpu.memory_space<vmem>>
      %dma_wait3A_650 = arith.constant 0 : i32
      %dma_wait3A_651 = tpu.memref_slice %arg4[%squeeze3A_337, %dma_wait3A_650] : memref<1000000x64xf32, #tpu.memory_space<hbm>> -> memref<1x64xf32, #tpu.memory_space<hbm>>
      tpu.wait_dma2 semaphore(%arg16 : memref<!tpu.dma_semaphore, #tpu.memory_space<semaphore_mem>>) src(%dma_wait3A_651 : memref<1x64xf32, #tpu.memory_space<hbm>>) dst(%dma_wait3A_649 : memref<1x64xf32, #tpu.memory_space<vmem>>)
      %dma_wait3A_652 = arith.constant 0 : i32
      %dma_wait3A_653 = tpu.memref_slice %arg15[%add3A_339, %dma_wait3A_652] : memref<256x64xf32, #tpu.memory_space<vmem>> -> memref<1x64xf32, #tpu.memory_space<vmem>>
      %dma_wait3A_654 = arith.constant 0 : i32
      %dma_wait3A_655 = tpu.memref_slice %arg6[%squeeze3A_337, %dma_wait3A_654] : memref<1000000x64xf32, #tpu.memory_space<hbm>> -> memref<1x64xf32, #tpu.memory_space<hbm>>
      %dma_wait3A_656 = arith.constant 0 : i32
      %dma_wait3A_657 = tpu.memref_slice %arg15[%add3A_339, %dma_wait3A_656] : memref<256x64xf32, #tpu.memory_space<vmem>> -> memref<1x64xf32, #tpu.memory_space<vmem>>
      %dma_wait3A_658 = arith.constant 0 : i32
      %dma_wait3A_659 = tpu.memref_slice %arg6[%squeeze3A_337, %dma_wait3A_658] : memref<1000000x64xf32, #tpu.memory_space<hbm>> -> memref<1x64xf32, #tpu.memory_space<hbm>>
      tpu.wait_dma2 semaphore(%arg16 : memref<!tpu.dma_semaphore, #tpu.memory_space<semaphore_mem>>) src(%dma_wait3A_659 : memref<1x64xf32, #tpu.memory_space<hbm>>) dst(%dma_wait3A_657 : memref<1x64xf32, #tpu.memory_space<vmem>>)
      %dma_wait3A_660 = arith.constant 0 : i32
      %dma_wait3A_661 = tpu.memref_slice %arg14[%add3A_359, %dma_wait3A_660] : memref<256x64xf32, #tpu.memory_space<vmem>> -> memref<1x64xf32, #tpu.memory_space<vmem>>
      %dma_wait3A_662 = arith.constant 0 : i32
      %dma_wait3A_663 = tpu.memref_slice %arg4[%squeeze3A_357, %dma_wait3A_662] : memref<1000000x64xf32, #tpu.memory_space<hbm>> -> memref<1x64xf32, #tpu.memory_space<hbm>>
      %dma_wait3A_664 = arith.constant 0 : i32
      %dma_wait3A_665 = tpu.memref_slice %arg14[%add3A_359, %dma_wait3A_664] : memref<256x64xf32, #tpu.memory_space<vmem>> -> memref<1x64xf32, #tpu.memory_space<vmem>>
      %dma_wait3A_666 = arith.constant 0 : i32
      %dma_wait3A_667 = tpu.memref_slice %arg4[%squeeze3A_357, %dma_wait3A_666] : memref<1000000x64xf32, #tpu.memory_space<hbm>> -> memref<1x64xf32, #tpu.memory_space<hbm>>
      tpu.wait_dma2 semaphore(%arg16 : memref<!tpu.dma_semaphore, #tpu.memory_space<semaphore_mem>>) src(%dma_wait3A_667 : memref<1x64xf32, #tpu.memory_space<hbm>>) dst(%dma_wait3A_665 : memref<1x64xf32, #tpu.memory_space<vmem>>)
      %dma_wait3A_668 = arith.constant 0 : i32
      %dma_wait3A_669 = tpu.memref_slice %arg15[%add3A_359, %dma_wait3A_668] : memref<256x64xf32, #tpu.memory_space<vmem>> -> memref<1x64xf32, #tpu.memory_space<vmem>>
      %dma_wait3A_670 = arith.constant 0 : i32
      %dma_wait3A_671 = tpu.memref_slice %arg6[%squeeze3A_357, %dma_wait3A_670] : memref<1000000x64xf32, #tpu.memory_space<hbm>> -> memref<1x64xf32, #tpu.memory_space<hbm>>
      %dma_wait3A_672 = arith.constant 0 : i32
      %dma_wait3A_673 = tpu.memref_slice %arg15[%add3A_359, %dma_wait3A_672] : memref<256x64xf32, #tpu.memory_space<vmem>> -> memref<1x64xf32, #tpu.memory_space<vmem>>
      %dma_wait3A_674 = arith.constant 0 : i32
      %dma_wait3A_675 = tpu.memref_slice %arg6[%squeeze3A_357, %dma_wait3A_674] : memref<1000000x64xf32, #tpu.memory_space<hbm>> -> memref<1x64xf32, #tpu.memory_space<hbm>>
      tpu.wait_dma2 semaphore(%arg16 : memref<!tpu.dma_semaphore, #tpu.memory_space<semaphore_mem>>) src(%dma_wait3A_675 : memref<1x64xf32, #tpu.memory_space<hbm>>) dst(%dma_wait3A_673 : memref<1x64xf32, #tpu.memory_space<vmem>>)
      %dma_wait3A_676 = arith.constant 0 : i32
      %dma_wait3A_677 = tpu.memref_slice %arg14[%add3A_379, %dma_wait3A_676] : memref<256x64xf32, #tpu.memory_space<vmem>> -> memref<1x64xf32, #tpu.memory_space<vmem>>
      %dma_wait3A_678 = arith.constant 0 : i32
      %dma_wait3A_679 = tpu.memref_slice %arg4[%squeeze3A_377, %dma_wait3A_678] : memref<1000000x64xf32, #tpu.memory_space<hbm>> -> memref<1x64xf32, #tpu.memory_space<hbm>>
      %dma_wait3A_680 = arith.constant 0 : i32
      %dma_wait3A_681 = tpu.memref_slice %arg14[%add3A_379, %dma_wait3A_680] : memref<256x64xf32, #tpu.memory_space<vmem>> -> memref<1x64xf32, #tpu.memory_space<vmem>>
      %dma_wait3A_682 = arith.constant 0 : i32
      %dma_wait3A_683 = tpu.memref_slice %arg4[%squeeze3A_377, %dma_wait3A_682] : memref<1000000x64xf32, #tpu.memory_space<hbm>> -> memref<1x64xf32, #tpu.memory_space<hbm>>
      tpu.wait_dma2 semaphore(%arg16 : memref<!tpu.dma_semaphore, #tpu.memory_space<semaphore_mem>>) src(%dma_wait3A_683 : memref<1x64xf32, #tpu.memory_space<hbm>>) dst(%dma_wait3A_681 : memref<1x64xf32, #tpu.memory_space<vmem>>)
      %dma_wait3A_684 = arith.constant 0 : i32
      %dma_wait3A_685 = tpu.memref_slice %arg15[%add3A_379, %dma_wait3A_684] : memref<256x64xf32, #tpu.memory_space<vmem>> -> memref<1x64xf32, #tpu.memory_space<vmem>>
      %dma_wait3A_686 = arith.constant 0 : i32
      %dma_wait3A_687 = tpu.memref_slice %arg6[%squeeze3A_377, %dma_wait3A_686] : memref<1000000x64xf32, #tpu.memory_space<hbm>> -> memref<1x64xf32, #tpu.memory_space<hbm>>
      %dma_wait3A_688 = arith.constant 0 : i32
      %dma_wait3A_689 = tpu.memref_slice %arg15[%add3A_379, %dma_wait3A_688] : memref<256x64xf32, #tpu.memory_space<vmem>> -> memref<1x64xf32, #tpu.memory_space<vmem>>
      %dma_wait3A_690 = arith.constant 0 : i32
      %dma_wait3A_691 = tpu.memref_slice %arg6[%squeeze3A_377, %dma_wait3A_690] : memref<1000000x64xf32, #tpu.memory_space<hbm>> -> memref<1x64xf32, #tpu.memory_space<hbm>>
      tpu.wait_dma2 semaphore(%arg16 : memref<!tpu.dma_semaphore, #tpu.memory_space<semaphore_mem>>) src(%dma_wait3A_691 : memref<1x64xf32, #tpu.memory_space<hbm>>) dst(%dma_wait3A_689 : memref<1x64xf32, #tpu.memory_space<vmem>>)
      %dma_wait3A_692 = arith.constant 0 : i32
      %dma_wait3A_693 = tpu.memref_slice %arg14[%add3A_399, %dma_wait3A_692] : memref<256x64xf32, #tpu.memory_space<vmem>> -> memref<1x64xf32, #tpu.memory_space<vmem>>
      %dma_wait3A_694 = arith.constant 0 : i32
      %dma_wait3A_695 = tpu.memref_slice %arg4[%squeeze3A_397, %dma_wait3A_694] : memref<1000000x64xf32, #tpu.memory_space<hbm>> -> memref<1x64xf32, #tpu.memory_space<hbm>>
      %dma_wait3A_696 = arith.constant 0 : i32
      %dma_wait3A_697 = tpu.memref_slice %arg14[%add3A_399, %dma_wait3A_696] : memref<256x64xf32, #tpu.memory_space<vmem>> -> memref<1x64xf32, #tpu.memory_space<vmem>>
      %dma_wait3A_698 = arith.constant 0 : i32
      %dma_wait3A_699 = tpu.memref_slice %arg4[%squeeze3A_397, %dma_wait3A_698] : memref<1000000x64xf32, #tpu.memory_space<hbm>> -> memref<1x64xf32, #tpu.memory_space<hbm>>
      tpu.wait_dma2 semaphore(%arg16 : memref<!tpu.dma_semaphore, #tpu.memory_space<semaphore_mem>>) src(%dma_wait3A_699 : memref<1x64xf32, #tpu.memory_space<hbm>>) dst(%dma_wait3A_697 : memref<1x64xf32, #tpu.memory_space<vmem>>)
      %dma_wait3A_700 = arith.constant 0 : i32
      %dma_wait3A_701 = tpu.memref_slice %arg15[%add3A_399, %dma_wait3A_700] : memref<256x64xf32, #tpu.memory_space<vmem>> -> memref<1x64xf32, #tpu.memory_space<vmem>>
      %dma_wait3A_702 = arith.constant 0 : i32
      %dma_wait3A_703 = tpu.memref_slice %arg6[%squeeze3A_397, %dma_wait3A_702] : memref<1000000x64xf32, #tpu.memory_space<hbm>> -> memref<1x64xf32, #tpu.memory_space<hbm>>
      %dma_wait3A_704 = arith.constant 0 : i32
      %dma_wait3A_705 = tpu.memref_slice %arg15[%add3A_399, %dma_wait3A_704] : memref<256x64xf32, #tpu.memory_space<vmem>> -> memref<1x64xf32, #tpu.memory_space<vmem>>
      %dma_wait3A_706 = arith.constant 0 : i32
      %dma_wait3A_707 = tpu.memref_slice %arg6[%squeeze3A_397, %dma_wait3A_706] : memref<1000000x64xf32, #tpu.memory_space<hbm>> -> memref<1x64xf32, #tpu.memory_space<hbm>>
      tpu.wait_dma2 semaphore(%arg16 : memref<!tpu.dma_semaphore, #tpu.memory_space<semaphore_mem>>) src(%dma_wait3A_707 : memref<1x64xf32, #tpu.memory_space<hbm>>) dst(%dma_wait3A_705 : memref<1x64xf32, #tpu.memory_space<vmem>>)
      %dma_wait3A_708 = arith.constant 0 : i32
      %dma_wait3A_709 = tpu.memref_slice %arg14[%add3A_419, %dma_wait3A_708] : memref<256x64xf32, #tpu.memory_space<vmem>> -> memref<1x64xf32, #tpu.memory_space<vmem>>
      %dma_wait3A_710 = arith.constant 0 : i32
      %dma_wait3A_711 = tpu.memref_slice %arg4[%squeeze3A_417, %dma_wait3A_710] : memref<1000000x64xf32, #tpu.memory_space<hbm>> -> memref<1x64xf32, #tpu.memory_space<hbm>>
      %dma_wait3A_712 = arith.constant 0 : i32
      %dma_wait3A_713 = tpu.memref_slice %arg14[%add3A_419, %dma_wait3A_712] : memref<256x64xf32, #tpu.memory_space<vmem>> -> memref<1x64xf32, #tpu.memory_space<vmem>>
      %dma_wait3A_714 = arith.constant 0 : i32
      %dma_wait3A_715 = tpu.memref_slice %arg4[%squeeze3A_417, %dma_wait3A_714] : memref<1000000x64xf32, #tpu.memory_space<hbm>> -> memref<1x64xf32, #tpu.memory_space<hbm>>
      tpu.wait_dma2 semaphore(%arg16 : memref<!tpu.dma_semaphore, #tpu.memory_space<semaphore_mem>>) src(%dma_wait3A_715 : memref<1x64xf32, #tpu.memory_space<hbm>>) dst(%dma_wait3A_713 : memref<1x64xf32, #tpu.memory_space<vmem>>)
      %dma_wait3A_716 = arith.constant 0 : i32
      %dma_wait3A_717 = tpu.memref_slice %arg15[%add3A_419, %dma_wait3A_716] : memref<256x64xf32, #tpu.memory_space<vmem>> -> memref<1x64xf32, #tpu.memory_space<vmem>>
      %dma_wait3A_718 = arith.constant 0 : i32
      %dma_wait3A_719 = tpu.memref_slice %arg6[%squeeze3A_417, %dma_wait3A_718] : memref<1000000x64xf32, #tpu.memory_space<hbm>> -> memref<1x64xf32, #tpu.memory_space<hbm>>
      %dma_wait3A_720 = arith.constant 0 : i32
      %dma_wait3A_721 = tpu.memref_slice %arg15[%add3A_419, %dma_wait3A_720] : memref<256x64xf32, #tpu.memory_space<vmem>> -> memref<1x64xf32, #tpu.memory_space<vmem>>
      %dma_wait3A_722 = arith.constant 0 : i32
      %dma_wait3A_723 = tpu.memref_slice %arg6[%squeeze3A_417, %dma_wait3A_722] : memref<1000000x64xf32, #tpu.memory_space<hbm>> -> memref<1x64xf32, #tpu.memory_space<hbm>>
      tpu.wait_dma2 semaphore(%arg16 : memref<!tpu.dma_semaphore, #tpu.memory_space<semaphore_mem>>) src(%dma_wait3A_723 : memref<1x64xf32, #tpu.memory_space<hbm>>) dst(%dma_wait3A_721 : memref<1x64xf32, #tpu.memory_space<vmem>>)
      %dma_wait3A_724 = arith.constant 0 : i32
      %dma_wait3A_725 = tpu.memref_slice %arg14[%add3A_439, %dma_wait3A_724] : memref<256x64xf32, #tpu.memory_space<vmem>> -> memref<1x64xf32, #tpu.memory_space<vmem>>
      %dma_wait3A_726 = arith.constant 0 : i32
      %dma_wait3A_727 = tpu.memref_slice %arg4[%squeeze3A_437, %dma_wait3A_726] : memref<1000000x64xf32, #tpu.memory_space<hbm>> -> memref<1x64xf32, #tpu.memory_space<hbm>>
      %dma_wait3A_728 = arith.constant 0 : i32
      %dma_wait3A_729 = tpu.memref_slice %arg14[%add3A_439, %dma_wait3A_728] : memref<256x64xf32, #tpu.memory_space<vmem>> -> memref<1x64xf32, #tpu.memory_space<vmem>>
      %dma_wait3A_730 = arith.constant 0 : i32
      %dma_wait3A_731 = tpu.memref_slice %arg4[%squeeze3A_437, %dma_wait3A_730] : memref<1000000x64xf32, #tpu.memory_space<hbm>> -> memref<1x64xf32, #tpu.memory_space<hbm>>
      tpu.wait_dma2 semaphore(%arg16 : memref<!tpu.dma_semaphore, #tpu.memory_space<semaphore_mem>>) src(%dma_wait3A_731 : memref<1x64xf32, #tpu.memory_space<hbm>>) dst(%dma_wait3A_729 : memref<1x64xf32, #tpu.memory_space<vmem>>)
      %dma_wait3A_732 = arith.constant 0 : i32
      %dma_wait3A_733 = tpu.memref_slice %arg15[%add3A_439, %dma_wait3A_732] : memref<256x64xf32, #tpu.memory_space<vmem>> -> memref<1x64xf32, #tpu.memory_space<vmem>>
      %dma_wait3A_734 = arith.constant 0 : i32
      %dma_wait3A_735 = tpu.memref_slice %arg6[%squeeze3A_437, %dma_wait3A_734] : memref<1000000x64xf32, #tpu.memory_space<hbm>> -> memref<1x64xf32, #tpu.memory_space<hbm>>
      %dma_wait3A_736 = arith.constant 0 : i32
      %dma_wait3A_737 = tpu.memref_slice %arg15[%add3A_439, %dma_wait3A_736] : memref<256x64xf32, #tpu.memory_space<vmem>> -> memref<1x64xf32, #tpu.memory_space<vmem>>
      %dma_wait3A_738 = arith.constant 0 : i32
      %dma_wait3A_739 = tpu.memref_slice %arg6[%squeeze3A_437, %dma_wait3A_738] : memref<1000000x64xf32, #tpu.memory_space<hbm>> -> memref<1x64xf32, #tpu.memory_space<hbm>>
      tpu.wait_dma2 semaphore(%arg16 : memref<!tpu.dma_semaphore, #tpu.memory_space<semaphore_mem>>) src(%dma_wait3A_739 : memref<1x64xf32, #tpu.memory_space<hbm>>) dst(%dma_wait3A_737 : memref<1x64xf32, #tpu.memory_space<vmem>>)
      %dma_wait3A_740 = arith.constant 0 : i32
      %dma_wait3A_741 = tpu.memref_slice %arg14[%add3A_459, %dma_wait3A_740] : memref<256x64xf32, #tpu.memory_space<vmem>> -> memref<1x64xf32, #tpu.memory_space<vmem>>
      %dma_wait3A_742 = arith.constant 0 : i32
      %dma_wait3A_743 = tpu.memref_slice %arg4[%squeeze3A_457, %dma_wait3A_742] : memref<1000000x64xf32, #tpu.memory_space<hbm>> -> memref<1x64xf32, #tpu.memory_space<hbm>>
      %dma_wait3A_744 = arith.constant 0 : i32
      %dma_wait3A_745 = tpu.memref_slice %arg14[%add3A_459, %dma_wait3A_744] : memref<256x64xf32, #tpu.memory_space<vmem>> -> memref<1x64xf32, #tpu.memory_space<vmem>>
      %dma_wait3A_746 = arith.constant 0 : i32
      %dma_wait3A_747 = tpu.memref_slice %arg4[%squeeze3A_457, %dma_wait3A_746] : memref<1000000x64xf32, #tpu.memory_space<hbm>> -> memref<1x64xf32, #tpu.memory_space<hbm>>
      tpu.wait_dma2 semaphore(%arg16 : memref<!tpu.dma_semaphore, #tpu.memory_space<semaphore_mem>>) src(%dma_wait3A_747 : memref<1x64xf32, #tpu.memory_space<hbm>>) dst(%dma_wait3A_745 : memref<1x64xf32, #tpu.memory_space<vmem>>)
      %dma_wait3A_748 = arith.constant 0 : i32
      %dma_wait3A_749 = tpu.memref_slice %arg15[%add3A_459, %dma_wait3A_748] : memref<256x64xf32, #tpu.memory_space<vmem>> -> memref<1x64xf32, #tpu.memory_space<vmem>>
      %dma_wait3A_750 = arith.constant 0 : i32
      %dma_wait3A_751 = tpu.memref_slice %arg6[%squeeze3A_457, %dma_wait3A_750] : memref<1000000x64xf32, #tpu.memory_space<hbm>> -> memref<1x64xf32, #tpu.memory_space<hbm>>
      %dma_wait3A_752 = arith.constant 0 : i32
      %dma_wait3A_753 = tpu.memref_slice %arg15[%add3A_459, %dma_wait3A_752] : memref<256x64xf32, #tpu.memory_space<vmem>> -> memref<1x64xf32, #tpu.memory_space<vmem>>
      %dma_wait3A_754 = arith.constant 0 : i32
      %dma_wait3A_755 = tpu.memref_slice %arg6[%squeeze3A_457, %dma_wait3A_754] : memref<1000000x64xf32, #tpu.memory_space<hbm>> -> memref<1x64xf32, #tpu.memory_space<hbm>>
      tpu.wait_dma2 semaphore(%arg16 : memref<!tpu.dma_semaphore, #tpu.memory_space<semaphore_mem>>) src(%dma_wait3A_755 : memref<1x64xf32, #tpu.memory_space<hbm>>) dst(%dma_wait3A_753 : memref<1x64xf32, #tpu.memory_space<vmem>>)
      %dma_wait3A_756 = arith.constant 0 : i32
      %dma_wait3A_757 = tpu.memref_slice %arg14[%add3A_479, %dma_wait3A_756] : memref<256x64xf32, #tpu.memory_space<vmem>> -> memref<1x64xf32, #tpu.memory_space<vmem>>
      %dma_wait3A_758 = arith.constant 0 : i32
      %dma_wait3A_759 = tpu.memref_slice %arg4[%squeeze3A_477, %dma_wait3A_758] : memref<1000000x64xf32, #tpu.memory_space<hbm>> -> memref<1x64xf32, #tpu.memory_space<hbm>>
      %dma_wait3A_760 = arith.constant 0 : i32
      %dma_wait3A_761 = tpu.memref_slice %arg14[%add3A_479, %dma_wait3A_760] : memref<256x64xf32, #tpu.memory_space<vmem>> -> memref<1x64xf32, #tpu.memory_space<vmem>>
      %dma_wait3A_762 = arith.constant 0 : i32
      %dma_wait3A_763 = tpu.memref_slice %arg4[%squeeze3A_477, %dma_wait3A_762] : memref<1000000x64xf32, #tpu.memory_space<hbm>> -> memref<1x64xf32, #tpu.memory_space<hbm>>
      tpu.wait_dma2 semaphore(%arg16 : memref<!tpu.dma_semaphore, #tpu.memory_space<semaphore_mem>>) src(%dma_wait3A_763 : memref<1x64xf32, #tpu.memory_space<hbm>>) dst(%dma_wait3A_761 : memref<1x64xf32, #tpu.memory_space<vmem>>)
      %dma_wait3A_764 = arith.constant 0 : i32
      %dma_wait3A_765 = tpu.memref_slice %arg15[%add3A_479, %dma_wait3A_764] : memref<256x64xf32, #tpu.memory_space<vmem>> -> memref<1x64xf32, #tpu.memory_space<vmem>>
      %dma_wait3A_766 = arith.constant 0 : i32
      %dma_wait3A_767 = tpu.memref_slice %arg6[%squeeze3A_477, %dma_wait3A_766] : memref<1000000x64xf32, #tpu.memory_space<hbm>> -> memref<1x64xf32, #tpu.memory_space<hbm>>
      %dma_wait3A_768 = arith.constant 0 : i32
      %dma_wait3A_769 = tpu.memref_slice %arg15[%add3A_479, %dma_wait3A_768] : memref<256x64xf32, #tpu.memory_space<vmem>> -> memref<1x64xf32, #tpu.memory_space<vmem>>
      %dma_wait3A_770 = arith.constant 0 : i32
      %dma_wait3A_771 = tpu.memref_slice %arg6[%squeeze3A_477, %dma_wait3A_770] : memref<1000000x64xf32, #tpu.memory_space<hbm>> -> memref<1x64xf32, #tpu.memory_space<hbm>>
      tpu.wait_dma2 semaphore(%arg16 : memref<!tpu.dma_semaphore, #tpu.memory_space<semaphore_mem>>) src(%dma_wait3A_771 : memref<1x64xf32, #tpu.memory_space<hbm>>) dst(%dma_wait3A_769 : memref<1x64xf32, #tpu.memory_space<vmem>>)
      %dma_wait3A_772 = arith.constant 0 : i32
      %dma_wait3A_773 = tpu.memref_slice %arg14[%add3A_499, %dma_wait3A_772] : memref<256x64xf32, #tpu.memory_space<vmem>> -> memref<1x64xf32, #tpu.memory_space<vmem>>
      %dma_wait3A_774 = arith.constant 0 : i32
      %dma_wait3A_775 = tpu.memref_slice %arg4[%squeeze3A_497, %dma_wait3A_774] : memref<1000000x64xf32, #tpu.memory_space<hbm>> -> memref<1x64xf32, #tpu.memory_space<hbm>>
      %dma_wait3A_776 = arith.constant 0 : i32
      %dma_wait3A_777 = tpu.memref_slice %arg14[%add3A_499, %dma_wait3A_776] : memref<256x64xf32, #tpu.memory_space<vmem>> -> memref<1x64xf32, #tpu.memory_space<vmem>>
      %dma_wait3A_778 = arith.constant 0 : i32
      %dma_wait3A_779 = tpu.memref_slice %arg4[%squeeze3A_497, %dma_wait3A_778] : memref<1000000x64xf32, #tpu.memory_space<hbm>> -> memref<1x64xf32, #tpu.memory_space<hbm>>
      tpu.wait_dma2 semaphore(%arg16 : memref<!tpu.dma_semaphore, #tpu.memory_space<semaphore_mem>>) src(%dma_wait3A_779 : memref<1x64xf32, #tpu.memory_space<hbm>>) dst(%dma_wait3A_777 : memref<1x64xf32, #tpu.memory_space<vmem>>)
      %dma_wait3A_780 = arith.constant 0 : i32
      %dma_wait3A_781 = tpu.memref_slice %arg15[%add3A_499, %dma_wait3A_780] : memref<256x64xf32, #tpu.memory_space<vmem>> -> memref<1x64xf32, #tpu.memory_space<vmem>>
      %dma_wait3A_782 = arith.constant 0 : i32
      %dma_wait3A_783 = tpu.memref_slice %arg6[%squeeze3A_497, %dma_wait3A_782] : memref<1000000x64xf32, #tpu.memory_space<hbm>> -> memref<1x64xf32, #tpu.memory_space<hbm>>
      %dma_wait3A_784 = arith.constant 0 : i32
      %dma_wait3A_785 = tpu.memref_slice %arg15[%add3A_499, %dma_wait3A_784] : memref<256x64xf32, #tpu.memory_space<vmem>> -> memref<1x64xf32, #tpu.memory_space<vmem>>
      %dma_wait3A_786 = arith.constant 0 : i32
      %dma_wait3A_787 = tpu.memref_slice %arg6[%squeeze3A_497, %dma_wait3A_786] : memref<1000000x64xf32, #tpu.memory_space<hbm>> -> memref<1x64xf32, #tpu.memory_space<hbm>>
      tpu.wait_dma2 semaphore(%arg16 : memref<!tpu.dma_semaphore, #tpu.memory_space<semaphore_mem>>) src(%dma_wait3A_787 : memref<1x64xf32, #tpu.memory_space<hbm>>) dst(%dma_wait3A_785 : memref<1x64xf32, #tpu.memory_space<vmem>>)
      %dma_wait3A_788 = arith.constant 0 : i32
      %dma_wait3A_789 = tpu.memref_slice %arg14[%add3A_519, %dma_wait3A_788] : memref<256x64xf32, #tpu.memory_space<vmem>> -> memref<1x64xf32, #tpu.memory_space<vmem>>
      %dma_wait3A_790 = arith.constant 0 : i32
      %dma_wait3A_791 = tpu.memref_slice %arg4[%squeeze3A_517, %dma_wait3A_790] : memref<1000000x64xf32, #tpu.memory_space<hbm>> -> memref<1x64xf32, #tpu.memory_space<hbm>>
      %dma_wait3A_792 = arith.constant 0 : i32
      %dma_wait3A_793 = tpu.memref_slice %arg14[%add3A_519, %dma_wait3A_792] : memref<256x64xf32, #tpu.memory_space<vmem>> -> memref<1x64xf32, #tpu.memory_space<vmem>>
      %dma_wait3A_794 = arith.constant 0 : i32
      %dma_wait3A_795 = tpu.memref_slice %arg4[%squeeze3A_517, %dma_wait3A_794] : memref<1000000x64xf32, #tpu.memory_space<hbm>> -> memref<1x64xf32, #tpu.memory_space<hbm>>
      tpu.wait_dma2 semaphore(%arg16 : memref<!tpu.dma_semaphore, #tpu.memory_space<semaphore_mem>>) src(%dma_wait3A_795 : memref<1x64xf32, #tpu.memory_space<hbm>>) dst(%dma_wait3A_793 : memref<1x64xf32, #tpu.memory_space<vmem>>)
      %dma_wait3A_796 = arith.constant 0 : i32
      %dma_wait3A_797 = tpu.memref_slice %arg15[%add3A_519, %dma_wait3A_796] : memref<256x64xf32, #tpu.memory_space<vmem>> -> memref<1x64xf32, #tpu.memory_space<vmem>>
      %dma_wait3A_798 = arith.constant 0 : i32
      %dma_wait3A_799 = tpu.memref_slice %arg6[%squeeze3A_517, %dma_wait3A_798] : memref<1000000x64xf32, #tpu.memory_space<hbm>> -> memref<1x64xf32, #tpu.memory_space<hbm>>
      %dma_wait3A_800 = arith.constant 0 : i32
      %dma_wait3A_801 = tpu.memref_slice %arg15[%add3A_519, %dma_wait3A_800] : memref<256x64xf32, #tpu.memory_space<vmem>> -> memref<1x64xf32, #tpu.memory_space<vmem>>
      %dma_wait3A_802 = arith.constant 0 : i32
      %dma_wait3A_803 = tpu.memref_slice %arg6[%squeeze3A_517, %dma_wait3A_802] : memref<1000000x64xf32, #tpu.memory_space<hbm>> -> memref<1x64xf32, #tpu.memory_space<hbm>>
      tpu.wait_dma2 semaphore(%arg16 : memref<!tpu.dma_semaphore, #tpu.memory_space<semaphore_mem>>) src(%dma_wait3A_803 : memref<1x64xf32, #tpu.memory_space<hbm>>) dst(%dma_wait3A_801 : memref<1x64xf32, #tpu.memory_space<vmem>>)
      %dma_wait3A_804 = arith.constant 0 : i32
      %dma_wait3A_805 = tpu.memref_slice %arg14[%add3A_539, %dma_wait3A_804] : memref<256x64xf32, #tpu.memory_space<vmem>> -> memref<1x64xf32, #tpu.memory_space<vmem>>
      %dma_wait3A_806 = arith.constant 0 : i32
      %dma_wait3A_807 = tpu.memref_slice %arg4[%squeeze3A_537, %dma_wait3A_806] : memref<1000000x64xf32, #tpu.memory_space<hbm>> -> memref<1x64xf32, #tpu.memory_space<hbm>>
      %dma_wait3A_808 = arith.constant 0 : i32
      %dma_wait3A_809 = tpu.memref_slice %arg14[%add3A_539, %dma_wait3A_808] : memref<256x64xf32, #tpu.memory_space<vmem>> -> memref<1x64xf32, #tpu.memory_space<vmem>>
      %dma_wait3A_810 = arith.constant 0 : i32
      %dma_wait3A_811 = tpu.memref_slice %arg4[%squeeze3A_537, %dma_wait3A_810] : memref<1000000x64xf32, #tpu.memory_space<hbm>> -> memref<1x64xf32, #tpu.memory_space<hbm>>
      tpu.wait_dma2 semaphore(%arg16 : memref<!tpu.dma_semaphore, #tpu.memory_space<semaphore_mem>>) src(%dma_wait3A_811 : memref<1x64xf32, #tpu.memory_space<hbm>>) dst(%dma_wait3A_809 : memref<1x64xf32, #tpu.memory_space<vmem>>)
      %dma_wait3A_812 = arith.constant 0 : i32
      %dma_wait3A_813 = tpu.memref_slice %arg15[%add3A_539, %dma_wait3A_812] : memref<256x64xf32, #tpu.memory_space<vmem>> -> memref<1x64xf32, #tpu.memory_space<vmem>>
      %dma_wait3A_814 = arith.constant 0 : i32
      %dma_wait3A_815 = tpu.memref_slice %arg6[%squeeze3A_537, %dma_wait3A_814] : memref<1000000x64xf32, #tpu.memory_space<hbm>> -> memref<1x64xf32, #tpu.memory_space<hbm>>
      %dma_wait3A_816 = arith.constant 0 : i32
      %dma_wait3A_817 = tpu.memref_slice %arg15[%add3A_539, %dma_wait3A_816] : memref<256x64xf32, #tpu.memory_space<vmem>> -> memref<1x64xf32, #tpu.memory_space<vmem>>
      %dma_wait3A_818 = arith.constant 0 : i32
      %dma_wait3A_819 = tpu.memref_slice %arg6[%squeeze3A_537, %dma_wait3A_818] : memref<1000000x64xf32, #tpu.memory_space<hbm>> -> memref<1x64xf32, #tpu.memory_space<hbm>>
      tpu.wait_dma2 semaphore(%arg16 : memref<!tpu.dma_semaphore, #tpu.memory_space<semaphore_mem>>) src(%dma_wait3A_819 : memref<1x64xf32, #tpu.memory_space<hbm>>) dst(%dma_wait3A_817 : memref<1x64xf32, #tpu.memory_space<vmem>>)
      %dma_wait3A_820 = arith.constant 0 : i32
      %dma_wait3A_821 = tpu.memref_slice %arg14[%add3A_559, %dma_wait3A_820] : memref<256x64xf32, #tpu.memory_space<vmem>> -> memref<1x64xf32, #tpu.memory_space<vmem>>
      %dma_wait3A_822 = arith.constant 0 : i32
      %dma_wait3A_823 = tpu.memref_slice %arg4[%squeeze3A_557, %dma_wait3A_822] : memref<1000000x64xf32, #tpu.memory_space<hbm>> -> memref<1x64xf32, #tpu.memory_space<hbm>>
      %dma_wait3A_824 = arith.constant 0 : i32
      %dma_wait3A_825 = tpu.memref_slice %arg14[%add3A_559, %dma_wait3A_824] : memref<256x64xf32, #tpu.memory_space<vmem>> -> memref<1x64xf32, #tpu.memory_space<vmem>>
      %dma_wait3A_826 = arith.constant 0 : i32
      %dma_wait3A_827 = tpu.memref_slice %arg4[%squeeze3A_557, %dma_wait3A_826] : memref<1000000x64xf32, #tpu.memory_space<hbm>> -> memref<1x64xf32, #tpu.memory_space<hbm>>
      tpu.wait_dma2 semaphore(%arg16 : memref<!tpu.dma_semaphore, #tpu.memory_space<semaphore_mem>>) src(%dma_wait3A_827 : memref<1x64xf32, #tpu.memory_space<hbm>>) dst(%dma_wait3A_825 : memref<1x64xf32, #tpu.memory_space<vmem>>)
      %dma_wait3A_828 = arith.constant 0 : i32
      %dma_wait3A_829 = tpu.memref_slice %arg15[%add3A_559, %dma_wait3A_828] : memref<256x64xf32, #tpu.memory_space<vmem>> -> memref<1x64xf32, #tpu.memory_space<vmem>>
      %dma_wait3A_830 = arith.constant 0 : i32
      %dma_wait3A_831 = tpu.memref_slice %arg6[%squeeze3A_557, %dma_wait3A_830] : memref<1000000x64xf32, #tpu.memory_space<hbm>> -> memref<1x64xf32, #tpu.memory_space<hbm>>
      %dma_wait3A_832 = arith.constant 0 : i32
      %dma_wait3A_833 = tpu.memref_slice %arg15[%add3A_559, %dma_wait3A_832] : memref<256x64xf32, #tpu.memory_space<vmem>> -> memref<1x64xf32, #tpu.memory_space<vmem>>
      %dma_wait3A_834 = arith.constant 0 : i32
      %dma_wait3A_835 = tpu.memref_slice %arg6[%squeeze3A_557, %dma_wait3A_834] : memref<1000000x64xf32, #tpu.memory_space<hbm>> -> memref<1x64xf32, #tpu.memory_space<hbm>>
      tpu.wait_dma2 semaphore(%arg16 : memref<!tpu.dma_semaphore, #tpu.memory_space<semaphore_mem>>) src(%dma_wait3A_835 : memref<1x64xf32, #tpu.memory_space<hbm>>) dst(%dma_wait3A_833 : memref<1x64xf32, #tpu.memory_space<vmem>>)
      %dma_wait3A_836 = arith.constant 0 : i32
      %dma_wait3A_837 = tpu.memref_slice %arg14[%add3A_579, %dma_wait3A_836] : memref<256x64xf32, #tpu.memory_space<vmem>> -> memref<1x64xf32, #tpu.memory_space<vmem>>
      %dma_wait3A_838 = arith.constant 0 : i32
      %dma_wait3A_839 = tpu.memref_slice %arg4[%squeeze3A_577, %dma_wait3A_838] : memref<1000000x64xf32, #tpu.memory_space<hbm>> -> memref<1x64xf32, #tpu.memory_space<hbm>>
      %dma_wait3A_840 = arith.constant 0 : i32
      %dma_wait3A_841 = tpu.memref_slice %arg14[%add3A_579, %dma_wait3A_840] : memref<256x64xf32, #tpu.memory_space<vmem>> -> memref<1x64xf32, #tpu.memory_space<vmem>>
      %dma_wait3A_842 = arith.constant 0 : i32
      %dma_wait3A_843 = tpu.memref_slice %arg4[%squeeze3A_577, %dma_wait3A_842] : memref<1000000x64xf32, #tpu.memory_space<hbm>> -> memref<1x64xf32, #tpu.memory_space<hbm>>
      tpu.wait_dma2 semaphore(%arg16 : memref<!tpu.dma_semaphore, #tpu.memory_space<semaphore_mem>>) src(%dma_wait3A_843 : memref<1x64xf32, #tpu.memory_space<hbm>>) dst(%dma_wait3A_841 : memref<1x64xf32, #tpu.memory_space<vmem>>)
      %dma_wait3A_844 = arith.constant 0 : i32
      %dma_wait3A_845 = tpu.memref_slice %arg15[%add3A_579, %dma_wait3A_844] : memref<256x64xf32, #tpu.memory_space<vmem>> -> memref<1x64xf32, #tpu.memory_space<vmem>>
      %dma_wait3A_846 = arith.constant 0 : i32
      %dma_wait3A_847 = tpu.memref_slice %arg6[%squeeze3A_577, %dma_wait3A_846] : memref<1000000x64xf32, #tpu.memory_space<hbm>> -> memref<1x64xf32, #tpu.memory_space<hbm>>
      %dma_wait3A_848 = arith.constant 0 : i32
      %dma_wait3A_849 = tpu.memref_slice %arg15[%add3A_579, %dma_wait3A_848] : memref<256x64xf32, #tpu.memory_space<vmem>> -> memref<1x64xf32, #tpu.memory_space<vmem>>
      %dma_wait3A_850 = arith.constant 0 : i32
      %dma_wait3A_851 = tpu.memref_slice %arg6[%squeeze3A_577, %dma_wait3A_850] : memref<1000000x64xf32, #tpu.memory_space<hbm>> -> memref<1x64xf32, #tpu.memory_space<hbm>>
      tpu.wait_dma2 semaphore(%arg16 : memref<!tpu.dma_semaphore, #tpu.memory_space<semaphore_mem>>) src(%dma_wait3A_851 : memref<1x64xf32, #tpu.memory_space<hbm>>) dst(%dma_wait3A_849 : memref<1x64xf32, #tpu.memory_space<vmem>>)
    }
    %scan3A_13 = arith.constant 16 : i32
    %add3A_14 = arith.constant 256 : i32
    %add3A_15 = arith.addi %mul3A_2, %add3A_14 : i32
    "tpu.region"() ({
      %run_scoped3A = tpu.sem_alloc : memref<!tpu.dma_semaphore, #tpu.memory_space<semaphore_mem>>
      %dma_start3A = arith.constant 0 : i32
      %dma_start3A_25 = tpu.memref_slice %arg8[%add3A_15, %dma_start3A] : memref<16384x64xf32, #tpu.memory_space<hbm>> -> memref<256x64xf32, #tpu.memory_space<hbm>>
      %dma_start3A_26 = arith.constant 0 : i32
      %dma_start3A_27 = tpu.memref_slice %arg8[%add3A_15, %dma_start3A_26] : memref<16384x64xf32, #tpu.memory_space<hbm>> -> memref<256x64xf32, #tpu.memory_space<hbm>>
      tpu.enqueue_dma source(%arg14 : memref<256x64xf32, #tpu.memory_space<vmem>>) target(%dma_start3A_27 : memref<256x64xf32, #tpu.memory_space<hbm>>) target_semaphore(%run_scoped3A : memref<!tpu.dma_semaphore, #tpu.memory_space<semaphore_mem>>)
      %dma_wait3A_28 = arith.constant 0 : i32
      %dma_wait3A_29 = tpu.memref_slice %arg8[%add3A_15, %dma_wait3A_28] : memref<16384x64xf32, #tpu.memory_space<hbm>> -> memref<256x64xf32, #tpu.memory_space<hbm>>
      %dma_wait3A_30 = arith.constant 0 : i32
      %dma_wait3A_31 = tpu.memref_slice %arg8[%add3A_15, %dma_wait3A_30] : memref<16384x64xf32, #tpu.memory_space<hbm>> -> memref<256x64xf32, #tpu.memory_space<hbm>>
      tpu.wait_dma2 semaphore(%run_scoped3A : memref<!tpu.dma_semaphore, #tpu.memory_space<semaphore_mem>>) src(%arg14 : memref<256x64xf32, #tpu.memory_space<vmem>>) dst(%dma_wait3A_31 : memref<256x64xf32, #tpu.memory_space<hbm>>)
      tpu.yield
    }) : () -> ()
    "tpu.region"() ({
      %run_scoped3A = tpu.sem_alloc : memref<!tpu.dma_semaphore, #tpu.memory_space<semaphore_mem>>
      %dma_start3A = arith.constant 0 : i32
      %dma_start3A_25 = tpu.memref_slice %arg10[%add3A_15, %dma_start3A] : memref<16384x64xf32, #tpu.memory_space<hbm>> -> memref<256x64xf32, #tpu.memory_space<hbm>>
      %dma_start3A_26 = arith.constant 0 : i32
      %dma_start3A_27 = tpu.memref_slice %arg10[%add3A_15, %dma_start3A_26] : memref<16384x64xf32, #tpu.memory_space<hbm>> -> memref<256x64xf32, #tpu.memory_space<hbm>>
      tpu.enqueue_dma source(%arg15 : memref<256x64xf32, #tpu.memory_space<vmem>>) target(%dma_start3A_27 : memref<256x64xf32, #tpu.memory_space<hbm>>) target_semaphore(%run_scoped3A : memref<!tpu.dma_semaphore, #tpu.memory_space<semaphore_mem>>)
      %dma_wait3A_28 = arith.constant 0 : i32
      %dma_wait3A_29 = tpu.memref_slice %arg10[%add3A_15, %dma_wait3A_28] : memref<16384x64xf32, #tpu.memory_space<hbm>> -> memref<256x64xf32, #tpu.memory_space<hbm>>
      %dma_wait3A_30 = arith.constant 0 : i32
      %dma_wait3A_31 = tpu.memref_slice %arg10[%add3A_15, %dma_wait3A_30] : memref<16384x64xf32, #tpu.memory_space<hbm>> -> memref<256x64xf32, #tpu.memory_space<hbm>>
      tpu.wait_dma2 semaphore(%run_scoped3A : memref<!tpu.dma_semaphore, #tpu.memory_space<semaphore_mem>>) src(%arg15 : memref<256x64xf32, #tpu.memory_space<vmem>>) dst(%dma_wait3A_31 : memref<256x64xf32, #tpu.memory_space<hbm>>)
      tpu.yield
    }) : () -> ()
    %dma_wait3A = arith.constant 0 : i32
    %dma_wait3A_16 = tpu.memref_slice %arg9[%mul3A_2, %dma_wait3A] : memref<16384x64xf32, #tpu.memory_space<hbm>> -> memref<512x64xf32, #tpu.memory_space<hbm>>
    %dma_wait3A_17 = arith.constant 0 : i32
    %dma_wait3A_18 = arith.constant 0 : i32
    %dma_wait3A_19 = tpu.memref_slice %arg5[%dma_wait3A_17, %dma_wait3A_18] : memref<100000x64xf32, #tpu.memory_space<hbm>> -> memref<512x64xf32, #tpu.memory_space<hbm>>
    tpu.wait_dma2 semaphore(%arg17 : memref<!tpu.dma_semaphore, #tpu.memory_space<semaphore_mem>>) src(%dma_wait3A_19 : memref<512x64xf32, #tpu.memory_space<hbm>>) dst(%dma_wait3A_16 : memref<512x64xf32, #tpu.memory_space<hbm>>)
    %dma_wait3A_20 = arith.constant 0 : i32
    %dma_wait3A_21 = tpu.memref_slice %arg11[%mul3A_2, %dma_wait3A_20] : memref<16384x64xf32, #tpu.memory_space<hbm>> -> memref<512x64xf32, #tpu.memory_space<hbm>>
    %dma_wait3A_22 = arith.constant 0 : i32
    %dma_wait3A_23 = arith.constant 0 : i32
    %dma_wait3A_24 = tpu.memref_slice %arg7[%dma_wait3A_22, %dma_wait3A_23] : memref<100000x64xf32, #tpu.memory_space<hbm>> -> memref<512x64xf32, #tpu.memory_space<hbm>>
    tpu.wait_dma2 semaphore(%arg17 : memref<!tpu.dma_semaphore, #tpu.memory_space<semaphore_mem>>) src(%dma_wait3A_24 : memref<512x64xf32, #tpu.memory_space<hbm>>) dst(%dma_wait3A_21 : memref<512x64xf32, #tpu.memory_space<hbm>>)
    return
  }
}

module attributes {stable_mosaic.version = 14 : i64} {
  func.func @body(%arg0: i32, %arg1: memref<2048x64xf32, #tpu.memory_space<vmem>>, %arg2: memref<2048x64xf32, #tpu.memory_space<vmem>>, %arg3: memref<2048x64xf32, #tpu.memory_space<vmem>>, %arg4: memref<2048x64xf32, #tpu.memory_space<vmem>>, %arg5: memref<64x16xf32, #tpu.memory_space<vmem>>, %arg6: memref<64x16xf32, #tpu.memory_space<vmem>>, %arg7: memref<1x16xf32, #tpu.memory_space<vmem>>, %arg8: memref<16x8xf32, #tpu.memory_space<vmem>>, %arg9: memref<1x8xf32, #tpu.memory_space<vmem>>, %arg10: memref<8x4xf32, #tpu.memory_space<vmem>>, %arg11: memref<1x4xf32, #tpu.memory_space<vmem>>, %arg12: memref<64x1xf32, #tpu.memory_space<vmem>>, %arg13: memref<4x1xf32, #tpu.memory_space<vmem>>, %arg14: memref<1x1xf32, #tpu.memory_space<vmem>>, %arg15: memref<2048x1xf32, #tpu.memory_space<vmem>>) attributes {dimension_semantics = [#tpu.dimension_semantics<arbitrary>], iteration_bounds = array<i64: 8>, scalar_prefetch = 0 : i64, scratch_operands = 0 : i64, tpu.core_type = #tpu.core_type<tc>, window_params = [{transform_indices = @transform_0, window_bounds = array<i64: 2048, 64>}, {transform_indices = @transform_1, window_bounds = array<i64: 2048, 64>}, {transform_indices = @transform_2, window_bounds = array<i64: 2048, 64>}, {transform_indices = @transform_3, window_bounds = array<i64: 2048, 64>}, {pipeline_mode = #tpu.pipeline_mode<synchronous>, transform_indices = @transform_4, window_bounds = array<i64: 64, 16>}, {pipeline_mode = #tpu.pipeline_mode<synchronous>, transform_indices = @transform_5, window_bounds = array<i64: 64, 16>}, {pipeline_mode = #tpu.pipeline_mode<synchronous>, transform_indices = @transform_6, window_bounds = array<i64: 1, 16>}, {pipeline_mode = #tpu.pipeline_mode<synchronous>, transform_indices = @transform_7, window_bounds = array<i64: 16, 8>}, {pipeline_mode = #tpu.pipeline_mode<synchronous>, transform_indices = @transform_8, window_bounds = array<i64: 1, 8>}, {pipeline_mode = #tpu.pipeline_mode<synchronous>, transform_indices = @transform_9, window_bounds = array<i64: 8, 4>}, {pipeline_mode = #tpu.pipeline_mode<synchronous>, transform_indices = @transform_10, window_bounds = array<i64: 1, 4>}, {pipeline_mode = #tpu.pipeline_mode<synchronous>, transform_indices = @transform_11, window_bounds = array<i64: 64, 1>}, {pipeline_mode = #tpu.pipeline_mode<synchronous>, transform_indices = @transform_12, window_bounds = array<i64: 4, 1>}, {pipeline_mode = #tpu.pipeline_mode<synchronous>, transform_indices = @transform_13, window_bounds = array<i64: 1, 1>}, {transform_indices = @transform_14, window_bounds = array<i64: 2048, 1>}]} {
    %get3A = arith.constant 0 : index
    %get3A_0 = arith.constant 0 : index
    %get3A_1 = vector.load %arg1[%get3A, %get3A_0] : memref<2048x64xf32, #tpu.memory_space<vmem>>, vector<2048x64xf32>
    %get3A_2 = arith.constant 0 : index
    %get3A_3 = arith.constant 0 : index
    %get3A_4 = vector.load %arg2[%get3A_2, %get3A_3] : memref<2048x64xf32, #tpu.memory_space<vmem>>, vector<2048x64xf32>
    %mul3A = arith.mulf %get3A_1, %get3A_4 : vector<2048x64xf32>
    %max3A = arith.constant 0.000000e+00 : f32
    %max3A_5 = vector.broadcast %max3A : f32 to vector<2048x64xf32>
    %max3A_6 = arith.maximumf %mul3A, %max3A_5 : vector<2048x64xf32>
    %get3A_7 = arith.constant 0 : index
    %get3A_8 = arith.constant 0 : index
    %get3A_9 = vector.load %arg3[%get3A_7, %get3A_8] : memref<2048x64xf32, #tpu.memory_space<vmem>>, vector<2048x64xf32>
    %get3A_10 = arith.constant 0 : index
    %get3A_11 = arith.constant 0 : index
    %get3A_12 = vector.load %arg5[%get3A_10, %get3A_11] : memref<64x16xf32, #tpu.memory_space<vmem>>, vector<64x16xf32>
    %dot_general3A = arith.constant dense<0.000000e+00> : vector<2048x16xf32>
    %dot_general3A_13 = tpu.matmul %get3A_9, %get3A_12, %dot_general3A {dimension_numbers = #tpu.dot_dimension_numbers<[1], [0], [0], [1], [0, 0, 1, 1], [], []>, transpose_lhs_hint = false} : vector<2048x64xf32>, vector<64x16xf32>, vector<2048x16xf32> -> vector<2048x16xf32>
    %get3A_14 = arith.constant 0 : index
    %get3A_15 = arith.constant 0 : index
    %get3A_16 = vector.load %arg4[%get3A_14, %get3A_15] : memref<2048x64xf32, #tpu.memory_space<vmem>>, vector<2048x64xf32>
    %get3A_17 = arith.constant 0 : index
    %get3A_18 = arith.constant 0 : index
    %get3A_19 = vector.load %arg6[%get3A_17, %get3A_18] : memref<64x16xf32, #tpu.memory_space<vmem>>, vector<64x16xf32>
    %dot_general3A_20 = arith.constant dense<0.000000e+00> : vector<2048x16xf32>
    %dot_general3A_21 = tpu.matmul %get3A_16, %get3A_19, %dot_general3A_20 {dimension_numbers = #tpu.dot_dimension_numbers<[1], [0], [0], [1], [0, 0, 1, 1], [], []>, transpose_lhs_hint = false} : vector<2048x64xf32>, vector<64x16xf32>, vector<2048x16xf32> -> vector<2048x16xf32>
    %add3A = arith.addf %dot_general3A_13, %dot_general3A_21 : vector<2048x16xf32>
    %get3A_22 = arith.constant 0 : index
    %get3A_23 = arith.constant 0 : index
    %get3A_24 = vector.load %arg7[%get3A_22, %get3A_23] : memref<1x16xf32, #tpu.memory_space<vmem>>, vector<1x16xf32>
    %add3A_25 = vector.broadcast %get3A_24 : vector<1x16xf32> to vector<2048x16xf32>
    %add3A_26 = arith.addf %add3A, %add3A_25 : vector<2048x16xf32>
    %max3A_27 = arith.constant 0.000000e+00 : f32
    %max3A_28 = vector.broadcast %max3A_27 : f32 to vector<2048x16xf32>
    %max3A_29 = arith.maximumf %add3A_26, %max3A_28 : vector<2048x16xf32>
    %get3A_30 = arith.constant 0 : index
    %get3A_31 = arith.constant 0 : index
    %get3A_32 = vector.load %arg8[%get3A_30, %get3A_31] : memref<16x8xf32, #tpu.memory_space<vmem>>, vector<16x8xf32>
    %dot_general3A_33 = arith.constant dense<0.000000e+00> : vector<2048x8xf32>
    %dot_general3A_34 = tpu.matmul %max3A_29, %get3A_32, %dot_general3A_33 {dimension_numbers = #tpu.dot_dimension_numbers<[1], [0], [0], [1], [0, 0, 1, 1], [], []>, transpose_lhs_hint = false} : vector<2048x16xf32>, vector<16x8xf32>, vector<2048x8xf32> -> vector<2048x8xf32>
    %get3A_35 = arith.constant 0 : index
    %get3A_36 = arith.constant 0 : index
    %get3A_37 = vector.load %arg9[%get3A_35, %get3A_36] : memref<1x8xf32, #tpu.memory_space<vmem>>, vector<1x8xf32>
    %add3A_38 = vector.broadcast %get3A_37 : vector<1x8xf32> to vector<2048x8xf32>
    %add3A_39 = arith.addf %dot_general3A_34, %add3A_38 : vector<2048x8xf32>
    %max3A_40 = arith.constant 0.000000e+00 : f32
    %max3A_41 = vector.broadcast %max3A_40 : f32 to vector<2048x8xf32>
    %max3A_42 = arith.maximumf %add3A_39, %max3A_41 : vector<2048x8xf32>
    %get3A_43 = arith.constant 0 : index
    %get3A_44 = arith.constant 0 : index
    %get3A_45 = vector.load %arg10[%get3A_43, %get3A_44] : memref<8x4xf32, #tpu.memory_space<vmem>>, vector<8x4xf32>
    %dot_general3A_46 = arith.constant dense<0.000000e+00> : vector<2048x4xf32>
    %dot_general3A_47 = tpu.matmul %max3A_42, %get3A_45, %dot_general3A_46 {dimension_numbers = #tpu.dot_dimension_numbers<[1], [0], [0], [1], [0, 0, 1, 1], [], []>, transpose_lhs_hint = false} : vector<2048x8xf32>, vector<8x4xf32>, vector<2048x4xf32> -> vector<2048x4xf32>
    %get3A_48 = arith.constant 0 : index
    %get3A_49 = arith.constant 0 : index
    %get3A_50 = vector.load %arg11[%get3A_48, %get3A_49] : memref<1x4xf32, #tpu.memory_space<vmem>>, vector<1x4xf32>
    %add3A_51 = vector.broadcast %get3A_50 : vector<1x4xf32> to vector<2048x4xf32>
    %add3A_52 = arith.addf %dot_general3A_47, %add3A_51 : vector<2048x4xf32>
    %max3A_53 = arith.constant 0.000000e+00 : f32
    %max3A_54 = vector.broadcast %max3A_53 : f32 to vector<2048x4xf32>
    %max3A_55 = arith.maximumf %add3A_52, %max3A_54 : vector<2048x4xf32>
    %get3A_56 = arith.constant 0 : index
    %get3A_57 = arith.constant 0 : index
    %get3A_58 = vector.load %arg12[%get3A_56, %get3A_57] : memref<64x1xf32, #tpu.memory_space<vmem>>, vector<64x1xf32>
    %dot_general3A_59 = arith.constant dense<0.000000e+00> : vector<2048x1xf32>
    %dot_general3A_60 = tpu.matmul %max3A_6, %get3A_58, %dot_general3A_59 {dimension_numbers = #tpu.dot_dimension_numbers<[1], [0], [0], [1], [0, 0, 1, 1], [], []>, transpose_lhs_hint = false} : vector<2048x64xf32>, vector<64x1xf32>, vector<2048x1xf32> -> vector<2048x1xf32>
    %get3A_61 = arith.constant 0 : index
    %get3A_62 = arith.constant 0 : index
    %get3A_63 = vector.load %arg13[%get3A_61, %get3A_62] : memref<4x1xf32, #tpu.memory_space<vmem>>, vector<4x1xf32>
    %dot_general3A_64 = arith.constant dense<0.000000e+00> : vector<2048x1xf32>
    %dot_general3A_65 = tpu.matmul %max3A_55, %get3A_63, %dot_general3A_64 {dimension_numbers = #tpu.dot_dimension_numbers<[1], [0], [0], [1], [0, 0, 1, 1], [], []>, transpose_lhs_hint = false} : vector<2048x4xf32>, vector<4x1xf32>, vector<2048x1xf32> -> vector<2048x1xf32>
    %add3A_66 = arith.addf %dot_general3A_60, %dot_general3A_65 : vector<2048x1xf32>
    %get3A_67 = arith.constant 0 : index
    %get3A_68 = arith.constant 0 : index
    %get3A_69 = vector.load %arg14[%get3A_67, %get3A_68] : memref<1x1xf32, #tpu.memory_space<vmem>>, vector<1x1xf32>
    %add3A_70 = vector.broadcast %get3A_69 : vector<1x1xf32> to vector<2048x1xf32>
    %add3A_71 = arith.addf %add3A_66, %add3A_70 : vector<2048x1xf32>
    %swap3A = arith.constant 0 : index
    %swap3A_72 = arith.constant 0 : index
    %swap3A_73 = vector.load %arg15[%swap3A, %swap3A_72] : memref<2048x1xf32, #tpu.memory_space<vmem>>, vector<2048x1xf32>
    tpu.vector_store %arg15[%swap3A, %swap3A_72], %add3A_71 {strides = array<i32>} : memref<2048x1xf32, #tpu.memory_space<vmem>>, vector<2048x1xf32>,
    return
  }
  func.func @transform_0(%arg0: i32) -> (i32, i32) {
    %c0_i32 = arith.constant 0 : i32
    %c0_i32_0 = arith.constant 0 : i32
    return %arg0, %c0_i32 : i32, i32
  }
  func.func @transform_1(%arg0: i32) -> (i32, i32) {
    %c0_i32 = arith.constant 0 : i32
    %c0_i32_0 = arith.constant 0 : i32
    return %arg0, %c0_i32 : i32, i32
  }
  func.func @transform_2(%arg0: i32) -> (i32, i32) {
    %c0_i32 = arith.constant 0 : i32
    %c0_i32_0 = arith.constant 0 : i32
    return %arg0, %c0_i32 : i32, i32
  }
  func.func @transform_3(%arg0: i32) -> (i32, i32) {
    %c0_i32 = arith.constant 0 : i32
    %c0_i32_0 = arith.constant 0 : i32
    return %arg0, %c0_i32 : i32, i32
  }
  func.func @transform_4(%arg0: i32) -> (i32, i32) {
    %c0_i32 = arith.constant 0 : i32
    %c0_i32_0 = arith.constant 0 : i32
    %c0_i32_1 = arith.constant 0 : i32
    return %c0_i32, %c0_i32_0 : i32, i32
  }
  func.func @transform_5(%arg0: i32) -> (i32, i32) {
    %c0_i32 = arith.constant 0 : i32
    %c0_i32_0 = arith.constant 0 : i32
    %c0_i32_1 = arith.constant 0 : i32
    return %c0_i32, %c0_i32_0 : i32, i32
  }
  func.func @transform_6(%arg0: i32) -> (i32, i32) {
    %c0_i32 = arith.constant 0 : i32
    %c0_i32_0 = arith.constant 0 : i32
    %c0_i32_1 = arith.constant 0 : i32
    return %c0_i32, %c0_i32_0 : i32, i32
  }
  func.func @transform_7(%arg0: i32) -> (i32, i32) {
    %c0_i32 = arith.constant 0 : i32
    %c0_i32_0 = arith.constant 0 : i32
    %c0_i32_1 = arith.constant 0 : i32
    return %c0_i32, %c0_i32_0 : i32, i32
  }
  func.func @transform_8(%arg0: i32) -> (i32, i32) {
    %c0_i32 = arith.constant 0 : i32
    %c0_i32_0 = arith.constant 0 : i32
    %c0_i32_1 = arith.constant 0 : i32
    return %c0_i32, %c0_i32_0 : i32, i32
  }
  func.func @transform_9(%arg0: i32) -> (i32, i32) {
    %c0_i32 = arith.constant 0 : i32
    %c0_i32_0 = arith.constant 0 : i32
    %c0_i32_1 = arith.constant 0 : i32
    return %c0_i32, %c0_i32_0 : i32, i32
  }
  func.func @transform_10(%arg0: i32) -> (i32, i32) {
    %c0_i32 = arith.constant 0 : i32
    %c0_i32_0 = arith.constant 0 : i32
    %c0_i32_1 = arith.constant 0 : i32
    return %c0_i32, %c0_i32_0 : i32, i32
  }
  func.func @transform_11(%arg0: i32) -> (i32, i32) {
    %c0_i32 = arith.constant 0 : i32
    %c0_i32_0 = arith.constant 0 : i32
    %c0_i32_1 = arith.constant 0 : i32
    return %c0_i32, %c0_i32_0 : i32, i32
  }
  func.func @transform_12(%arg0: i32) -> (i32, i32) {
    %c0_i32 = arith.constant 0 : i32
    %c0_i32_0 = arith.constant 0 : i32
    %c0_i32_1 = arith.constant 0 : i32
    return %c0_i32, %c0_i32_0 : i32, i32
  }
  func.func @transform_13(%arg0: i32) -> (i32, i32) {
    %c0_i32 = arith.constant 0 : i32
    %c0_i32_0 = arith.constant 0 : i32
    %c0_i32_1 = arith.constant 0 : i32
    return %c0_i32, %c0_i32_0 : i32, i32
  }
  func.func @transform_14(%arg0: i32) -> (i32, i32) {
    %c0_i32 = arith.constant 0 : i32
    %c0_i32_0 = arith.constant 0 : i32
    return %arg0, %c0_i32 : i32, i32
  }
}

</mosaic_0001>

<sc_bundles>
// kernel: kernel.4.cloned.1.call-start
scs
__scs_entry_jumppad:
0x0: {  	(pc) =	sbr.rel $0x88, $3  }
0x1: {  	(tag) =	ssettag $0x0;
	lr =	simm.s32 $0x1  }
0x2: {  	[smem:$0x3F93] =	sst lr;
	_ =	strace $0xD0000000  }
0x3: {  	_ = 	snop  }
0x4: {  	_ = 	snop  }
0x5: {  	_ = 	snop  }
0x6: {  	_ = 	snop  }
0x7: {  	_ = 	snop  }
__scs_overlays_trampoline_lowered:
0x8: {  	[smem:$0x3FA2] =	sst s0  }
0x9: {  	[smem:$0x3FA3] =	sst s1  }
0xa: {  	[smem:$0x3FA4] =	sst s2  }
0xb: {  	[smem:$0x3FA5] =	sst s3  }
0xc: {  	[smem:$0x3FA6] =	sst s4  }
0xd: {  	[smem:$0x3FA7] =	sst s5  }
0xe: {  	[smem:$0x3FA8] =	sst s6  }
0xf: {  	[smem:$0x3FA9] =	sst s7  }
0x10: {  	[smem:$0x3FAA] =	sst s8  }
0x11: {  	[smem:$0x3FAB] =	sst s9;
	s0 =	simm.s32 @!p0 $0x0  }
0x12: {  	s1 =	sld [smem:$0x3F91];
	s0 =	simm.s32 @p0 $0x1  }
0x13: {  	[smem:$0x3FAC] =	sst s0;
	s0 =	simm.s32 @!p1 $0x0  }
0x14: {  	s2 =	sld [smem:$0x3F90];
	s0 =	simm.s32 @p1 $0x1  }
0x15: {  	[smem:$0x3FAD] =	sst s0;
	s0 =	simm.s32 @!p2 $0x0  }
0x16: {  	s3 =	sld [smem:$0x3FDB];
	s0 =	simm.s32 @p2 $0x1  }
0x17: {  	s4 =	simm.s32 $0x1BF5;
	[smem:$0x3FAF] =	sst s0  }
0x18: {  	s0 =	sld [smem:$0x3F92];
	_ =	swait.ge [sflag:s4], $0x0  }
0x19: {  	s7 =	sld [smem:$0x3F93]  }
0x1a: {  	s8 =	sadd.s32 $0xFFFFE003, lr  }
0x1b: {  	s9 =	sadd.s32 $0xFFFFFEF7, lr;
	s5 =	simm.s32 $0xFFFFFFFF;
	p2 =	slt.u32 s8, $0xFFFFF086  }
0x1c: {  	p1 =	slt.u32 s9, $0xF7A;
	s5 =	simm.s32 @!p2 $0x0  }
0x1d: {  	s5 =	simm.s32 @p1 $0x1;
	p0 =	seq.s32 s7, s2  }
0x1e: {  	s7 =	smul.u32 @!p0 $0xF7A, s2;
	p2 =	seq.s32 @!p0 s5, $0x0  }
0x1f: {  	s9 =	smul.u32 $0xF7A, s1;
	s8 =	simm.s32 @!p0 $0x1BF5;
	p2 =	por !p2, p0  }
0x20: {  	[sflag:s8] =	ssyncset.s32 @!p0 $0xFFFFF086;
	s6 =	sadd.s32 @!p0 s3, s7;
	s7 =	simm.s32 @!p0 $0x108  }
0x21: {  	s3 =	sadd.s32 s3, s9;
	s6 =	sadd.s32 @!p0 $0x88, s6;
	s7 =	simm.s32 @p2 $0x1082  }
0x22: {  	[simem:s7], [sflag:s8] =	dma.local @!p0 [hbm:s6], $0xF7A  }
0x23: {  	s9 =	sor.u32 $0xD0000000, s2;
	s6 =	simm.s32 $0x108;
	_ =	swait.ge @!p0 [sflag:s8], $0x0  }
0x24: {  	s3 =	sadd.s32 $0x88, s3;
	s6 =	simm.s32 @!p1 $0x1082;
	[sflag:s4] =	ssyncset.s32 $0xFFFFF086  }
0x25: {  	[simem:s6], [sflag:s4] =	dma.local [hbm:s3], $0xF7A  }
0x26: {  	[smem:$0x3F93] =	sst s1;
	(tag) =	ssettag s2;
	_ =	strace s9  }
0x27: {  	s1 =	sld [smem:$0x3FA3]  }
0x28: {  	s2 =	sld [smem:$0x3FA4]  }
0x29: {  	s4 =	sld [smem:$0x3FA6]  }
0x2a: {  	p0 =	seq.s32 s5, $0x0;
	s5 =	sld [smem:$0x3FA7]  }
0x2b: {  	s6 =	sld [smem:$0x3FA8]  }
0x2c: {  	s7 =	sld [smem:$0x3FA9]  }
0x2d: {  	s3 =	simm.s32 $0x108;
	s8 =	sld [smem:$0x3FAA]  }
0x2e: {  	s3 =	simm.s32 @!p0 $0x1082;
	s9 =	sld [smem:$0x3FAB]  }
0x2f: {  	lr =	sadd.s32 s0, s3;
	s0 =	sld [smem:$0x3FA2]  }
0x30: {  	s3 =	sld [smem:$0x3FA5]  }
0x31: {  	[smem:$0x3FAE] =	sst s10  }
0x32: {  	s10 =	sld [smem:$0x3FAC];
	_ =	sdelay $0x3  }
0x33: {  	p0 =	seq.s32 s10, $0x1;
	s10 =	sld [smem:$0x3FAE];
	_ =	sdelay $0x3  }
0x34: {  	[smem:$0x3FAE] =	sst s10  }
0x35: {  	s10 =	sld [smem:$0x3FAD];
	_ =	sdelay $0x3  }
0x36: {  	p1 =	seq.s32 s10, $0x1;
	s10 =	sld [smem:$0x3FAE];
	_ =	sdelay $0x3  }
0x37: {  	[smem:$0x3FAE] =	sst s10  }
0x38: {  	s10 =	sld [smem:$0x3FAF]  }
0x39: {  	_ = 	snop;
	(pc) =	sbr.ind lr, $3  }
0x3a: {  	_ = 	snop  }
0x3b: {  	_ = 	snop  }
0x3c: {  	p2 =	seq.s32 s10, $0x1;
	s10 =	sld [smem:$0x3FAE]  }
0x3d: {  	_ =	shalt  }
0x3e: {  	_ =	shalt  }
0x3f: {  	_ =	shalt  }
0x40: {  	_ =	shalt  }
0x41: {  	_ =	shalt  }
0x42: {  	_ =	shalt  }
0x43: {  	_ =	shalt  }
0x44: {  	_ =	shalt  }
0x45: {  	_ =	shalt  }
0x46: {  	_ =	shalt  }
0x47: {  	_ =	shalt  }
0x48: {  	_ =	shalt  }
0x49: {  	_ =	shalt  }
0x4a: {  	_ =	shalt  }
0x4b: {  	_ =	shalt  }
0x4c: {  	_ =	shalt  }
0x4d: {  	_ =	shalt  }
0x4e: {  	_ =	shalt  }
0x4f: {  	_ =	shalt  }
0x50: {  	_ =	shalt  }
0x51: {  	_ =	shalt  }
0x52: {  	_ =	shalt  }
0x53: {  	_ =	shalt  }
0x54: {  	_ =	shalt  }
0x55: {  	_ =	shalt  }
0x56: {  	_ =	shalt  }
0x57: {  	_ =	shalt  }
0x58: {  	_ =	shalt  }
0x59: {  	_ =	shalt  }
0x5a: {  	_ =	shalt  }
0x5b: {  	_ =	shalt  }
0x5c: {  	_ =	shalt  }
0x5d: {  	_ =	shalt  }
0x5e: {  	_ =	shalt  }
0x5f: {  	_ =	shalt  }
0x60: {  	_ =	shalt  }
0x61: {  	_ =	shalt  }
0x62: {  	_ =	shalt  }
0x63: {  	_ =	shalt  }
0x64: {  	_ =	shalt  }
0x65: {  	_ =	shalt  }
0x66: {  	_ =	shalt  }
0x67: {  	_ =	shalt  }
0x68: {  	_ =	shalt  }
0x69: {  	_ =	shalt  }
0x6a: {  	_ =	shalt  }
0x6b: {  	_ =	shalt  }
0x6c: {  	_ =	shalt  }
0x6d: {  	_ =	shalt  }
0x6e: {  	_ =	shalt  }
0x6f: {  	_ =	shalt  }
0x70: {  	_ =	shalt  }
0x71: {  	_ =	shalt  }
0x72: {  	_ =	shalt  }
0x73: {  	_ =	shalt  }
0x74: {  	_ =	shalt  }
0x75: {  	_ =	shalt  }
0x76: {  	_ =	shalt  }
0x77: {  	_ =	shalt  }
0x78: {  	_ =	shalt  }
0x79: {  	_ =	shalt  }
0x7a: {  	_ =	shalt  }
0x7b: {  	_ =	shalt  }
0x7c: {  	_ =	shalt  }
0x7d: {  	_ =	shalt  }
0x7e: {  	_ =	shalt  }
0x7f: {  	_ =	shalt  }
0x80: {  	_ =	shalt  }
0x81: {  	_ =	shalt  }
0x82: {  	_ =	shalt  }
0x83: {  	_ =	shalt  }
0x84: {  	_ =	shalt  }
0x85: {  	_ =	shalt  }
0x86: {  	_ =	shalt  }
0x87: {  	_ =	shalt  }
.Lfunc_end0:
.L_simem_size_0:
called_computation_lowered:
.L_overlay_start_0:
0x88: {  	s2 =	sld [smem:$0x3FD9]  }
0x89: {  	s3 =	sld [smem:$0x3FFE];
	_ =	sdelay $0x1  }
0x8a: {  	s1 =	srdreg.scid  }
0x8b: {  	s0 =	sand.u32 $0x1, s1  }
0x8c: {  	s17 =	sshll.u32 s0, $0xA;
	s2 =	sadd.s32 s3, s2  }
0x8d: {  	s2 =	sadd.s32 s2, s17  }
0x8e: {  	[smem:$0x3FBA] =	sst s2  }
0x8f: {  	_ = 	snop  }
0x90: {  	s2 =	sld [smem:$0x3FC9]  }
0x91: {  	s18 =	sld [smem:$0x3FC8];
	(tm) =	ssettm $0x1  }
0x92: {  	s4 =	sld [smem:$0x3FFB];
	_ =	sdelay $0x3  }
0x93: {  	_ =	strace s4  }
0x94: {  	s4 =	sld [smem:$0x3FFC];
	_ =	sdelay $0x3  }
0x95: {  	_ =	strace s4  }
0x96: {  	s4 =	sld [smem:$0x3FFD];
	_ =	sdelay $0x3  }
0x97: {  	_ =	strace s4  }
0x98: {  	_ =	strace $0x8FFFFFFF  }
0x99: {  	s19 =	sld [smem:$0x3FDB];
	_ =	sdelay $0x1  }
0x9a: {  	s5 =	simm.s32 $_scs_section_size  }
0x9b: {  	s6 =	simm.s32 $_size__tile_overlayer_lowered;
	s7 =	simm.s32 $_tile_overlayer_lowered  }
0x9c: {  	s22 =	simm.s32 $0x1BFF;
	s21 =	sshll.u32 s7, $0x1;
	s4 =	sadd.s32 s5, s19  }
0x9d: {  	s8 =	simm.s32 $0x0;
	s20 =	sshll.u32 s6, $0x1;
	s6 =	sadd.s32 s21, s4  }
0x9e: {  	[timem:s8], [sflag:s22] =	dma.local [hbm:s6], s20  }
0x9f: {  	_ =	swait.ge [sflag:s22], s20  }
0xa0: {  	s5 =	ssub.s32 $0x0, s20;
	[sflag:s22] =	ssyncset.done $0x0  }
0xa1: {  	[sflag:s22] =	ssyncadd.s32 s5;
	_ =	sdelay $0x1  }
0xa2: {  	s23 =	simm.s32 $0x1B8B  }
0xa3: {  	_ =	swait.ge [sflag:s23], $0x1  }
0xa4: {  	[sflag:s23] =	ssyncset.done $0x0  }
0xa5: {  	s25 =	simm.s32 $0x1B8E;
	s24 =	sld [smem:$0x3FFE];
	[sflag:s23] =	ssyncadd.s32 $0xFFFFFFFF  }
0xa6: {  	s26 =	simm.s32 $execute0_lowered;
	[smem:$0x3FD2] =	sst s25  }
0xa7: {  	s6 =	sshll.u32 s26, $0x1;
	_ =	strace $0x80000046;
	[dreg:$0x1] =	wrdreg $0xFFFFFFFF  }
0xa8: {  	s28 =	simm.s32 $_size_execute0_lowered;
	s4 =	sadd.s32 s4, s6;
	[dreg:$0x0] =	wrdreg $0x0  }
0xa9: {  	s6 =	sshll.u32 s28, $0x1;
	[dreg:$0x2] =	wrdreg s4  }
0xaa: {  	[dreg:$0x3] =	wrdreg s6  }
0xab: {  	[dreg:$0x4] =	wrdreg $0xC0  }
0xac: {  	_ =	task [dreg:s8], $0x5FFFF  }
0xad: {  	[dreg:$0x1] =	wrdreg $0xFFFFFFFF  }
0xae: {  	[dreg:$0x0] =	wrdreg $0x60  }
0xaf: {  	[dreg:$0x2] =	wrdreg s2  }
0xb0: {  	[dreg:$0x3] =	wrdreg s18  }
0xb1: {  	[dreg:$0x4] =	wrdreg s24  }
0xb2: {  	[dreg:$0x5] =	wrdreg $0x9  }
0xb3: {  	_ =	task.clear_ibuf [dreg:s8], $0x6FFFF;
	_ =	strace $0x90000046  }
0xb4: {  	s29 =	simm.s32 $0x9;
	_ =	strace $0x80000048  }
0xb5: {  	_ =	swait.ge [sflag:s29], $0x1  }
0xb6: {  	[sflag:s29] =	ssyncadd.s32 $0xFFFFFFFF  }
0xb7: {  	_ =	strace $0x90000048  }
0xb8: {  	_ =	sfence  }
0xb9: {  	s30 =	sld [smem:$0x0];
	_ =	sdelay $0x2  }
0xba: {  	s31 =	sshll.u32 s1, $0xD;
	s1 =	sshrl.u32 s1, $0x2  }
0xbb: {  	s3 =	sand.u32 $0x4000, s31;
	s1 =	sadd.s32 s1, s30  }
0xbc: {  	s0 =	sor.u32 s3, s0;
	s1 =	sshll.u32 s1, $0x11  }
0xbd: {  	s0 =	sor.u32 s1, s0  }
0xbe: {  	s0 =	sadd.s32 $0x8F2B, s0  }
0xbf: {  	[sflag:s0] =	ssyncadd.remote.s32 $0x1  }
0xc0: {  	_ =	sfence.sel $0xFFFF  }
0xc1: {  	[dreg:$0x0] =	wrdreg $0xFFFFFFFF;
	(pc) =	sbr.abs _section_cstart, $3  }
0xc2: {  	[dreg:$0x1] =	wrdreg $0xFFFFFFFF  }
0xc3: {  	_ =	task.clear_ibuf [dreg:s8], $0x2FFFF;
	_ =	strace $0x9FFFFFFF  }
0xc4: {  	(tm) =	ssettm $0x7FFFFFFF  }
0xc5: {  	_ =	shalt  }
tec
execute0_lowered:
.L_overlay_start_1:
0x0: {  	(tag) =	ssettag $0x1  }
0x1: {  	s7 =	rddreg [dreg:$0x0]  }
0x2: {  	s8 =	rddreg [dreg:$0x1]  }
0x3: {  	s9 =	rddreg [dreg:$0x2]  }
0x4: {  	s1 =	simm.s32 $0x0;
	s10 =	srdreg.scid;
	s0 =	stileid.u32  }
0x5: {  	s19 =	simm.s32 $0x1;
	s20 =	simm.s32 $0x400;
	s21 =	simm.s32 $0x8400  }
0x6: {  	s22 =	simm.s32 $0x2;
	s23 =	simm.s32 $0x0;
	[smem:$0x7FF] =	sst s1  }
0x7: {  	s2 =	sadd.s32 $0x1C00, s9;
	s3 =	sadd.s32 $0x1E86400, s9;
	s5 =	sadd.s32 $0xF44000, s9  }
0x8: {  	s6 =	sadd.s32 $0x200CE00, s9;
	s11 =	sadd.s32 $0x2193800, s9;
	s14 =	sand.u32 $0x1, s10  }
0x9: {  	s12 =	sadd.s32 $0x2213800, s9;
	s28 =	sshll.u32 s0, $0xA;
	s15 =	sshll.u32 s0, $0xE  }
0xa: {  	s18 =	sshll.u32 s0, $0x6;
	_ =	strace $0x80000047;
	s13 =	sshll.u32 s14, $0x9  }
0xb: {  	s16 =	ssub.s32 $0x2, s14;
	s17 =	sadd.s32 s15, s9;
	s14 =	sshll.u32 s14, $0xD  }
0xc: {  	s18 =	sor.u32 $0x1C02, s18;
	s10 =	sor.u32 s13, s28;
	s29 =	sshrl.u32 s16, $0x1  }
0xd: {  	s15 =	sadd.s32 $0x21D3800, s17;
	s13 =	sshrl.u32 s10, $0x3;
	s30 =	ssub.s32 s16, s29  }
0xe: {  	s10 =	sshll.u32 s10, $0x4;
	s16 =	sadd.s32 $0x2253800, s17;
	s17 =	simm.s32 $0x3  }
0xf: {  	s4 =	sadd.s32 s7, s13;
	s8 =	sadd.s32 s8, s13;
	s9 =	sadd.s32 s11, s10  }
0x10: {  	s31 =	sor.u32 $0x1000, s10;
	s10 =	sadd.s32 s12, s10;
	s13 =	smax.u32 s30, $0x1  }
0x11: {  	[dreg:$0x4] =	wrdreg s4;
	s11 =	sadd.s32 s11, s31;
	s12 =	sadd.s32 s12, s31  }
.LBB2_1:
0x12: {  	s0 =	rddreg [dreg:$0x4]  }
0x13: {  	[tilespmem:s1], [sflag:$0x3] =	stream.linear.gather [hbm4b:s0+s1], $0x200, $0x38;
	[tilespmem:$0x10400] =	vst v63  }
0x14: {  	_ =	swait.ge [sflag:s17], $0x200  }
0x15: {  	[sflag:s17] =	ssyncset.done $0x0  }
0x16: {  	s24 =	simm.s32 $0x200;
	[sflag:s17] =	ssyncadd.s32 $0xFFFFFE00  }
0x17: {  	[tilespmem:s24], [sflag:$0x3] =	stream.linear.gather [hbm4b:s8+s1], $0x200, $0x38;
	[tilespmem:$0x10400] =	vst v63  }
0x18: {  	_ =	swait.ge [sflag:s17], $0x200  }
0x19: {  	s25 =	simm.s32 $0x0;
	s26 =	smov.u32 s16;
	[sflag:s17] =	ssyncset.done $0x0  }
0x1a: {  	s28 =	smov.u32 s15;
	s29 =	simm.s32 $0x0;
	[sflag:s17] =	ssyncadd.s32 $0xFFFFFE00  }
.LBB2_2:
0x1b: {  	v0 =	vld [tilespmem:s24+$0x0];
	_ =	sdelay $0x4  }
0x1c: {  	v0 =	vshll.u32 v0, $0x4  }
0x1d: {  	(v2sf) =	vpush v0, $0x0;
	_ =	sdelay $0xe  }
0x1e: {  	s30 =	spop (v2sf)  }
0x1f: {  	s31 =	sand.u32 $0x1FFFFFF0, s30;
	s30 =	sadd.s32 s28, s14  }
0x20: {  	s0 =	sadd.s32 s3, s31;
	s4 =	sadd.s32 s6, s31;
	s31 =	sadd.s32 s26, s14  }
0x21: {  	[hbm:s30], [sflag:s18] =	dma.local [hbm:s0], $0x10  }
0x22: {  	[hbm:s31], [sflag:s18] =	dma.local [hbm:s4], $0x10  }
0x23: {  	(v2sf) =	vpush v0, $0x1;
	_ =	sdelay $0xe  }
0x24: {  	s0 =	spop (v2sf)  }
0x25: {  	s0 =	sand.u32 $0x1FFFFFF0, s0  }
0x26: {  	s7 =	sadd.s32 $0x10, s30;
	s4 =	sadd.s32 s3, s0  }
0x27: {  	[hbm:s7], [sflag:s18] =	dma.local [hbm:s4], $0x10  }
0x28: {  	s0 =	sadd.s32 s6, s0;
	s7 =	sadd.s32 $0x10, s31  }
0x29: {  	[hbm:s7], [sflag:s18] =	dma.local [hbm:s0], $0x10  }
0x2a: {  	(v2sf) =	vpush v0, $0x2;
	_ =	sdelay $0xe  }
0x2b: {  	s0 =	spop (v2sf)  }
0x2c: {  	s0 =	sand.u32 $0x1FFFFFF0, s0  }
0x2d: {  	s7 =	sadd.s32 $0x20, s30;
	s4 =	sadd.s32 s3, s0  }
0x2e: {  	[hbm:s7], [sflag:s18] =	dma.local [hbm:s4], $0x10  }
0x2f: {  	s0 =	sadd.s32 s6, s0;
	s7 =	sadd.s32 $0x20, s31  }
0x30: {  	[hbm:s7], [sflag:s18] =	dma.local [hbm:s0], $0x10  }
0x31: {  	(v2sf) =	vpush v0, $0x3;
	_ =	sdelay $0xe  }
0x32: {  	s0 =	spop (v2sf)  }
0x33: {  	s0 =	sand.u32 $0x1FFFFFF0, s0  }
0x34: {  	s7 =	sadd.s32 $0x30, s30;
	s4 =	sadd.s32 s3, s0  }
0x35: {  	[hbm:s7], [sflag:s18] =	dma.local [hbm:s4], $0x10  }
0x36: {  	s0 =	sadd.s32 s6, s0;
	s7 =	sadd.s32 $0x30, s31  }
0x37: {  	[hbm:s7], [sflag:s18] =	dma.local [hbm:s0], $0x10  }
0x38: {  	(v2sf) =	vpush v0, $0x4;
	_ =	sdelay $0xe  }
0x39: {  	s0 =	spop (v2sf)  }
0x3a: {  	s0 =	sand.u32 $0x1FFFFFF0, s0  }
0x3b: {  	s7 =	sadd.s32 $0x40, s30;
	s4 =	sadd.s32 s3, s0  }
0x3c: {  	[hbm:s7], [sflag:s18] =	dma.local [hbm:s4], $0x10  }
0x3d: {  	s0 =	sadd.s32 s6, s0;
	s7 =	sadd.s32 $0x40, s31  }
0x3e: {  	[hbm:s7], [sflag:s18] =	dma.local [hbm:s0], $0x10  }
0x3f: {  	(v2sf) =	vpush v0, $0x5;
	_ =	sdelay $0xe  }
0x40: {  	s0 =	spop (v2sf)  }
0x41: {  	s0 =	sand.u32 $0x1FFFFFF0, s0  }
0x42: {  	s7 =	sadd.s32 $0x50, s30;
	s4 =	sadd.s32 s3, s0  }
0x43: {  	[hbm:s7], [sflag:s18] =	dma.local [hbm:s4], $0x10  }
0x44: {  	s0 =	sadd.s32 s6, s0;
	s7 =	sadd.s32 $0x50, s31  }
0x45: {  	[hbm:s7], [sflag:s18] =	dma.local [hbm:s0], $0x10  }
0x46: {  	(v2sf) =	vpush v0, $0x6;
	_ =	sdelay $0xe  }
0x47: {  	s0 =	spop (v2sf)  }
0x48: {  	s0 =	sand.u32 $0x1FFFFFF0, s0  }
0x49: {  	s7 =	sadd.s32 $0x60, s30;
	s4 =	sadd.s32 s3, s0  }
0x4a: {  	[hbm:s7], [sflag:s18] =	dma.local [hbm:s4], $0x10  }
0x4b: {  	s0 =	sadd.s32 s6, s0;
	s7 =	sadd.s32 $0x60, s31  }
0x4c: {  	[hbm:s7], [sflag:s18] =	dma.local [hbm:s0], $0x10  }
0x4d: {  	(v2sf) =	vpush v0, $0x7;
	_ =	sdelay $0xe  }
0x4e: {  	s0 =	spop (v2sf)  }
0x4f: {  	s0 =	sand.u32 $0x1FFFFFF0, s0  }
0x50: {  	s7 =	sadd.s32 $0x70, s30;
	s4 =	sadd.s32 s3, s0  }
0x51: {  	[hbm:s7], [sflag:s18] =	dma.local [hbm:s4], $0x10  }
0x52: {  	s0 =	sadd.s32 s6, s0;
	s7 =	sadd.s32 $0x70, s31  }
0x53: {  	[hbm:s7], [sflag:s18] =	dma.local [hbm:s0], $0x10  }
0x54: {  	(v2sf) =	vpush v0, $0x8;
	_ =	sdelay $0xe  }
0x55: {  	s0 =	spop (v2sf)  }
0x56: {  	s0 =	sand.u32 $0x1FFFFFF0, s0  }
0x57: {  	s7 =	sadd.s32 $0x80, s30;
	s4 =	sadd.s32 s3, s0  }
0x58: {  	[hbm:s7], [sflag:s18] =	dma.local [hbm:s4], $0x10  }
0x59: {  	s0 =	sadd.s32 s6, s0;
	s7 =	sadd.s32 $0x80, s31  }
0x5a: {  	[hbm:s7], [sflag:s18] =	dma.local [hbm:s0], $0x10  }
0x5b: {  	(v2sf) =	vpush v0, $0x9;
	_ =	sdelay $0xe  }
0x5c: {  	s0 =	spop (v2sf)  }
0x5d: {  	s0 =	sand.u32 $0x1FFFFFF0, s0  }
0x5e: {  	s7 =	sadd.s32 $0x90, s30;
	s4 =	sadd.s32 s3, s0  }
0x5f: {  	[hbm:s7], [sflag:s18] =	dma.local [hbm:s4], $0x10  }
0x60: {  	s0 =	sadd.s32 s6, s0;
	s7 =	sadd.s32 $0x90, s31  }
0x61: {  	[hbm:s7], [sflag:s18] =	dma.local [hbm:s0], $0x10  }
0x62: {  	(v2sf) =	vpush v0, $0xA;
	_ =	sdelay $0xe  }
0x63: {  	s0 =	spop (v2sf)  }
0x64: {  	s0 =	sand.u32 $0x1FFFFFF0, s0  }
0x65: {  	s7 =	sadd.s32 $0xA0, s30;
	s4 =	sadd.s32 s3, s0  }
0x66: {  	[hbm:s7], [sflag:s18] =	dma.local [hbm:s4], $0x10  }
0x67: {  	s0 =	sadd.s32 s6, s0;
	s7 =	sadd.s32 $0xA0, s31  }
0x68: {  	[hbm:s7], [sflag:s18] =	dma.local [hbm:s0], $0x10  }
0x69: {  	(v2sf) =	vpush v0, $0xB;
	_ =	sdelay $0xe  }
0x6a: {  	s0 =	spop (v2sf)  }
0x6b: {  	s0 =	sand.u32 $0x1FFFFFF0, s0  }
0x6c: {  	s7 =	sadd.s32 $0xB0, s30;
	s4 =	sadd.s32 s3, s0  }
0x6d: {  	[hbm:s7], [sflag:s18] =	dma.local [hbm:s4], $0x10  }
0x6e: {  	s0 =	sadd.s32 s6, s0;
	s7 =	sadd.s32 $0xB0, s31  }
0x6f: {  	[hbm:s7], [sflag:s18] =	dma.local [hbm:s0], $0x10  }
0x70: {  	(v2sf) =	vpush v0, $0xC;
	_ =	sdelay $0xe  }
0x71: {  	s0 =	spop (v2sf)  }
0x72: {  	s0 =	sand.u32 $0x1FFFFFF0, s0  }
0x73: {  	s7 =	sadd.s32 $0xC0, s30;
	s4 =	sadd.s32 s3, s0  }
0x74: {  	[hbm:s7], [sflag:s18] =	dma.local [hbm:s4], $0x10  }
0x75: {  	s0 =	sadd.s32 s6, s0;
	s7 =	sadd.s32 $0xC0, s31  }
0x76: {  	[hbm:s7], [sflag:s18] =	dma.local [hbm:s0], $0x10  }
0x77: {  	(v2sf) =	vpush v0, $0xD;
	_ =	sdelay $0xe  }
0x78: {  	s0 =	spop (v2sf)  }
0x79: {  	s0 =	sand.u32 $0x1FFFFFF0, s0  }
0x7a: {  	s7 =	sadd.s32 $0xD0, s30;
	s4 =	sadd.s32 s3, s0  }
0x7b: {  	[hbm:s7], [sflag:s18] =	dma.local [hbm:s4], $0x10  }
0x7c: {  	s0 =	sadd.s32 s6, s0;
	s7 =	sadd.s32 $0xD0, s31  }
0x7d: {  	[hbm:s7], [sflag:s18] =	dma.local [hbm:s0], $0x10  }
0x7e: {  	(v2sf) =	vpush v0, $0xE;
	_ =	sdelay $0xe  }
0x7f: {  	s0 =	spop (v2sf)  }
0x80: {  	s0 =	sand.u32 $0x1FFFFFF0, s0  }
0x81: {  	s7 =	sadd.s32 $0xE0, s30;
	s4 =	sadd.s32 s3, s0  }
0x82: {  	[hbm:s7], [sflag:s18] =	dma.local [hbm:s4], $0x10  }
0x83: {  	s0 =	sadd.s32 s6, s0;
	s7 =	sadd.s32 $0xE0, s31  }
0x84: {  	[hbm:s7], [sflag:s18] =	dma.local [hbm:s0], $0x10  }
0x85: {  	(v2sf) =	vpush v0, $0xF;
	_ =	sdelay $0xe  }
0x86: {  	s0 =	spop (v2sf)  }
0x87: {  	s30 =	sadd.s32 $0xF0, s30;
	s0 =	sand.u32 $0x1FFFFFF0, s0  }
0x88: {  	s31 =	sadd.s32 $0xF0, s31;
	s7 =	sadd.s32 s3, s0;
	s0 =	sadd.s32 s6, s0  }
0x89: {  	[hbm:s30], [sflag:s18] =	dma.local [hbm:s7], $0x10  }
0x8a: {  	[hbm:s31], [sflag:s18] =	dma.local [hbm:s0], $0x10  }
0x8b: {  	v63 =	vld [tilespmem:s25+$0x0];
	_ =	sdelay $0x4  }
0x8c: {  	v0 =	vshll.u32 v63, $0x4  }
0x8d: {  	(v2sf) =	vpush v0, $0x0;
	_ =	sdelay $0x3  }
0x8e: {  	(v2sf) =	vpush v0, $0x1;
	_ =	sdelay $0x4  }
0x8f: {  	(v2sf) =	vpush v0, $0x2;
	_ =	sdelay $0x5  }
0x90: {  	s0 =	spop (v2sf)  }
0x91: {  	s30 =	sshra.s32 s29, $0x2;
	(v2sf) =	vpush v0, $0x3;
	s0 =	sand.u32 $0x1FFFFFF0, s0  }
0x92: {  	s7 =	sadd.s32 $0x400, s30;
	s31 =	sadd.s32 s2, s0  }
0x93: {  	[tilespmem:s7], [sflag:$0x1] =	stream.linear.gather [hbm4b:s31+s1], $0x80, $0x38;
	[tilespmem:$0x10400] =	vst v63  }
0x94: {  	s4 =	spop (v2sf);
	s0 =	sadd.s32 s5, s0;
	s31 =	sadd.s32 $0x8400, s30  }
0x95: {  	(v2sf) =	vpush v0, $0x4;
	[tilespmem:s31], [sflag:$0x1] =	stream.linear.gather [hbm4b:s0+s1], $0x80, $0x38;
	[tilespmem:$0x10400] =	vst v63  }
0x96: {  	s0 =	sand.u32 $0x1FFFFFF0, s4  }
0x97: {  	s7 =	sadd.s32 $0x480, s30;
	s31 =	sadd.s32 s2, s0  }
0x98: {  	[tilespmem:s7], [sflag:$0x1] =	stream.linear.gather [hbm4b:s31+s1], $0x80, $0x38;
	[tilespmem:$0x10400] =	vst v63  }
0x99: {  	s4 =	spop (v2sf);
	s0 =	sadd.s32 s5, s0;
	s31 =	sadd.s32 $0x8480, s30  }
0x9a: {  	(v2sf) =	vpush v0, $0x5;
	[tilespmem:s31], [sflag:$0x1] =	stream.linear.gather [hbm4b:s0+s1], $0x80, $0x38;
	[tilespmem:$0x10400] =	vst v63  }
0x9b: {  	s0 =	sand.u32 $0x1FFFFFF0, s4  }
0x9c: {  	s7 =	sadd.s32 $0x500, s30;
	s31 =	sadd.s32 s2, s0  }
0x9d: {  	[tilespmem:s7], [sflag:$0x1] =	stream.linear.gather [hbm4b:s31+s1], $0x80, $0x38;
	[tilespmem:$0x10400] =	vst v63  }
0x9e: {  	s0 =	sadd.s32 s5, s0;
	s31 =	sadd.s32 $0x8500, s30  }
0x9f: {  	[tilespmem:s31], [sflag:$0x1] =	stream.linear.gather [hbm4b:s0+s1], $0x80, $0x38;
	[tilespmem:$0x10400] =	vst v63  }
0xa0: {  	s4 =	spop (v2sf)  }
0xa1: {  	(v2sf) =	vpush v0, $0x6;
	s0 =	sand.u32 $0x1FFFFFF0, s4  }
0xa2: {  	s7 =	sadd.s32 $0x580, s30;
	s31 =	sadd.s32 s2, s0  }
0xa3: {  	[tilespmem:s7], [sflag:$0x1] =	stream.linear.gather [hbm4b:s31+s1], $0x80, $0x38;
	[tilespmem:$0x10400] =	vst v63  }
0xa4: {  	s4 =	spop (v2sf);
	s0 =	sadd.s32 s5, s0;
	s31 =	sadd.s32 $0x8580, s30  }
0xa5: {  	(v2sf) =	vpush v0, $0x7;
	[tilespmem:s31], [sflag:$0x1] =	stream.linear.gather [hbm4b:s0+s1], $0x80, $0x38;
	[tilespmem:$0x10400] =	vst v63  }
0xa6: {  	s0 =	sand.u32 $0x1FFFFFF0, s4  }
0xa7: {  	s7 =	sadd.s32 $0x600, s30;
	s31 =	sadd.s32 s2, s0  }
0xa8: {  	[tilespmem:s7], [sflag:$0x1] =	stream.linear.gather [hbm4b:s31+s1], $0x80, $0x38;
	[tilespmem:$0x10400] =	vst v63  }
0xa9: {  	s4 =	spop (v2sf);
	s0 =	sadd.s32 s5, s0;
	s31 =	sadd.s32 $0x8600, s30  }
0xaa: {  	(v2sf) =	vpush v0, $0x8;
	[tilespmem:s31], [sflag:$0x1] =	stream.linear.gather [hbm4b:s0+s1], $0x80, $0x38;
	[tilespmem:$0x10400] =	vst v63  }
0xab: {  	s0 =	sand.u32 $0x1FFFFFF0, s4  }
0xac: {  	s7 =	sadd.s32 $0x680, s30;
	s31 =	sadd.s32 s2, s0  }
0xad: {  	[tilespmem:s7], [sflag:$0x1] =	stream.linear.gather [hbm4b:s31+s1], $0x80, $0x38;
	[tilespmem:$0x10400] =	vst v63  }
0xae: {  	s0 =	sadd.s32 s5, s0;
	s31 =	sadd.s32 $0x8680, s30  }
0xaf: {  	[tilespmem:s31], [sflag:$0x1] =	stream.linear.gather [hbm4b:s0+s1], $0x80, $0x38;
	[tilespmem:$0x10400] =	vst v63  }
0xb0: {  	s4 =	spop (v2sf)  }
0xb1: {  	(v2sf) =	vpush v0, $0x9;
	s0 =	sand.u32 $0x1FFFFFF0, s4  }
0xb2: {  	s7 =	sadd.s32 $0x700, s30;
	s31 =	sadd.s32 s2, s0  }
0xb3: {  	[tilespmem:s7], [sflag:$0x1] =	stream.linear.gather [hbm4b:s31+s1], $0x80, $0x38;
	[tilespmem:$0x10400] =	vst v63  }
0xb4: {  	s4 =	spop (v2sf);
	s0 =	sadd.s32 s5, s0;
	s31 =	sadd.s32 $0x8700, s30  }
0xb5: {  	(v2sf) =	vpush v0, $0xA;
	[tilespmem:s31], [sflag:$0x1] =	stream.linear.gather [hbm4b:s0+s1], $0x80, $0x38;
	[tilespmem:$0x10400] =	vst v63  }
0xb6: {  	s0 =	sand.u32 $0x1FFFFFF0, s4  }
0xb7: {  	s7 =	sadd.s32 $0x780, s30;
	s31 =	sadd.s32 s2, s0  }
0xb8: {  	[tilespmem:s7], [sflag:$0x1] =	stream.linear.gather [hbm4b:s31+s1], $0x80, $0x38;
	[tilespmem:$0x10400] =	vst v63  }
0xb9: {  	s4 =	spop (v2sf);
	s0 =	sadd.s32 s5, s0;
	s31 =	sadd.s32 $0x8780, s30  }
0xba: {  	(v2sf) =	vpush v0, $0xB;
	[tilespmem:s31], [sflag:$0x1] =	stream.linear.gather [hbm4b:s0+s1], $0x80, $0x38;
	[tilespmem:$0x10400] =	vst v63  }
0xbb: {  	s0 =	sand.u32 $0x1FFFFFF0, s4  }
0xbc: {  	s7 =	sadd.s32 $0x800, s30;
	s31 =	sadd.s32 s2, s0  }
0xbd: {  	[tilespmem:s7], [sflag:$0x1] =	stream.linear.gather [hbm4b:s31+s1], $0x80, $0x38;
	[tilespmem:$0x10400] =	vst v63  }
0xbe: {  	s0 =	sadd.s32 s5, s0;
	s31 =	sadd.s32 $0x8800, s30  }
0xbf: {  	[tilespmem:s31], [sflag:$0x1] =	stream.linear.gather [hbm4b:s0+s1], $0x80, $0x38;
	[tilespmem:$0x10400] =	vst v63  }
0xc0: {  	s4 =	spop (v2sf)  }
0xc1: {  	(v2sf) =	vpush v0, $0xC;
	s0 =	sand.u32 $0x1FFFFFF0, s4  }
0xc2: {  	s7 =	sadd.s32 $0x880, s30;
	s31 =	sadd.s32 s2, s0  }
0xc3: {  	[tilespmem:s7], [sflag:$0x1] =	stream.linear.gather [hbm4b:s31+s1], $0x80, $0x38;
	[tilespmem:$0x10400] =	vst v63  }
0xc4: {  	s4 =	spop (v2sf);
	s0 =	sadd.s32 s5, s0;
	s31 =	sadd.s32 $0x8880, s30  }
0xc5: {  	(v2sf) =	vpush v0, $0xD;
	[tilespmem:s31], [sflag:$0x1] =	stream.linear.gather [hbm4b:s0+s1], $0x80, $0x38;
	[tilespmem:$0x10400] =	vst v63  }
0xc6: {  	s0 =	sand.u32 $0x1FFFFFF0, s4  }
0xc7: {  	s7 =	sadd.s32 $0x900, s30;
	s31 =	sadd.s32 s2, s0  }
0xc8: {  	[tilespmem:s7], [sflag:$0x1] =	stream.linear.gather [hbm4b:s31+s1], $0x80, $0x38;
	[tilespmem:$0x10400] =	vst v63  }
0xc9: {  	s4 =	spop (v2sf);
	s0 =	sadd.s32 s5, s0;
	s31 =	sadd.s32 $0x8900, s30  }
0xca: {  	(v2sf) =	vpush v0, $0xE;
	[tilespmem:s31], [sflag:$0x1] =	stream.linear.gather [hbm4b:s0+s1], $0x80, $0x38;
	[tilespmem:$0x10400] =	vst v63  }
0xcb: {  	s0 =	sand.u32 $0x1FFFFFF0, s4  }
0xcc: {  	s7 =	sadd.s32 $0x980, s30;
	s31 =	sadd.s32 s2, s0  }
0xcd: {  	[tilespmem:s7], [sflag:$0x1] =	stream.linear.gather [hbm4b:s31+s1], $0x80, $0x38;
	[tilespmem:$0x10400] =	vst v63  }
0xce: {  	s0 =	sadd.s32 s5, s0;
	s31 =	sadd.s32 $0x8980, s30  }
0xcf: {  	[tilespmem:s31], [sflag:$0x1] =	stream.linear.gather [hbm4b:s0+s1], $0x80, $0x38;
	[tilespmem:$0x10400] =	vst v63  }
0xd0: {  	s4 =	spop (v2sf)  }
0xd1: {  	(v2sf) =	vpush v0, $0xF;
	s0 =	sand.u32 $0x1FFFFFF0, s4  }
0xd2: {  	s7 =	sadd.s32 $0xA00, s30;
	s31 =	sadd.s32 s2, s0  }
0xd3: {  	[tilespmem:s7], [sflag:$0x1] =	stream.linear.gather [hbm4b:s31+s1], $0x80, $0x38;
	[tilespmem:$0x10400] =	vst v63  }
0xd4: {  	s4 =	spop (v2sf);
	s0 =	sadd.s32 s5, s0;
	s31 =	sadd.s32 $0x8A00, s30  }
0xd5: {  	[tilespmem:s31], [sflag:$0x1] =	stream.linear.gather [hbm4b:s0+s1], $0x80, $0x38;
	[tilespmem:$0x10400] =	vst v63  }
0xd6: {  	s0 =	sand.u32 $0x1FFFFFF0, s4  }
0xd7: {  	s7 =	sadd.s32 $0xA80, s30;
	s31 =	sadd.s32 s2, s0  }
0xd8: {  	[tilespmem:s7], [sflag:$0x1] =	stream.linear.gather [hbm4b:s31+s1], $0x80, $0x38;
	[tilespmem:$0x10400] =	vst v63  }
0xd9: {  	s4 =	spop (v2sf);
	s0 =	sadd.s32 s5, s0;
	s31 =	sadd.s32 $0x8A80, s30  }
0xda: {  	[tilespmem:s31], [sflag:$0x1] =	stream.linear.gather [hbm4b:s0+s1], $0x80, $0x38;
	[tilespmem:$0x10400] =	vst v63  }
0xdb: {  	s0 =	sand.u32 $0x1FFFFFF0, s4  }
0xdc: {  	s7 =	sadd.s32 $0xB00, s30;
	s31 =	sadd.s32 s2, s0  }
0xdd: {  	[tilespmem:s7], [sflag:$0x1] =	stream.linear.gather [hbm4b:s31+s1], $0x80, $0x38;
	[tilespmem:$0x10400] =	vst v63  }
0xde: {  	s0 =	sadd.s32 s5, s0;
	s31 =	sadd.s32 $0x8B00, s30  }
0xdf: {  	[tilespmem:s31], [sflag:$0x1] =	stream.linear.gather [hbm4b:s0+s1], $0x80, $0x38;
	[tilespmem:$0x10400] =	vst v63  }
0xe0: {  	s4 =	spop (v2sf)  }
0xe1: {  	s0 =	sand.u32 $0x1FFFFFF0, s4  }
0xe2: {  	s7 =	sadd.s32 $0xB80, s30;
	s31 =	sadd.s32 s2, s0  }
0xe3: {  	[tilespmem:s7], [sflag:$0x1] =	stream.linear.gather [hbm4b:s31+s1], $0x80, $0x38;
	[tilespmem:$0x10400] =	vst v63  }
0xe4: {  	s0 =	sadd.s32 s5, s0;
	s31 =	sadd.s32 $0x8B80, s30  }
0xe5: {  	[tilespmem:s31], [sflag:$0x1] =	stream.linear.gather [hbm4b:s0+s1], $0x80, $0x38;
	[tilespmem:$0x10400] =	vst v63  }
0xe6: {  	_ =	swait.ge [sflag:s19], $0x80  }
0xe7: {  	[sflag:s19] =	ssyncset.done $0x0  }
0xe8: {  	[sflag:s19] =	ssyncadd.s32 $0xFFFFFF80  }
0xe9: {  	_ =	swait.ge [sflag:s19], $0x80  }
0xea: {  	[sflag:s19] =	ssyncset.done $0x0  }
0xeb: {  	[sflag:s19] =	ssyncadd.s32 $0xFFFFFF80  }
0xec: {  	_ =	swait.ge [sflag:s19], $0x80  }
0xed: {  	[sflag:s19] =	ssyncset.done $0x0  }
0xee: {  	[sflag:s19] =	ssyncadd.s32 $0xFFFFFF80  }
0xef: {  	_ =	swait.ge [sflag:s19], $0x80  }
0xf0: {  	[sflag:s19] =	ssyncset.done $0x0  }
0xf1: {  	[sflag:s19] =	ssyncadd.s32 $0xFFFFFF80  }
0xf2: {  	_ =	swait.ge [sflag:s19], $0x80  }
0xf3: {  	[sflag:s19] =	ssyncset.done $0x0  }
0xf4: {  	[sflag:s19] =	ssyncadd.s32 $0xFFFFFF80  }
0xf5: {  	_ =	swait.ge [sflag:s19], $0x80  }
0xf6: {  	[sflag:s19] =	ssyncset.done $0x0  }
0xf7: {  	[sflag:s19] =	ssyncadd.s32 $0xFFFFFF80  }
0xf8: {  	_ =	swait.ge [sflag:s19], $0x80  }
0xf9: {  	[sflag:s19] =	ssyncset.done $0x0  }
0xfa: {  	[sflag:s19] =	ssyncadd.s32 $0xFFFFFF80  }
0xfb: {  	_ =	swait.ge [sflag:s19], $0x80  }
0xfc: {  	[sflag:s19] =	ssyncset.done $0x0  }
0xfd: {  	[sflag:s19] =	ssyncadd.s32 $0xFFFFFF80  }
0xfe: {  	_ =	swait.ge [sflag:s19], $0x80  }
0xff: {  	[sflag:s19] =	ssyncset.done $0x0  }
0x100: {  	[sflag:s19] =	ssyncadd.s32 $0xFFFFFF80  }
0x101: {  	_ =	swait.ge [sflag:s19], $0x80  }
0x102: {  	[sflag:s19] =	ssyncset.done $0x0  }
0x103: {  	[sflag:s19] =	ssyncadd.s32 $0xFFFFFF80  }
0x104: {  	_ =	swait.ge [sflag:s19], $0x80  }
0x105: {  	[sflag:s19] =	ssyncset.done $0x0  }
0x106: {  	[sflag:s19] =	ssyncadd.s32 $0xFFFFFF80  }
0x107: {  	_ =	swait.ge [sflag:s19], $0x80  }
0x108: {  	[sflag:s19] =	ssyncset.done $0x0  }
0x109: {  	[sflag:s19] =	ssyncadd.s32 $0xFFFFFF80  }
0x10a: {  	_ =	swait.ge [sflag:s19], $0x80  }
0x10b: {  	[sflag:s19] =	ssyncset.done $0x0  }
0x10c: {  	[sflag:s19] =	ssyncadd.s32 $0xFFFFFF80  }
0x10d: {  	_ =	swait.ge [sflag:s19], $0x80  }
0x10e: {  	[sflag:s19] =	ssyncset.done $0x0  }
0x10f: {  	[sflag:s19] =	ssyncadd.s32 $0xFFFFFF80  }
0x110: {  	_ =	swait.ge [sflag:s19], $0x80  }
0x111: {  	[sflag:s19] =	ssyncset.done $0x0  }
0x112: {  	[sflag:s19] =	ssyncadd.s32 $0xFFFFFF80  }
0x113: {  	_ =	swait.ge [sflag:s19], $0x80  }
0x114: {  	[sflag:s19] =	ssyncset.done $0x0  }
0x115: {  	[sflag:s19] =	ssyncadd.s32 $0xFFFFFF80  }
0x116: {  	_ =	swait.ge [sflag:s19], $0x80  }
0x117: {  	[sflag:s19] =	ssyncset.done $0x0  }
0x118: {  	[sflag:s19] =	ssyncadd.s32 $0xFFFFFF80  }
0x119: {  	_ =	swait.ge [sflag:s19], $0x80  }
0x11a: {  	[sflag:s19] =	ssyncset.done $0x0  }
0x11b: {  	[sflag:s19] =	ssyncadd.s32 $0xFFFFFF80  }
0x11c: {  	_ =	swait.ge [sflag:s19], $0x80  }
0x11d: {  	[sflag:s19] =	ssyncset.done $0x0  }
0x11e: {  	[sflag:s19] =	ssyncadd.s32 $0xFFFFFF80  }
0x11f: {  	_ =	swait.ge [sflag:s19], $0x80  }
0x120: {  	[sflag:s19] =	ssyncset.done $0x0  }
0x121: {  	[sflag:s19] =	ssyncadd.s32 $0xFFFFFF80  }
0x122: {  	_ =	swait.ge [sflag:s19], $0x80  }
0x123: {  	[sflag:s19] =	ssyncset.done $0x0  }
0x124: {  	[sflag:s19] =	ssyncadd.s32 $0xFFFFFF80  }
0x125: {  	_ =	swait.ge [sflag:s19], $0x80  }
0x126: {  	[sflag:s19] =	ssyncset.done $0x0  }
0x127: {  	[sflag:s19] =	ssyncadd.s32 $0xFFFFFF80  }
0x128: {  	_ =	swait.ge [sflag:s19], $0x80  }
0x129: {  	[sflag:s19] =	ssyncset.done $0x0  }
0x12a: {  	[sflag:s19] =	ssyncadd.s32 $0xFFFFFF80  }
0x12b: {  	_ =	swait.ge [sflag:s19], $0x80  }
0x12c: {  	[sflag:s19] =	ssyncset.done $0x0  }
0x12d: {  	[sflag:s19] =	ssyncadd.s32 $0xFFFFFF80  }
0x12e: {  	_ =	swait.ge [sflag:s19], $0x80  }
0x12f: {  	[sflag:s19] =	ssyncset.done $0x0  }
0x130: {  	[sflag:s19] =	ssyncadd.s32 $0xFFFFFF80  }
0x131: {  	_ =	swait.ge [sflag:s19], $0x80  }
0x132: {  	[sflag:s19] =	ssyncset.done $0x0  }
0x133: {  	[sflag:s19] =	ssyncadd.s32 $0xFFFFFF80  }
0x134: {  	_ =	swait.ge [sflag:s19], $0x80  }
0x135: {  	[sflag:s19] =	ssyncset.done $0x0  }
0x136: {  	[sflag:s19] =	ssyncadd.s32 $0xFFFFFF80  }
0x137: {  	_ =	swait.ge [sflag:s19], $0x80  }
0x138: {  	[sflag:s19] =	ssyncset.done $0x0  }
0x139: {  	[sflag:s19] =	ssyncadd.s32 $0xFFFFFF80  }
0x13a: {  	_ =	swait.ge [sflag:s19], $0x80  }
0x13b: {  	[sflag:s19] =	ssyncset.done $0x0  }
0x13c: {  	[sflag:s19] =	ssyncadd.s32 $0xFFFFFF80  }
0x13d: {  	_ =	swait.ge [sflag:s19], $0x80  }
0x13e: {  	[sflag:s19] =	ssyncset.done $0x0  }
0x13f: {  	[sflag:s19] =	ssyncadd.s32 $0xFFFFFF80  }
0x140: {  	p0 =	sne.s32 s29, $0x1E000;
	_ =	swait.ge [sflag:s19], $0x80  }
.Ltmp0:
0x141: {  	[sflag:s19] =	ssyncset.done $0x0;
	(pc) =	sbr.rel @p0 .LBB2_2-.Ltmp0, $4  }
0x142: {  	[sflag:s19] =	ssyncadd.s32 $0xFFFFFF80  }
0x143: {  	s24 =	sadd.s32 $0x10, s24;
	_ =	swait.ge [sflag:s19], $0x80  }
0x144: {  	s28 =	sadd.s32 $0x100, s28;
	s26 =	sadd.s32 $0x100, s26;
	[sflag:s19] =	ssyncset.done $0x0  }
0x145: {  	s29 =	sadd.s32 $0x2000, s29;
	s25 =	sadd.s32 $0x10, s25;
	[sflag:s19] =	ssyncadd.s32 $0xFFFFFF80  }
0x146: {  	s24 =	simm.s32 $0x0  }
0x147: {  	[hbm4b:s9+s24] =	stream.linear.scatter [tilespmem:s20], [sflag:$0x3], $0x8000, $0x38;
	[tilespmem:$0x10400] =	vst v63  }
0x148: {  	_ =	swait.ge [sflag:s17], $0x8000  }
0x149: {  	[sflag:s17] =	ssyncset.done $0x0  }
0x14a: {  	[sflag:s17] =	ssyncadd.s32 $0xFFFF8000  }
0x14b: {  	[hbm4b:s10+s24] =	stream.linear.scatter [tilespmem:s21], [sflag:$0x3], $0x8000, $0x38;
	[tilespmem:$0x10400] =	vst v63  }
0x14c: {  	_ =	swait.ge [sflag:s17], $0x8000  }
0x14d: {  	s25 =	simm.s32 $0x100;
	s26 =	simm.s32 $0x300;
	[sflag:s17] =	ssyncset.done $0x0  }
0x14e: {  	s28 =	smov.u32 s16;
	s29 =	smov.u32 s15;
	[sflag:s17] =	ssyncadd.s32 $0xFFFF8000  }
.LBB2_4:
0x14f: {  	v0 =	vld [tilespmem:s26+$0x0];
	_ =	sdelay $0x4  }
0x150: {  	v0 =	vshll.u32 v0, $0x4  }
0x151: {  	(v2sf) =	vpush v0, $0x0;
	_ =	sdelay $0xe  }
0x152: {  	s0 =	spop (v2sf)  }
0x153: {  	s30 =	sadd.s32 s29, s14;
	s0 =	sand.u32 $0x1FFFFFF0, s0  }
0x154: {  	s31 =	sadd.s32 s28, s14;
	s7 =	sadd.s32 $0x1000, s30;
	s4 =	sadd.s32 s3, s0  }
0x155: {  	[hbm:s7], [sflag:s18] =	dma.local [hbm:s4], $0x10  }
0x156: {  	s0 =	sadd.s32 s6, s0;
	s7 =	sadd.s32 $0x1000, s31  }
0x157: {  	[hbm:s7], [sflag:s18] =	dma.local [hbm:s0], $0x10  }
0x158: {  	(v2sf) =	vpush v0, $0x1;
	_ =	sdelay $0xe  }
0x159: {  	s0 =	spop (v2sf)  }
0x15a: {  	s0 =	sand.u32 $0x1FFFFFF0, s0  }
0x15b: {  	s7 =	sadd.s32 $0x1010, s30;
	s4 =	sadd.s32 s3, s0  }
0x15c: {  	[hbm:s7], [sflag:s18] =	dma.local [hbm:s4], $0x10  }
0x15d: {  	s0 =	sadd.s32 s6, s0;
	s7 =	sadd.s32 $0x1010, s31  }
0x15e: {  	[hbm:s7], [sflag:s18] =	dma.local [hbm:s0], $0x10  }
0x15f: {  	(v2sf) =	vpush v0, $0x2;
	_ =	sdelay $0xe  }
0x160: {  	s0 =	spop (v2sf)  }
0x161: {  	s0 =	sand.u32 $0x1FFFFFF0, s0  }
0x162: {  	s7 =	sadd.s32 $0x1020, s30;
	s4 =	sadd.s32 s3, s0  }
0x163: {  	[hbm:s7], [sflag:s18] =	dma.local [hbm:s4], $0x10  }
0x164: {  	s0 =	sadd.s32 s6, s0;
	s7 =	sadd.s32 $0x1020, s31  }
0x165: {  	[hbm:s7], [sflag:s18] =	dma.local [hbm:s0], $0x10  }
0x166: {  	(v2sf) =	vpush v0, $0x3;
	_ =	sdelay $0xe  }
0x167: {  	s0 =	spop (v2sf)  }
0x168: {  	s0 =	sand.u32 $0x1FFFFFF0, s0  }
0x169: {  	s7 =	sadd.s32 $0x1030, s30;
	s4 =	sadd.s32 s3, s0  }
0x16a: {  	[hbm:s7], [sflag:s18] =	dma.local [hbm:s4], $0x10  }
0x16b: {  	s0 =	sadd.s32 s6, s0;
	s7 =	sadd.s32 $0x1030, s31  }
0x16c: {  	[hbm:s7], [sflag:s18] =	dma.local [hbm:s0], $0x10  }
0x16d: {  	(v2sf) =	vpush v0, $0x4;
	_ =	sdelay $0xe  }
0x16e: {  	s0 =	spop (v2sf)  }
0x16f: {  	s0 =	sand.u32 $0x1FFFFFF0, s0  }
0x170: {  	s7 =	sadd.s32 $0x1040, s30;
	s4 =	sadd.s32 s3, s0  }
0x171: {  	[hbm:s7], [sflag:s18] =	dma.local [hbm:s4], $0x10  }
0x172: {  	s0 =	sadd.s32 s6, s0;
	s7 =	sadd.s32 $0x1040, s31  }
0x173: {  	[hbm:s7], [sflag:s18] =	dma.local [hbm:s0], $0x10  }
0x174: {  	(v2sf) =	vpush v0, $0x5;
	_ =	sdelay $0xe  }
0x175: {  	s0 =	spop (v2sf)  }
0x176: {  	s0 =	sand.u32 $0x1FFFFFF0, s0  }
0x177: {  	s7 =	sadd.s32 $0x1050, s30;
	s4 =	sadd.s32 s3, s0  }
0x178: {  	[hbm:s7], [sflag:s18] =	dma.local [hbm:s4], $0x10  }
0x179: {  	s0 =	sadd.s32 s6, s0;
	s7 =	sadd.s32 $0x1050, s31  }
0x17a: {  	[hbm:s7], [sflag:s18] =	dma.local [hbm:s0], $0x10  }
0x17b: {  	(v2sf) =	vpush v0, $0x6;
	_ =	sdelay $0xe  }
0x17c: {  	s0 =	spop (v2sf)  }
0x17d: {  	s0 =	sand.u32 $0x1FFFFFF0, s0  }
0x17e: {  	s7 =	sadd.s32 $0x1060, s30;
	s4 =	sadd.s32 s3, s0  }
0x17f: {  	[hbm:s7], [sflag:s18] =	dma.local [hbm:s4], $0x10  }
0x180: {  	s0 =	sadd.s32 s6, s0;
	s7 =	sadd.s32 $0x1060, s31  }
0x181: {  	[hbm:s7], [sflag:s18] =	dma.local [hbm:s0], $0x10  }
0x182: {  	(v2sf) =	vpush v0, $0x7;
	_ =	sdelay $0xe  }
0x183: {  	s0 =	spop (v2sf)  }
0x184: {  	s0 =	sand.u32 $0x1FFFFFF0, s0  }
0x185: {  	s7 =	sadd.s32 $0x1070, s30;
	s4 =	sadd.s32 s3, s0  }
0x186: {  	[hbm:s7], [sflag:s18] =	dma.local [hbm:s4], $0x10  }
0x187: {  	s0 =	sadd.s32 s6, s0;
	s7 =	sadd.s32 $0x1070, s31  }
0x188: {  	[hbm:s7], [sflag:s18] =	dma.local [hbm:s0], $0x10  }
0x189: {  	(v2sf) =	vpush v0, $0x8;
	_ =	sdelay $0xe  }
0x18a: {  	s0 =	spop (v2sf)  }
0x18b: {  	s0 =	sand.u32 $0x1FFFFFF0, s0  }
0x18c: {  	s7 =	sadd.s32 $0x1080, s30;
	s4 =	sadd.s32 s3, s0  }
0x18d: {  	[hbm:s7], [sflag:s18] =	dma.local [hbm:s4], $0x10  }
0x18e: {  	s0 =	sadd.s32 s6, s0;
	s7 =	sadd.s32 $0x1080, s31  }
0x18f: {  	[hbm:s7], [sflag:s18] =	dma.local [hbm:s0], $0x10  }
0x190: {  	(v2sf) =	vpush v0, $0x9;
	_ =	sdelay $0xe  }
0x191: {  	s0 =	spop (v2sf)  }
0x192: {  	s0 =	sand.u32 $0x1FFFFFF0, s0  }
0x193: {  	s7 =	sadd.s32 $0x1090, s30;
	s4 =	sadd.s32 s3, s0  }
0x194: {  	[hbm:s7], [sflag:s18] =	dma.local [hbm:s4], $0x10  }
0x195: {  	s0 =	sadd.s32 s6, s0;
	s7 =	sadd.s32 $0x1090, s31  }
0x196: {  	[hbm:s7], [sflag:s18] =	dma.local [hbm:s0], $0x10  }
0x197: {  	(v2sf) =	vpush v0, $0xA;
	_ =	sdelay $0xe  }
0x198: {  	s0 =	spop (v2sf)  }
0x199: {  	s0 =	sand.u32 $0x1FFFFFF0, s0  }
0x19a: {  	s7 =	sadd.s32 $0x10A0, s30;
	s4 =	sadd.s32 s3, s0  }
0x19b: {  	[hbm:s7], [sflag:s18] =	dma.local [hbm:s4], $0x10  }
0x19c: {  	s0 =	sadd.s32 s6, s0;
	s7 =	sadd.s32 $0x10A0, s31  }
0x19d: {  	[hbm:s7], [sflag:s18] =	dma.local [hbm:s0], $0x10  }
0x19e: {  	(v2sf) =	vpush v0, $0xB;
	_ =	sdelay $0xe  }
0x19f: {  	s0 =	spop (v2sf)  }
0x1a0: {  	s0 =	sand.u32 $0x1FFFFFF0, s0  }
0x1a1: {  	s7 =	sadd.s32 $0x10B0, s30;
	s4 =	sadd.s32 s3, s0  }
0x1a2: {  	[hbm:s7], [sflag:s18] =	dma.local [hbm:s4], $0x10  }
0x1a3: {  	s0 =	sadd.s32 s6, s0;
	s7 =	sadd.s32 $0x10B0, s31  }
0x1a4: {  	[hbm:s7], [sflag:s18] =	dma.local [hbm:s0], $0x10  }
0x1a5: {  	(v2sf) =	vpush v0, $0xC;
	_ =	sdelay $0xe  }
0x1a6: {  	s0 =	spop (v2sf)  }
0x1a7: {  	s0 =	sand.u32 $0x1FFFFFF0, s0  }
0x1a8: {  	s7 =	sadd.s32 $0x10C0, s30;
	s4 =	sadd.s32 s3, s0  }
0x1a9: {  	[hbm:s7], [sflag:s18] =	dma.local [hbm:s4], $0x10  }
0x1aa: {  	s0 =	sadd.s32 s6, s0;
	s7 =	sadd.s32 $0x10C0, s31  }
0x1ab: {  	[hbm:s7], [sflag:s18] =	dma.local [hbm:s0], $0x10  }
0x1ac: {  	(v2sf) =	vpush v0, $0xD;
	_ =	sdelay $0xe  }
0x1ad: {  	s0 =	spop (v2sf)  }
0x1ae: {  	s0 =	sand.u32 $0x1FFFFFF0, s0  }
0x1af: {  	s7 =	sadd.s32 $0x10D0, s30;
	s4 =	sadd.s32 s3, s0  }
0x1b0: {  	[hbm:s7], [sflag:s18] =	dma.local [hbm:s4], $0x10  }
0x1b1: {  	s0 =	sadd.s32 s6, s0;
	s7 =	sadd.s32 $0x10D0, s31  }
0x1b2: {  	[hbm:s7], [sflag:s18] =	dma.local [hbm:s0], $0x10  }
0x1b3: {  	(v2sf) =	vpush v0, $0xE;
	_ =	sdelay $0xe  }
0x1b4: {  	s0 =	spop (v2sf)  }
0x1b5: {  	s0 =	sand.u32 $0x1FFFFFF0, s0  }
0x1b6: {  	s7 =	sadd.s32 $0x10E0, s30;
	s4 =	sadd.s32 s3, s0  }
0x1b7: {  	[hbm:s7], [sflag:s18] =	dma.local [hbm:s4], $0x10  }
0x1b8: {  	s0 =	sadd.s32 s6, s0;
	s7 =	sadd.s32 $0x10E0, s31  }
0x1b9: {  	[hbm:s7], [sflag:s18] =	dma.local [hbm:s0], $0x10  }
0x1ba: {  	(v2sf) =	vpush v0, $0xF;
	_ =	sdelay $0xe  }
0x1bb: {  	s0 =	spop (v2sf)  }
0x1bc: {  	s30 =	sadd.s32 $0x10F0, s30;
	s0 =	sand.u32 $0x1FFFFFF0, s0  }
0x1bd: {  	s31 =	sadd.s32 $0x10F0, s31;
	s7 =	sadd.s32 s3, s0;
	s0 =	sadd.s32 s6, s0  }
0x1be: {  	[hbm:s30], [sflag:s18] =	dma.local [hbm:s7], $0x10  }
0x1bf: {  	[hbm:s31], [sflag:s18] =	dma.local [hbm:s0], $0x10  }
0x1c0: {  	v63 =	vld [tilespmem:s25+$0x0];
	_ =	sdelay $0x4  }
0x1c1: {  	v0 =	vshll.u32 v63, $0x4  }
0x1c2: {  	(v2sf) =	vpush v0, $0x0;
	_ =	sdelay $0x3  }
0x1c3: {  	(v2sf) =	vpush v0, $0x1;
	_ =	sdelay $0x4  }
0x1c4: {  	(v2sf) =	vpush v0, $0x2;
	_ =	sdelay $0x5  }
0x1c5: {  	s0 =	spop (v2sf)  }
0x1c6: {  	s30 =	sshra.s32 s24, $0x2;
	(v2sf) =	vpush v0, $0x3;
	s0 =	sand.u32 $0x1FFFFFF0, s0  }
0x1c7: {  	s7 =	sadd.s32 $0x400, s30;
	s31 =	sadd.s32 s2, s0  }
0x1c8: {  	[tilespmem:s7], [sflag:$0x1] =	stream.linear.gather [hbm4b:s31+s1], $0x80, $0x38;
	[tilespmem:$0x10400] =	vst v63  }
0x1c9: {  	s4 =	spop (v2sf);
	s0 =	sadd.s32 s5, s0;
	s31 =	sadd.s32 $0x8400, s30  }
0x1ca: {  	(v2sf) =	vpush v0, $0x4;
	[tilespmem:s31], [sflag:$0x1] =	stream.linear.gather [hbm4b:s0+s1], $0x80, $0x38;
	[tilespmem:$0x10400] =	vst v63  }
0x1cb: {  	s0 =	sand.u32 $0x1FFFFFF0, s4  }
0x1cc: {  	s7 =	sadd.s32 $0x480, s30;
	s31 =	sadd.s32 s2, s0  }
0x1cd: {  	[tilespmem:s7], [sflag:$0x1] =	stream.linear.gather [hbm4b:s31+s1], $0x80, $0x38;
	[tilespmem:$0x10400] =	vst v63  }
0x1ce: {  	s4 =	spop (v2sf);
	s0 =	sadd.s32 s5, s0;
	s31 =	sadd.s32 $0x8480, s30  }
0x1cf: {  	(v2sf) =	vpush v0, $0x5;
	[tilespmem:s31], [sflag:$0x1] =	stream.linear.gather [hbm4b:s0+s1], $0x80, $0x38;
	[tilespmem:$0x10400] =	vst v63  }
0x1d0: {  	s0 =	sand.u32 $0x1FFFFFF0, s4  }
0x1d1: {  	s7 =	sadd.s32 $0x500, s30;
	s31 =	sadd.s32 s2, s0  }
0x1d2: {  	[tilespmem:s7], [sflag:$0x1] =	stream.linear.gather [hbm4b:s31+s1], $0x80, $0x38;
	[tilespmem:$0x10400] =	vst v63  }
0x1d3: {  	s0 =	sadd.s32 s5, s0;
	s31 =	sadd.s32 $0x8500, s30  }
0x1d4: {  	[tilespmem:s31], [sflag:$0x1] =	stream.linear.gather [hbm4b:s0+s1], $0x80, $0x38;
	[tilespmem:$0x10400] =	vst v63  }
0x1d5: {  	s4 =	spop (v2sf)  }
0x1d6: {  	(v2sf) =	vpush v0, $0x6;
	s0 =	sand.u32 $0x1FFFFFF0, s4  }
0x1d7: {  	s7 =	sadd.s32 $0x580, s30;
	s31 =	sadd.s32 s2, s0  }
0x1d8: {  	[tilespmem:s7], [sflag:$0x1] =	stream.linear.gather [hbm4b:s31+s1], $0x80, $0x38;
	[tilespmem:$0x10400] =	vst v63  }
0x1d9: {  	s4 =	spop (v2sf);
	s0 =	sadd.s32 s5, s0;
	s31 =	sadd.s32 $0x8580, s30  }
0x1da: {  	(v2sf) =	vpush v0, $0x7;
	[tilespmem:s31], [sflag:$0x1] =	stream.linear.gather [hbm4b:s0+s1], $0x80, $0x38;
	[tilespmem:$0x10400] =	vst v63  }
0x1db: {  	s0 =	sand.u32 $0x1FFFFFF0, s4  }
0x1dc: {  	s7 =	sadd.s32 $0x600, s30;
	s31 =	sadd.s32 s2, s0  }
0x1dd: {  	[tilespmem:s7], [sflag:$0x1] =	stream.linear.gather [hbm4b:s31+s1], $0x80, $0x38;
	[tilespmem:$0x10400] =	vst v63  }
0x1de: {  	s4 =	spop (v2sf);
	s0 =	sadd.s32 s5, s0;
	s31 =	sadd.s32 $0x8600, s30  }
0x1df: {  	(v2sf) =	vpush v0, $0x8;
	[tilespmem:s31], [sflag:$0x1] =	stream.linear.gather [hbm4b:s0+s1], $0x80, $0x38;
	[tilespmem:$0x10400] =	vst v63  }
0x1e0: {  	s0 =	sand.u32 $0x1FFFFFF0, s4  }
0x1e1: {  	s7 =	sadd.s32 $0x680, s30;
	s31 =	sadd.s32 s2, s0  }
0x1e2: {  	[tilespmem:s7], [sflag:$0x1] =	stream.linear.gather [hbm4b:s31+s1], $0x80, $0x38;
	[tilespmem:$0x10400] =	vst v63  }
0x1e3: {  	s0 =	sadd.s32 s5, s0;
	s31 =	sadd.s32 $0x8680, s30  }
0x1e4: {  	[tilespmem:s31], [sflag:$0x1] =	stream.linear.gather [hbm4b:s0+s1], $0x80, $0x38;
	[tilespmem:$0x10400] =	vst v63  }
0x1e5: {  	s4 =	spop (v2sf)  }
0x1e6: {  	(v2sf) =	vpush v0, $0x9;
	s0 =	sand.u32 $0x1FFFFFF0, s4  }
0x1e7: {  	s7 =	sadd.s32 $0x700, s30;
	s31 =	sadd.s32 s2, s0  }
0x1e8: {  	[tilespmem:s7], [sflag:$0x1] =	stream.linear.gather [hbm4b:s31+s1], $0x80, $0x38;
	[tilespmem:$0x10400] =	vst v63  }
0x1e9: {  	s4 =	spop (v2sf);
	s0 =	sadd.s32 s5, s0;
	s31 =	sadd.s32 $0x8700, s30  }
0x1ea: {  	(v2sf) =	vpush v0, $0xA;
	[tilespmem:s31], [sflag:$0x1] =	stream.linear.gather [hbm4b:s0+s1], $0x80, $0x38;
	[tilespmem:$0x10400] =	vst v63  }
0x1eb: {  	s0 =	sand.u32 $0x1FFFFFF0, s4  }
0x1ec: {  	s7 =	sadd.s32 $0x780, s30;
	s31 =	sadd.s32 s2, s0  }
0x1ed: {  	[tilespmem:s7], [sflag:$0x1] =	stream.linear.gather [hbm4b:s31+s1], $0x80, $0x38;
	[tilespmem:$0x10400] =	vst v63  }
0x1ee: {  	s4 =	spop (v2sf);
	s0 =	sadd.s32 s5, s0;
	s31 =	sadd.s32 $0x8780, s30  }
0x1ef: {  	(v2sf) =	vpush v0, $0xB;
	[tilespmem:s31], [sflag:$0x1] =	stream.linear.gather [hbm4b:s0+s1], $0x80, $0x38;
	[tilespmem:$0x10400] =	vst v63  }
0x1f0: {  	s0 =	sand.u32 $0x1FFFFFF0, s4  }
0x1f1: {  	s7 =	sadd.s32 $0x800, s30;
	s31 =	sadd.s32 s2, s0  }
0x1f2: {  	[tilespmem:s7], [sflag:$0x1] =	stream.linear.gather [hbm4b:s31+s1], $0x80, $0x38;
	[tilespmem:$0x10400] =	vst v63  }
0x1f3: {  	s0 =	sadd.s32 s5, s0;
	s31 =	sadd.s32 $0x8800, s30  }
0x1f4: {  	[tilespmem:s31], [sflag:$0x1] =	stream.linear.gather [hbm4b:s0+s1], $0x80, $0x38;
	[tilespmem:$0x10400] =	vst v63  }
0x1f5: {  	s4 =	spop (v2sf)  }
0x1f6: {  	(v2sf) =	vpush v0, $0xC;
	s0 =	sand.u32 $0x1FFFFFF0, s4  }
0x1f7: {  	s7 =	sadd.s32 $0x880, s30;
	s31 =	sadd.s32 s2, s0  }
0x1f8: {  	[tilespmem:s7], [sflag:$0x1] =	stream.linear.gather [hbm4b:s31+s1], $0x80, $0x38;
	[tilespmem:$0x10400] =	vst v63  }
0x1f9: {  	s4 =	spop (v2sf);
	s0 =	sadd.s32 s5, s0;
	s31 =	sadd.s32 $0x8880, s30  }
0x1fa: {  	(v2sf) =	vpush v0, $0xD;
	[tilespmem:s31], [sflag:$0x1] =	stream.linear.gather [hbm4b:s0+s1], $0x80, $0x38;
	[tilespmem:$0x10400] =	vst v63  }
0x1fb: {  	s0 =	sand.u32 $0x1FFFFFF0, s4  }
0x1fc: {  	s7 =	sadd.s32 $0x900, s30;
	s31 =	sadd.s32 s2, s0  }
0x1fd: {  	[tilespmem:s7], [sflag:$0x1] =	stream.linear.gather [hbm4b:s31+s1], $0x80, $0x38;
	[tilespmem:$0x10400] =	vst v63  }
0x1fe: {  	s4 =	spop (v2sf);
	s0 =	sadd.s32 s5, s0;
	s31 =	sadd.s32 $0x8900, s30  }
0x1ff: {  	(v2sf) =	vpush v0, $0xE;
	[tilespmem:s31], [sflag:$0x1] =	stream.linear.gather [hbm4b:s0+s1], $0x80, $0x38;
	[tilespmem:$0x10400] =	vst v63  }
0x200: {  	s0 =	sand.u32 $0x1FFFFFF0, s4  }
0x201: {  	s7 =	sadd.s32 $0x980, s30;
	s31 =	sadd.s32 s2, s0  }
0x202: {  	[tilespmem:s7], [sflag:$0x1] =	stream.linear.gather [hbm4b:s31+s1], $0x80, $0x38;
	[tilespmem:$0x10400] =	vst v63  }
0x203: {  	s0 =	sadd.s32 s5, s0;
	s31 =	sadd.s32 $0x8980, s30  }
0x204: {  	[tilespmem:s31], [sflag:$0x1] =	stream.linear.gather [hbm4b:s0+s1], $0x80, $0x38;
	[tilespmem:$0x10400] =	vst v63  }
0x205: {  	s4 =	spop (v2sf)  }
0x206: {  	(v2sf) =	vpush v0, $0xF;
	s0 =	sand.u32 $0x1FFFFFF0, s4  }
0x207: {  	s7 =	sadd.s32 $0xA00, s30;
	s31 =	sadd.s32 s2, s0  }
0x208: {  	[tilespmem:s7], [sflag:$0x1] =	stream.linear.gather [hbm4b:s31+s1], $0x80, $0x38;
	[tilespmem:$0x10400] =	vst v63  }
0x209: {  	s4 =	spop (v2sf);
	s0 =	sadd.s32 s5, s0;
	s31 =	sadd.s32 $0x8A00, s30  }
0x20a: {  	[tilespmem:s31], [sflag:$0x1] =	stream.linear.gather [hbm4b:s0+s1], $0x80, $0x38;
	[tilespmem:$0x10400] =	vst v63  }
0x20b: {  	s0 =	sand.u32 $0x1FFFFFF0, s4  }
0x20c: {  	s7 =	sadd.s32 $0xA80, s30;
	s31 =	sadd.s32 s2, s0  }
0x20d: {  	[tilespmem:s7], [sflag:$0x1] =	stream.linear.gather [hbm4b:s31+s1], $0x80, $0x38;
	[tilespmem:$0x10400] =	vst v63  }
0x20e: {  	s4 =	spop (v2sf);
	s0 =	sadd.s32 s5, s0;
	s31 =	sadd.s32 $0x8A80, s30  }
0x20f: {  	[tilespmem:s31], [sflag:$0x1] =	stream.linear.gather [hbm4b:s0+s1], $0x80, $0x38;
	[tilespmem:$0x10400] =	vst v63  }
0x210: {  	s0 =	sand.u32 $0x1FFFFFF0, s4  }
0x211: {  	s7 =	sadd.s32 $0xB00, s30;
	s31 =	sadd.s32 s2, s0  }
0x212: {  	[tilespmem:s7], [sflag:$0x1] =	stream.linear.gather [hbm4b:s31+s1], $0x80, $0x38;
	[tilespmem:$0x10400] =	vst v63  }
0x213: {  	s0 =	sadd.s32 s5, s0;
	s31 =	sadd.s32 $0x8B00, s30  }
0x214: {  	[tilespmem:s31], [sflag:$0x1] =	stream.linear.gather [hbm4b:s0+s1], $0x80, $0x38;
	[tilespmem:$0x10400] =	vst v63  }
0x215: {  	s4 =	spop (v2sf)  }
0x216: {  	s0 =	sand.u32 $0x1FFFFFF0, s4  }
0x217: {  	s7 =	sadd.s32 $0xB80, s30;
	s31 =	sadd.s32 s2, s0  }
0x218: {  	[tilespmem:s7], [sflag:$0x1] =	stream.linear.gather [hbm4b:s31+s1], $0x80, $0x38;
	[tilespmem:$0x10400] =	vst v63  }
0x219: {  	s0 =	sadd.s32 s5, s0;
	s31 =	sadd.s32 $0x8B80, s30  }
0x21a: {  	[tilespmem:s31], [sflag:$0x1] =	stream.linear.gather [hbm4b:s0+s1], $0x80, $0x38;
	[tilespmem:$0x10400] =	vst v63  }
0x21b: {  	_ =	swait.ge [sflag:s19], $0x80  }
0x21c: {  	[sflag:s19] =	ssyncset.done $0x0  }
0x21d: {  	[sflag:s19] =	ssyncadd.s32 $0xFFFFFF80  }
0x21e: {  	_ =	swait.ge [sflag:s19], $0x80  }
0x21f: {  	[sflag:s19] =	ssyncset.done $0x0  }
0x220: {  	[sflag:s19] =	ssyncadd.s32 $0xFFFFFF80  }
0x221: {  	_ =	swait.ge [sflag:s19], $0x80  }
0x222: {  	[sflag:s19] =	ssyncset.done $0x0  }
0x223: {  	[sflag:s19] =	ssyncadd.s32 $0xFFFFFF80  }
0x224: {  	_ =	swait.ge [sflag:s19], $0x80  }
0x225: {  	[sflag:s19] =	ssyncset.done $0x0  }
0x226: {  	[sflag:s19] =	ssyncadd.s32 $0xFFFFFF80  }
0x227: {  	_ =	swait.ge [sflag:s19], $0x80  }
0x228: {  	[sflag:s19] =	ssyncset.done $0x0  }
0x229: {  	[sflag:s19] =	ssyncadd.s32 $0xFFFFFF80  }
0x22a: {  	_ =	swait.ge [sflag:s19], $0x80  }
0x22b: {  	[sflag:s19] =	ssyncset.done $0x0  }
0x22c: {  	[sflag:s19] =	ssyncadd.s32 $0xFFFFFF80  }
0x22d: {  	_ =	swait.ge [sflag:s19], $0x80  }
0x22e: {  	[sflag:s19] =	ssyncset.done $0x0  }
0x22f: {  	[sflag:s19] =	ssyncadd.s32 $0xFFFFFF80  }
0x230: {  	_ =	swait.ge [sflag:s19], $0x80  }
0x231: {  	[sflag:s19] =	ssyncset.done $0x0  }
0x232: {  	[sflag:s19] =	ssyncadd.s32 $0xFFFFFF80  }
0x233: {  	_ =	swait.ge [sflag:s19], $0x80  }
0x234: {  	[sflag:s19] =	ssyncset.done $0x0  }
0x235: {  	[sflag:s19] =	ssyncadd.s32 $0xFFFFFF80  }
0x236: {  	_ =	swait.ge [sflag:s19], $0x80  }
0x237: {  	[sflag:s19] =	ssyncset.done $0x0  }
0x238: {  	[sflag:s19] =	ssyncadd.s32 $0xFFFFFF80  }
0x239: {  	_ =	swait.ge [sflag:s19], $0x80  }
0x23a: {  	[sflag:s19] =	ssyncset.done $0x0  }
0x23b: {  	[sflag:s19] =	ssyncadd.s32 $0xFFFFFF80  }
0x23c: {  	_ =	swait.ge [sflag:s19], $0x80  }
0x23d: {  	[sflag:s19] =	ssyncset.done $0x0  }
0x23e: {  	[sflag:s19] =	ssyncadd.s32 $0xFFFFFF80  }
0x23f: {  	_ =	swait.ge [sflag:s19], $0x80  }
0x240: {  	[sflag:s19] =	ssyncset.done $0x0  }
0x241: {  	[sflag:s19] =	ssyncadd.s32 $0xFFFFFF80  }
0x242: {  	_ =	swait.ge [sflag:s19], $0x80  }
0x243: {  	[sflag:s19] =	ssyncset.done $0x0  }
0x244: {  	[sflag:s19] =	ssyncadd.s32 $0xFFFFFF80  }
0x245: {  	_ =	swait.ge [sflag:s19], $0x80  }
0x246: {  	[sflag:s19] =	ssyncset.done $0x0  }
0x247: {  	[sflag:s19] =	ssyncadd.s32 $0xFFFFFF80  }
0x248: {  	_ =	swait.ge [sflag:s19], $0x80  }
0x249: {  	[sflag:s19] =	ssyncset.done $0x0  }
0x24a: {  	[sflag:s19] =	ssyncadd.s32 $0xFFFFFF80  }
0x24b: {  	_ =	swait.ge [sflag:s19], $0x80  }
0x24c: {  	[sflag:s19] =	ssyncset.done $0x0  }
0x24d: {  	[sflag:s19] =	ssyncadd.s32 $0xFFFFFF80  }
0x24e: {  	_ =	swait.ge [sflag:s19], $0x80  }
0x24f: {  	[sflag:s19] =	ssyncset.done $0x0  }
0x250: {  	[sflag:s19] =	ssyncadd.s32 $0xFFFFFF80  }
0x251: {  	_ =	swait.ge [sflag:s19], $0x80  }
0x252: {  	[sflag:s19] =	ssyncset.done $0x0  }
0x253: {  	[sflag:s19] =	ssyncadd.s32 $0xFFFFFF80  }
0x254: {  	_ =	swait.ge [sflag:s19], $0x80  }
0x255: {  	[sflag:s19] =	ssyncset.done $0x0  }
0x256: {  	[sflag:s19] =	ssyncadd.s32 $0xFFFFFF80  }
0x257: {  	_ =	swait.ge [sflag:s19], $0x80  }
0x258: {  	[sflag:s19] =	ssyncset.done $0x0  }
0x259: {  	[sflag:s19] =	ssyncadd.s32 $0xFFFFFF80  }
0x25a: {  	_ =	swait.ge [sflag:s19], $0x80  }
0x25b: {  	[sflag:s19] =	ssyncset.done $0x0  }
0x25c: {  	[sflag:s19] =	ssyncadd.s32 $0xFFFFFF80  }
0x25d: {  	_ =	swait.ge [sflag:s19], $0x80  }
0x25e: {  	[sflag:s19] =	ssyncset.done $0x0  }
0x25f: {  	[sflag:s19] =	ssyncadd.s32 $0xFFFFFF80  }
0x260: {  	_ =	swait.ge [sflag:s19], $0x80  }
0x261: {  	[sflag:s19] =	ssyncset.done $0x0  }
0x262: {  	[sflag:s19] =	ssyncadd.s32 $0xFFFFFF80  }
0x263: {  	_ =	swait.ge [sflag:s19], $0x80  }
0x264: {  	[sflag:s19] =	ssyncset.done $0x0  }
0x265: {  	[sflag:s19] =	ssyncadd.s32 $0xFFFFFF80  }
0x266: {  	_ =	swait.ge [sflag:s19], $0x80  }
0x267: {  	[sflag:s19] =	ssyncset.done $0x0  }
0x268: {  	[sflag:s19] =	ssyncadd.s32 $0xFFFFFF80  }
0x269: {  	_ =	swait.ge [sflag:s19], $0x80  }
0x26a: {  	[sflag:s19] =	ssyncset.done $0x0  }
0x26b: {  	[sflag:s19] =	ssyncadd.s32 $0xFFFFFF80  }
0x26c: {  	_ =	swait.ge [sflag:s19], $0x80  }
0x26d: {  	[sflag:s19] =	ssyncset.done $0x0  }
0x26e: {  	[sflag:s19] =	ssyncadd.s32 $0xFFFFFF80  }
0x26f: {  	_ =	swait.ge [sflag:s19], $0x80  }
0x270: {  	[sflag:s19] =	ssyncset.done $0x0  }
0x271: {  	[sflag:s19] =	ssyncadd.s32 $0xFFFFFF80  }
0x272: {  	_ =	swait.ge [sflag:s19], $0x80  }
0x273: {  	[sflag:s19] =	ssyncset.done $0x0  }
0x274: {  	[sflag:s19] =	ssyncadd.s32 $0xFFFFFF80  }
0x275: {  	p0 =	sne.s32 s24, $0x1E000;
	_ =	swait.ge [sflag:s19], $0x80  }
.Ltmp1:
0x276: {  	[sflag:s19] =	ssyncset.done $0x0;
	(pc) =	sbr.rel @p0 .LBB2_4-.Ltmp1, $4  }
0x277: {  	[sflag:s19] =	ssyncadd.s32 $0xFFFFFF80  }
0x278: {  	s29 =	sadd.s32 $0x100, s29;
	_ =	swait.ge [sflag:s19], $0x80  }
0x279: {  	s28 =	sadd.s32 $0x100, s28;
	s26 =	sadd.s32 $0x10, s26;
	[sflag:s19] =	ssyncset.done $0x0  }
0x27a: {  	s24 =	sadd.s32 $0x2000, s24;
	s25 =	sadd.s32 $0x10, s25;
	[sflag:s19] =	ssyncadd.s32 $0xFFFFFF80  }
0x27b: {  	[hbm4b:s11+s1] =	stream.linear.scatter [tilespmem:s20], [sflag:$0x3], $0x8000, $0x38;
	[tilespmem:$0x10400] =	vst v63  }
0x27c: {  	_ =	swait.ge [sflag:s17], $0x8000  }
0x27d: {  	[sflag:s17] =	ssyncset.done $0x0  }
0x27e: {  	[sflag:s17] =	ssyncadd.s32 $0xFFFF8000  }
0x27f: {  	[hbm4b:s12+s1] =	stream.linear.scatter [tilespmem:s21], [sflag:$0x3], $0x8000, $0x38;
	[tilespmem:$0x10400] =	vst v63  }
0x280: {  	_ =	swait.ge [sflag:s17], $0x8000  }
0x281: {  	[sflag:s17] =	ssyncset.done $0x0  }
0x282: {  	s23 =	sadd.s32 $0x1, s23;
	[sflag:s17] =	ssyncadd.s32 $0xFFFF8000  }
0x283: {  	p0 =	sne.s32 s23, s13;
	_ =	swait.ge [sflag:s22], $0x2000  }
.Ltmp2:
0x284: {  	[sflag:s22] =	ssyncset.done $0x0;
	(pc) =	sbr.rel @p0 .LBB2_1-.Ltmp2, $4  }
0x285: {  	[sflag:s22] =	ssyncadd.s32 $0xFFFFE000  }
0x286: {  	_ =	swait.ge [sflag:s22], $0x2000  }
0x287: {  	[sflag:s22] =	ssyncset.done $0x0  }
0x288: {  	[sflag:s22] =	ssyncadd.s32 $0xFFFFE000  }
0x289: {  	_ =	sfence.sel $0x180000  }
0x28a: {  	[bflag:$0x0] =	sbarrier.arrive $0xFFFF  }
0x28b: {  	_ =	strace $0x90000047  }
0x28c: {  	s0 =	stileid.u32;
	[bflag:$0x2] =	sbarrier.arrive $0xFFFF  }
0x28d: {  	p0 =	sne.s32 s0, $0x0;
	s0 =	rddreg [dreg:$0x3]  }
0x28e: {  	s0 =	sadd.s32 @!p0 $0x100000, s0  }
0x28f: {  	[sflag:s0] =	ssyncadd.tile.s32 @!p0 $0x1;
	_ =	shalt  }
.Lfunc_end2:
_tile_overlayer_lowered:
.L_overlay_start_2:
0x290: {  	(tag) =	ssettag $0x2  }
0x291: {  	s0 =	rddreg [dreg:$0x0];
	s2 =	stileid.u32  }
0x292: {  	s1 =	rddreg [dreg:$0x1];
	p0 =	sne.s32 s2, $0x0  }
0x293: {  	s3 =	rddreg [dreg:$0x2];
	[bflag:$0x3] =	sbarrier.arrive $0xFFFF;
	s2 =	simm.s32 @!p0 $0x1C03  }
0x294: {  	[timem:s3], [sflag:s2] =	dma.local @!p0 [hbm:s0], s1  }
0x295: {  	s0 =	simm.s32 @!p0 $0x3  }
0x296: {  	_ =	swait.ge @!p0 [sflag:s0], s1  }
0x297: {  	s1 =	ssub.s32 @!p0 $0x0, s1;
	[sflag:s0] =	ssyncset.done @!p0 $0x0  }
0x298: {  	[sflag:s0] =	ssyncadd.s32 @!p0 s1  }
0x299: {  	[bflag:$0x3] =	sbarrier.arrive $0xFFFF  }
0x29a: {  	_ =	shalt  }

</sc_bundles>
